<compile_context>
chip_gen: v7x
topology: tpu7x:2x2x1
jax: 0.10.2.dev20260603
libtpu: 0.0.44.dev20260713+nightly
codegen_flags: <defaults>
</compile_context>

<pallas_src>
import functools

import jax
import jax.numpy as jnp
from jax import lax
from jax.experimental import pallas as pl
from jax.experimental.pallas import tpu as pltpu
from jax.experimental.pallas import tpu_sc as plsc

NC = 2
NS = 16
NW = NC * NS
CH = 128


def _gather_kernel(B, V, D, n_chunks):
    mesh = plsc.VectorSubcoreMesh(core_axis_name="c", subcore_axis_name="s")
    NBUF = 4
    NSPLIT = 4
    SUB = CH // NSPLIT

    @functools.partial(
        pl.kernel,
        mesh=mesh,
        compiler_params=pltpu.CompilerParams(
            needs_layout_passes=False, use_tc_tiling_on_sc=False
        ),
        out_type=jax.ShapeDtypeStruct((B, 2 * D), jnp.float32),
        scratch_types=[
            pltpu.VMEM((n_chunks, CH), jnp.int32),
            pltpu.VMEM((NBUF, CH, D), jnp.float32),
            pltpu.VMEM((2, CH, 2 * D), jnp.float32),
            pltpu.SemaphoreType.DMA,
            pltpu.SemaphoreType.DMA,
        ],
    )
    def k(idx_hbm, tab_hbm, out_hbm, idx_v, buf, outb, gsem, osem):
        wid = lax.axis_index("s") * NC + lax.axis_index("c")
        base = wid * (n_chunks * CH)
        pltpu.sync_copy(idx_hbm.at[wid], idx_v)

        def start_chunk(j, slot):
            for t in range(NSPLIT):
                pltpu.async_copy(
                    tab_hbm.at[idx_v.at[j, pl.ds(t * SUB, SUB)]],
                    buf.at[slot, pl.ds(t * SUB, SUB)],
                    gsem,
                )

        def finish_chunk(j, slot, oslot):
            for t in range(NSPLIT):
                pltpu.make_async_copy(
                    tab_hbm.at[idx_v.at[j, pl.ds(t * SUB, SUB)]],
                    buf.at[slot, pl.ds(t * SUB, SUB)],
                    gsem,
                ).wait()

            def scale_row(r, _):
                for c in range(D // 16):
                    outb[oslot, r, pl.ds(c * 16, 16)] = (
                        buf[slot, r, pl.ds(c * 16, 16)] * 8.0
                    )
                return 0

            lax.fori_loop(0, CH, scale_row, 0, unroll=4)
            pltpu.async_copy(
                outb.at[oslot],
                out_hbm.at[pl.ds(base + j * CH, CH)],
                osem,
            )

        def drain_out(j, oslot):
            pltpu.make_async_copy(
                outb.at[oslot],
                out_hbm.at[pl.ds(base + j * CH, CH)],
                osem,
            ).wait()

        for u in range(NBUF - 1):
            start_chunk(u, u)

        def body(j, _):
            for u in range(NBUF):
                jj = j * NBUF + u
                oslot = lax.rem(jj, 2)

                @pl.when(jj + NBUF - 1 < n_chunks)
                def _(jj=jj, u=u):
                    start_chunk(jj + NBUF - 1, (u + NBUF - 1) % NBUF)

                @pl.when(jj >= 2)
                def _(jj=jj, oslot=oslot):
                    drain_out(jj - 2, oslot)

                finish_chunk(jj, u, oslot)
            return 0

        lax.fori_loop(0, n_chunks // NBUF, body, 0)
        drain_out(n_chunks - 2, lax.rem(n_chunks - 2, 2))
        drain_out(n_chunks - 1, lax.rem(n_chunks - 1, 2))

    return k


def kernel(x, table):
    S0, S1 = x.shape
    V, D = table.shape
    B = S0 * S1
    n_chunks = B // (NW * CH)
    xi = x.astype(jnp.int32)
    idx = xi.reshape(NW, n_chunks, CH)
    g = _gather_kernel(B, V, D, n_chunks)(idx, table)
    return g[:, :D].reshape(S0, S1, D)

# --- scband reference (transcript-rebuilt; emitter-appended) ---
"""Pipeline reference for scband-embedding-layer-9216999817267 (READ-ONLY COPY).

The authoritative reference and input builder live on the scoring server;
editing this copy changes nothing except your own understanding.
"""

import jax, jax.numpy as jnp
import numpy as np

VOCAB = 1000000
EMBED_DIM = 64
PAD_IDX = 0

def setup_inputs(seed: int = 0) -> dict:
    key = jax.random.key(seed)
    k1, k2 = jax.random.split(key)
    x = jax.random.randint(k1, (4096, 200), 0, VOCAB)
    table = jax.random.normal(k2, (VOCAB, EMBED_DIM), dtype=jnp.float32)
    # nn.Embedding with padding_idx=0 initializes that row to zeros
    table = table.at[PAD_IDX].set(0.0)
    return {"x": x, "table": table}

def reference(x, table):
    # embedding lookup (gather) followed by sqrt(d) scaling
    emb = jnp.take(table, x, axis=0)
    scale = jnp.sqrt(jnp.asarray(EMBED_DIM, dtype=jnp.float32))
    return emb * scale

if __name__ == "__main__":
    import jax
    _d = setup_inputs()
    print(jax.jit(kernel)(*tuple(_d.values())))

</pallas_src>

<mosaic_0001>
#map = affine_map<(d0, d1) -> (0, 0, 0)>
#map1 = affine_map<(d0, d1) -> (0, 0)>
module attributes {stable_mosaic.version = 14 : i64} {
  func.func @k(%arg0: i32, %arg1: i32, %arg2: memref<32x200x128xi32, #tpu.memory_space<hbm>>, %arg3: memref<1000000x64xf32, #tpu.memory_space<hbm>>, %arg4: memref<819200x128xf32, #tpu.memory_space<hbm>>, %arg5: memref<200x128xi32, #tpu.memory_space<vmem>>, %arg6: memref<4x128x64xf32, #tpu.memory_space<vmem>>, %arg7: memref<2x128x128xf32, #tpu.memory_space<vmem>>, %arg8: memref<!tpu.dma_semaphore, #tpu.memory_space<semaphore_mem>>, %arg9: memref<!tpu.dma_semaphore, #tpu.memory_space<semaphore_mem>>) attributes {dimension_semantics = [#tpu.dimension_semantics<core_parallel>, #tpu.dimension_semantics<subcore_parallel>], iteration_bounds = array<i64: 2, 16>, scalar_prefetch = 0 : i64, scratch_operands = 5 : i64, tpu.core_type = #tpu.core_type<sc_vector_subcore>, window_params = [{transform_indices = #map}, {transform_indices = #map1}, {transform_indices = #map1}]} {
    %mul3A = arith.constant 2 : i32
    %mul3A_0 = arith.muli %arg1, %mul3A : i32
    %add3A = arith.addi %mul3A_0, %arg0 : i32
    %mul3A_1 = arith.constant 25600 : i32
    %mul3A_2 = arith.muli %add3A, %mul3A_1 : i32
    "tpu.region"() ({
      %run_scoped3A = tpu.sem_alloc : memref<!tpu.dma_semaphore, #tpu.memory_space<semaphore_mem>>
      %dma_start3A_184 = arith.constant 0 : i32
      %dma_start3A_185 = arith.constant 0 : i32
      %dma_start3A_186 = tpu.memref_slice %arg2[%add3A, %dma_start3A_184, %dma_start3A_185] : memref<32x200x128xi32, #tpu.memory_space<hbm>> -> memref<1x200x128xi32, #tpu.memory_space<hbm>>
      %dma_start3A_187 = tpu.memref_squeeze %dma_start3A_186 : memref<1x200x128xi32, #tpu.memory_space<hbm>> -> memref<200x128xi32, #tpu.memory_space<hbm>>
      %dma_start3A_188 = arith.constant 0 : i32
      %dma_start3A_189 = arith.constant 0 : i32
      %dma_start3A_190 = tpu.memref_slice %arg2[%add3A, %dma_start3A_188, %dma_start3A_189] : memref<32x200x128xi32, #tpu.memory_space<hbm>> -> memref<1x200x128xi32, #tpu.memory_space<hbm>>
      %dma_start3A_191 = tpu.memref_squeeze %dma_start3A_190 : memref<1x200x128xi32, #tpu.memory_space<hbm>> -> memref<200x128xi32, #tpu.memory_space<hbm>>
      tpu.enqueue_dma source(%dma_start3A_191 : memref<200x128xi32, #tpu.memory_space<hbm>>) target(%arg5 : memref<200x128xi32, #tpu.memory_space<vmem>>) target_semaphore(%run_scoped3A : memref<!tpu.dma_semaphore, #tpu.memory_space<semaphore_mem>>)
      %dma_wait3A_192 = arith.constant 0 : i32
      %dma_wait3A_193 = arith.constant 0 : i32
      %dma_wait3A_194 = tpu.memref_slice %arg2[%add3A, %dma_wait3A_192, %dma_wait3A_193] : memref<32x200x128xi32, #tpu.memory_space<hbm>> -> memref<1x200x128xi32, #tpu.memory_space<hbm>>
      %dma_wait3A_195 = tpu.memref_squeeze %dma_wait3A_194 : memref<1x200x128xi32, #tpu.memory_space<hbm>> -> memref<200x128xi32, #tpu.memory_space<hbm>>
      %dma_wait3A_196 = arith.constant 0 : i32
      %dma_wait3A_197 = arith.constant 0 : i32
      %dma_wait3A_198 = tpu.memref_slice %arg2[%add3A, %dma_wait3A_196, %dma_wait3A_197] : memref<32x200x128xi32, #tpu.memory_space<hbm>> -> memref<1x200x128xi32, #tpu.memory_space<hbm>>
      %dma_wait3A_199 = tpu.memref_squeeze %dma_wait3A_198 : memref<1x200x128xi32, #tpu.memory_space<hbm>> -> memref<200x128xi32, #tpu.memory_space<hbm>>
      tpu.wait_dma2 semaphore(%run_scoped3A : memref<!tpu.dma_semaphore, #tpu.memory_space<semaphore_mem>>) src(%dma_wait3A_199 : memref<200x128xi32, #tpu.memory_space<hbm>>) dst(%arg5 : memref<200x128xi32, #tpu.memory_space<vmem>>)
      tpu.yield
    }) : () -> ()
    %dma_start3A = arith.constant 0 : i32
    %dma_start3A_3 = arith.constant 0 : i32
    %dma_start3A_4 = arith.constant 0 : i32
    %dma_start3A_5 = arith.constant 0 : i32
    %dma_start3A_6 = tpu.memref_slice %arg6[%dma_start3A_3, %dma_start3A_4, %dma_start3A_5] : memref<4x128x64xf32, #tpu.memory_space<vmem>> -> memref<1x32x64xf32, #tpu.memory_space<vmem>>
    %dma_start3A_7 = tpu.memref_squeeze %dma_start3A_6 : memref<1x32x64xf32, #tpu.memory_space<vmem>> -> memref<32x64xf32, #tpu.memory_space<vmem>>
    %dma_start3A_8 = arith.constant 0 : i32
    %dma_start3A_9 = tpu.memref_slice %arg5[%dma_start3A, %dma_start3A_8] : memref<200x128xi32, #tpu.memory_space<vmem>> -> memref<1x32xi32, #tpu.memory_space<vmem>>
    %dma_start3A_10 = tpu.memref_squeeze %dma_start3A_9 : memref<1x32xi32, #tpu.memory_space<vmem>> -> memref<32xi32, #tpu.memory_space<vmem>>
    %dma_start3A_11 = arith.constant 0 : i32
    %dma_start3A_12 = arith.constant 0 : i32
    %dma_start3A_13 = tpu.memref_slice %arg3[%dma_start3A_11, %dma_start3A_12] : memref<1000000x64xf32, #tpu.memory_space<hbm>> -> memref<1000000x64xf32, #tpu.memory_space<hbm>>
    tpu.enqueue_indirect_dma source(%dma_start3A_13 : memref<1000000x64xf32, #tpu.memory_space<hbm>>) target(%dma_start3A_7 : memref<32x64xf32, #tpu.memory_space<vmem>>) offsets(%dma_start3A_10 : memref<32xi32, #tpu.memory_space<vmem>>) semaphore(%arg8 : memref<!tpu.dma_semaphore, #tpu.memory_space<semaphore_mem>>)
    %dma_start3A_14 = arith.constant 0 : i32
    %dma_start3A_15 = arith.constant 0 : i32
    %dma_start3A_16 = arith.constant 32 : i32
    %dma_start3A_17 = arith.constant 0 : i32
    %dma_start3A_18 = tpu.memref_slice %arg6[%dma_start3A_15, %dma_start3A_16, %dma_start3A_17] : memref<4x128x64xf32, #tpu.memory_space<vmem>> -> memref<1x32x64xf32, #tpu.memory_space<vmem>>
    %dma_start3A_19 = tpu.memref_squeeze %dma_start3A_18 : memref<1x32x64xf32, #tpu.memory_space<vmem>> -> memref<32x64xf32, #tpu.memory_space<vmem>>
    %dma_start3A_20 = arith.constant 32 : i32
    %dma_start3A_21 = tpu.memref_slice %arg5[%dma_start3A_14, %dma_start3A_20] : memref<200x128xi32, #tpu.memory_space<vmem>> -> memref<1x32xi32, #tpu.memory_space<vmem>>
    %dma_start3A_22 = tpu.memref_squeeze %dma_start3A_21 : memref<1x32xi32, #tpu.memory_space<vmem>> -> memref<32xi32, #tpu.memory_space<vmem>>
    %dma_start3A_23 = arith.constant 0 : i32
    %dma_start3A_24 = arith.constant 0 : i32
    %dma_start3A_25 = tpu.memref_slice %arg3[%dma_start3A_23, %dma_start3A_24] : memref<1000000x64xf32, #tpu.memory_space<hbm>> -> memref<1000000x64xf32, #tpu.memory_space<hbm>>
    tpu.enqueue_indirect_dma source(%dma_start3A_25 : memref<1000000x64xf32, #tpu.memory_space<hbm>>) target(%dma_start3A_19 : memref<32x64xf32, #tpu.memory_space<vmem>>) offsets(%dma_start3A_22 : memref<32xi32, #tpu.memory_space<vmem>>) semaphore(%arg8 : memref<!tpu.dma_semaphore, #tpu.memory_space<semaphore_mem>>)
    %dma_start3A_26 = arith.constant 0 : i32
    %dma_start3A_27 = arith.constant 0 : i32
    %dma_start3A_28 = arith.constant 64 : i32
    %dma_start3A_29 = arith.constant 0 : i32
    %dma_start3A_30 = tpu.memref_slice %arg6[%dma_start3A_27, %dma_start3A_28, %dma_start3A_29] : memref<4x128x64xf32, #tpu.memory_space<vmem>> -> memref<1x32x64xf32, #tpu.memory_space<vmem>>
    %dma_start3A_31 = tpu.memref_squeeze %dma_start3A_30 : memref<1x32x64xf32, #tpu.memory_space<vmem>> -> memref<32x64xf32, #tpu.memory_space<vmem>>
    %dma_start3A_32 = arith.constant 64 : i32
    %dma_start3A_33 = tpu.memref_slice %arg5[%dma_start3A_26, %dma_start3A_32] : memref<200x128xi32, #tpu.memory_space<vmem>> -> memref<1x32xi32, #tpu.memory_space<vmem>>
    %dma_start3A_34 = tpu.memref_squeeze %dma_start3A_33 : memref<1x32xi32, #tpu.memory_space<vmem>> -> memref<32xi32, #tpu.memory_space<vmem>>
    %dma_start3A_35 = arith.constant 0 : i32
    %dma_start3A_36 = arith.constant 0 : i32
    %dma_start3A_37 = tpu.memref_slice %arg3[%dma_start3A_35, %dma_start3A_36] : memref<1000000x64xf32, #tpu.memory_space<hbm>> -> memref<1000000x64xf32, #tpu.memory_space<hbm>>
    tpu.enqueue_indirect_dma source(%dma_start3A_37 : memref<1000000x64xf32, #tpu.memory_space<hbm>>) target(%dma_start3A_31 : memref<32x64xf32, #tpu.memory_space<vmem>>) offsets(%dma_start3A_34 : memref<32xi32, #tpu.memory_space<vmem>>) semaphore(%arg8 : memref<!tpu.dma_semaphore, #tpu.memory_space<semaphore_mem>>)
    %dma_start3A_38 = arith.constant 0 : i32
    %dma_start3A_39 = arith.constant 0 : i32
    %dma_start3A_40 = arith.constant 96 : i32
    %dma_start3A_41 = arith.constant 0 : i32
    %dma_start3A_42 = tpu.memref_slice %arg6[%dma_start3A_39, %dma_start3A_40, %dma_start3A_41] : memref<4x128x64xf32, #tpu.memory_space<vmem>> -> memref<1x32x64xf32, #tpu.memory_space<vmem>>
    %dma_start3A_43 = tpu.memref_squeeze %dma_start3A_42 : memref<1x32x64xf32, #tpu.memory_space<vmem>> -> memref<32x64xf32, #tpu.memory_space<vmem>>
    %dma_start3A_44 = arith.constant 96 : i32
    %dma_start3A_45 = tpu.memref_slice %arg5[%dma_start3A_38, %dma_start3A_44] : memref<200x128xi32, #tpu.memory_space<vmem>> -> memref<1x32xi32, #tpu.memory_space<vmem>>
    %dma_start3A_46 = tpu.memref_squeeze %dma_start3A_45 : memref<1x32xi32, #tpu.memory_space<vmem>> -> memref<32xi32, #tpu.memory_space<vmem>>
    %dma_start3A_47 = arith.constant 0 : i32
    %dma_start3A_48 = arith.constant 0 : i32
    %dma_start3A_49 = tpu.memref_slice %arg3[%dma_start3A_47, %dma_start3A_48] : memref<1000000x64xf32, #tpu.memory_space<hbm>> -> memref<1000000x64xf32, #tpu.memory_space<hbm>>
    tpu.enqueue_indirect_dma source(%dma_start3A_49 : memref<1000000x64xf32, #tpu.memory_space<hbm>>) target(%dma_start3A_43 : memref<32x64xf32, #tpu.memory_space<vmem>>) offsets(%dma_start3A_46 : memref<32xi32, #tpu.memory_space<vmem>>) semaphore(%arg8 : memref<!tpu.dma_semaphore, #tpu.memory_space<semaphore_mem>>)
    %dma_start3A_50 = arith.constant 1 : i32
    %dma_start3A_51 = arith.constant 1 : i32
    %dma_start3A_52 = arith.constant 0 : i32
    %dma_start3A_53 = arith.constant 0 : i32
    %dma_start3A_54 = tpu.memref_slice %arg6[%dma_start3A_51, %dma_start3A_52, %dma_start3A_53] : memref<4x128x64xf32, #tpu.memory_space<vmem>> -> memref<1x32x64xf32, #tpu.memory_space<vmem>>
    %dma_start3A_55 = tpu.memref_squeeze %dma_start3A_54 : memref<1x32x64xf32, #tpu.memory_space<vmem>> -> memref<32x64xf32, #tpu.memory_space<vmem>>
    %dma_start3A_56 = arith.constant 0 : i32
    %dma_start3A_57 = tpu.memref_slice %arg5[%dma_start3A_50, %dma_start3A_56] : memref<200x128xi32, #tpu.memory_space<vmem>> -> memref<1x32xi32, #tpu.memory_space<vmem>>
    %dma_start3A_58 = tpu.memref_squeeze %dma_start3A_57 : memref<1x32xi32, #tpu.memory_space<vmem>> -> memref<32xi32, #tpu.memory_space<vmem>>
    %dma_start3A_59 = arith.constant 0 : i32
    %dma_start3A_60 = arith.constant 0 : i32
    %dma_start3A_61 = tpu.memref_slice %arg3[%dma_start3A_59, %dma_start3A_60] : memref<1000000x64xf32, #tpu.memory_space<hbm>> -> memref<1000000x64xf32, #tpu.memory_space<hbm>>
    tpu.enqueue_indirect_dma source(%dma_start3A_61 : memref<1000000x64xf32, #tpu.memory_space<hbm>>) target(%dma_start3A_55 : memref<32x64xf32, #tpu.memory_space<vmem>>) offsets(%dma_start3A_58 : memref<32xi32, #tpu.memory_space<vmem>>) semaphore(%arg8 : memref<!tpu.dma_semaphore, #tpu.memory_space<semaphore_mem>>)
    %dma_start3A_62 = arith.constant 1 : i32
    %dma_start3A_63 = arith.constant 1 : i32
    %dma_start3A_64 = arith.constant 32 : i32
    %dma_start3A_65 = arith.constant 0 : i32
    %dma_start3A_66 = tpu.memref_slice %arg6[%dma_start3A_63, %dma_start3A_64, %dma_start3A_65] : memref<4x128x64xf32, #tpu.memory_space<vmem>> -> memref<1x32x64xf32, #tpu.memory_space<vmem>>
    %dma_start3A_67 = tpu.memref_squeeze %dma_start3A_66 : memref<1x32x64xf32, #tpu.memory_space<vmem>> -> memref<32x64xf32, #tpu.memory_space<vmem>>
    %dma_start3A_68 = arith.constant 32 : i32
    %dma_start3A_69 = tpu.memref_slice %arg5[%dma_start3A_62, %dma_start3A_68] : memref<200x128xi32, #tpu.memory_space<vmem>> -> memref<1x32xi32, #tpu.memory_space<vmem>>
    %dma_start3A_70 = tpu.memref_squeeze %dma_start3A_69 : memref<1x32xi32, #tpu.memory_space<vmem>> -> memref<32xi32, #tpu.memory_space<vmem>>
    %dma_start3A_71 = arith.constant 0 : i32
    %dma_start3A_72 = arith.constant 0 : i32
    %dma_start3A_73 = tpu.memref_slice %arg3[%dma_start3A_71, %dma_start3A_72] : memref<1000000x64xf32, #tpu.memory_space<hbm>> -> memref<1000000x64xf32, #tpu.memory_space<hbm>>
    tpu.enqueue_indirect_dma source(%dma_start3A_73 : memref<1000000x64xf32, #tpu.memory_space<hbm>>) target(%dma_start3A_67 : memref<32x64xf32, #tpu.memory_space<vmem>>) offsets(%dma_start3A_70 : memref<32xi32, #tpu.memory_space<vmem>>) semaphore(%arg8 : memref<!tpu.dma_semaphore, #tpu.memory_space<semaphore_mem>>)
    %dma_start3A_74 = arith.constant 1 : i32
    %dma_start3A_75 = arith.constant 1 : i32
    %dma_start3A_76 = arith.constant 64 : i32
    %dma_start3A_77 = arith.constant 0 : i32
    %dma_start3A_78 = tpu.memref_slice %arg6[%dma_start3A_75, %dma_start3A_76, %dma_start3A_77] : memref<4x128x64xf32, #tpu.memory_space<vmem>> -> memref<1x32x64xf32, #tpu.memory_space<vmem>>
    %dma_start3A_79 = tpu.memref_squeeze %dma_start3A_78 : memref<1x32x64xf32, #tpu.memory_space<vmem>> -> memref<32x64xf32, #tpu.memory_space<vmem>>
    %dma_start3A_80 = arith.constant 64 : i32
    %dma_start3A_81 = tpu.memref_slice %arg5[%dma_start3A_74, %dma_start3A_80] : memref<200x128xi32, #tpu.memory_space<vmem>> -> memref<1x32xi32, #tpu.memory_space<vmem>>
    %dma_start3A_82 = tpu.memref_squeeze %dma_start3A_81 : memref<1x32xi32, #tpu.memory_space<vmem>> -> memref<32xi32, #tpu.memory_space<vmem>>
    %dma_start3A_83 = arith.constant 0 : i32
    %dma_start3A_84 = arith.constant 0 : i32
    %dma_start3A_85 = tpu.memref_slice %arg3[%dma_start3A_83, %dma_start3A_84] : memref<1000000x64xf32, #tpu.memory_space<hbm>> -> memref<1000000x64xf32, #tpu.memory_space<hbm>>
    tpu.enqueue_indirect_dma source(%dma_start3A_85 : memref<1000000x64xf32, #tpu.memory_space<hbm>>) target(%dma_start3A_79 : memref<32x64xf32, #tpu.memory_space<vmem>>) offsets(%dma_start3A_82 : memref<32xi32, #tpu.memory_space<vmem>>) semaphore(%arg8 : memref<!tpu.dma_semaphore, #tpu.memory_space<semaphore_mem>>)
    %dma_start3A_86 = arith.constant 1 : i32
    %dma_start3A_87 = arith.constant 1 : i32
    %dma_start3A_88 = arith.constant 96 : i32
    %dma_start3A_89 = arith.constant 0 : i32
    %dma_start3A_90 = tpu.memref_slice %arg6[%dma_start3A_87, %dma_start3A_88, %dma_start3A_89] : memref<4x128x64xf32, #tpu.memory_space<vmem>> -> memref<1x32x64xf32, #tpu.memory_space<vmem>>
    %dma_start3A_91 = tpu.memref_squeeze %dma_start3A_90 : memref<1x32x64xf32, #tpu.memory_space<vmem>> -> memref<32x64xf32, #tpu.memory_space<vmem>>
    %dma_start3A_92 = arith.constant 96 : i32
    %dma_start3A_93 = tpu.memref_slice %arg5[%dma_start3A_86, %dma_start3A_92] : memref<200x128xi32, #tpu.memory_space<vmem>> -> memref<1x32xi32, #tpu.memory_space<vmem>>
    %dma_start3A_94 = tpu.memref_squeeze %dma_start3A_93 : memref<1x32xi32, #tpu.memory_space<vmem>> -> memref<32xi32, #tpu.memory_space<vmem>>
    %dma_start3A_95 = arith.constant 0 : i32
    %dma_start3A_96 = arith.constant 0 : i32
    %dma_start3A_97 = tpu.memref_slice %arg3[%dma_start3A_95, %dma_start3A_96] : memref<1000000x64xf32, #tpu.memory_space<hbm>> -> memref<1000000x64xf32, #tpu.memory_space<hbm>>
    tpu.enqueue_indirect_dma source(%dma_start3A_97 : memref<1000000x64xf32, #tpu.memory_space<hbm>>) target(%dma_start3A_91 : memref<32x64xf32, #tpu.memory_space<vmem>>) offsets(%dma_start3A_94 : memref<32xi32, #tpu.memory_space<vmem>>) semaphore(%arg8 : memref<!tpu.dma_semaphore, #tpu.memory_space<semaphore_mem>>)
    %dma_start3A_98 = arith.constant 2 : i32
    %dma_start3A_99 = arith.constant 2 : i32
    %dma_start3A_100 = arith.constant 0 : i32
    %dma_start3A_101 = arith.constant 0 : i32
    %dma_start3A_102 = tpu.memref_slice %arg6[%dma_start3A_99, %dma_start3A_100, %dma_start3A_101] : memref<4x128x64xf32, #tpu.memory_space<vmem>> -> memref<1x32x64xf32, #tpu.memory_space<vmem>>
    %dma_start3A_103 = tpu.memref_squeeze %dma_start3A_102 : memref<1x32x64xf32, #tpu.memory_space<vmem>> -> memref<32x64xf32, #tpu.memory_space<vmem>>
    %dma_start3A_104 = arith.constant 0 : i32
    %dma_start3A_105 = tpu.memref_slice %arg5[%dma_start3A_98, %dma_start3A_104] : memref<200x128xi32, #tpu.memory_space<vmem>> -> memref<1x32xi32, #tpu.memory_space<vmem>>
    %dma_start3A_106 = tpu.memref_squeeze %dma_start3A_105 : memref<1x32xi32, #tpu.memory_space<vmem>> -> memref<32xi32, #tpu.memory_space<vmem>>
    %dma_start3A_107 = arith.constant 0 : i32
    %dma_start3A_108 = arith.constant 0 : i32
    %dma_start3A_109 = tpu.memref_slice %arg3[%dma_start3A_107, %dma_start3A_108] : memref<1000000x64xf32, #tpu.memory_space<hbm>> -> memref<1000000x64xf32, #tpu.memory_space<hbm>>
    tpu.enqueue_indirect_dma source(%dma_start3A_109 : memref<1000000x64xf32, #tpu.memory_space<hbm>>) target(%dma_start3A_103 : memref<32x64xf32, #tpu.memory_space<vmem>>) offsets(%dma_start3A_106 : memref<32xi32, #tpu.memory_space<vmem>>) semaphore(%arg8 : memref<!tpu.dma_semaphore, #tpu.memory_space<semaphore_mem>>)
    %dma_start3A_110 = arith.constant 2 : i32
    %dma_start3A_111 = arith.constant 2 : i32
    %dma_start3A_112 = arith.constant 32 : i32
    %dma_start3A_113 = arith.constant 0 : i32
    %dma_start3A_114 = tpu.memref_slice %arg6[%dma_start3A_111, %dma_start3A_112, %dma_start3A_113] : memref<4x128x64xf32, #tpu.memory_space<vmem>> -> memref<1x32x64xf32, #tpu.memory_space<vmem>>
    %dma_start3A_115 = tpu.memref_squeeze %dma_start3A_114 : memref<1x32x64xf32, #tpu.memory_space<vmem>> -> memref<32x64xf32, #tpu.memory_space<vmem>>
    %dma_start3A_116 = arith.constant 32 : i32
    %dma_start3A_117 = tpu.memref_slice %arg5[%dma_start3A_110, %dma_start3A_116] : memref<200x128xi32, #tpu.memory_space<vmem>> -> memref<1x32xi32, #tpu.memory_space<vmem>>
    %dma_start3A_118 = tpu.memref_squeeze %dma_start3A_117 : memref<1x32xi32, #tpu.memory_space<vmem>> -> memref<32xi32, #tpu.memory_space<vmem>>
    %dma_start3A_119 = arith.constant 0 : i32
    %dma_start3A_120 = arith.constant 0 : i32
    %dma_start3A_121 = tpu.memref_slice %arg3[%dma_start3A_119, %dma_start3A_120] : memref<1000000x64xf32, #tpu.memory_space<hbm>> -> memref<1000000x64xf32, #tpu.memory_space<hbm>>
    tpu.enqueue_indirect_dma source(%dma_start3A_121 : memref<1000000x64xf32, #tpu.memory_space<hbm>>) target(%dma_start3A_115 : memref<32x64xf32, #tpu.memory_space<vmem>>) offsets(%dma_start3A_118 : memref<32xi32, #tpu.memory_space<vmem>>) semaphore(%arg8 : memref<!tpu.dma_semaphore, #tpu.memory_space<semaphore_mem>>)
    %dma_start3A_122 = arith.constant 2 : i32
    %dma_start3A_123 = arith.constant 2 : i32
    %dma_start3A_124 = arith.constant 64 : i32
    %dma_start3A_125 = arith.constant 0 : i32
    %dma_start3A_126 = tpu.memref_slice %arg6[%dma_start3A_123, %dma_start3A_124, %dma_start3A_125] : memref<4x128x64xf32, #tpu.memory_space<vmem>> -> memref<1x32x64xf32, #tpu.memory_space<vmem>>
    %dma_start3A_127 = tpu.memref_squeeze %dma_start3A_126 : memref<1x32x64xf32, #tpu.memory_space<vmem>> -> memref<32x64xf32, #tpu.memory_space<vmem>>
    %dma_start3A_128 = arith.constant 64 : i32
    %dma_start3A_129 = tpu.memref_slice %arg5[%dma_start3A_122, %dma_start3A_128] : memref<200x128xi32, #tpu.memory_space<vmem>> -> memref<1x32xi32, #tpu.memory_space<vmem>>
    %dma_start3A_130 = tpu.memref_squeeze %dma_start3A_129 : memref<1x32xi32, #tpu.memory_space<vmem>> -> memref<32xi32, #tpu.memory_space<vmem>>
    %dma_start3A_131 = arith.constant 0 : i32
    %dma_start3A_132 = arith.constant 0 : i32
    %dma_start3A_133 = tpu.memref_slice %arg3[%dma_start3A_131, %dma_start3A_132] : memref<1000000x64xf32, #tpu.memory_space<hbm>> -> memref<1000000x64xf32, #tpu.memory_space<hbm>>
    tpu.enqueue_indirect_dma source(%dma_start3A_133 : memref<1000000x64xf32, #tpu.memory_space<hbm>>) target(%dma_start3A_127 : memref<32x64xf32, #tpu.memory_space<vmem>>) offsets(%dma_start3A_130 : memref<32xi32, #tpu.memory_space<vmem>>) semaphore(%arg8 : memref<!tpu.dma_semaphore, #tpu.memory_space<semaphore_mem>>)
    %dma_start3A_134 = arith.constant 2 : i32
    %dma_start3A_135 = arith.constant 2 : i32
    %dma_start3A_136 = arith.constant 96 : i32
    %dma_start3A_137 = arith.constant 0 : i32
    %dma_start3A_138 = tpu.memref_slice %arg6[%dma_start3A_135, %dma_start3A_136, %dma_start3A_137] : memref<4x128x64xf32, #tpu.memory_space<vmem>> -> memref<1x32x64xf32, #tpu.memory_space<vmem>>
    %dma_start3A_139 = tpu.memref_squeeze %dma_start3A_138 : memref<1x32x64xf32, #tpu.memory_space<vmem>> -> memref<32x64xf32, #tpu.memory_space<vmem>>
    %dma_start3A_140 = arith.constant 96 : i32
    %dma_start3A_141 = tpu.memref_slice %arg5[%dma_start3A_134, %dma_start3A_140] : memref<200x128xi32, #tpu.memory_space<vmem>> -> memref<1x32xi32, #tpu.memory_space<vmem>>
    %dma_start3A_142 = tpu.memref_squeeze %dma_start3A_141 : memref<1x32xi32, #tpu.memory_space<vmem>> -> memref<32xi32, #tpu.memory_space<vmem>>
    %dma_start3A_143 = arith.constant 0 : i32
    %dma_start3A_144 = arith.constant 0 : i32
    %dma_start3A_145 = tpu.memref_slice %arg3[%dma_start3A_143, %dma_start3A_144] : memref<1000000x64xf32, #tpu.memory_space<hbm>> -> memref<1000000x64xf32, #tpu.memory_space<hbm>>
    tpu.enqueue_indirect_dma source(%dma_start3A_145 : memref<1000000x64xf32, #tpu.memory_space<hbm>>) target(%dma_start3A_139 : memref<32x64xf32, #tpu.memory_space<vmem>>) offsets(%dma_start3A_142 : memref<32xi32, #tpu.memory_space<vmem>>) semaphore(%arg8 : memref<!tpu.dma_semaphore, #tpu.memory_space<semaphore_mem>>)
    %scan3A = arith.constant 0 : i32
    %scan3A_146 = arith.constant 0 : i32
    %scan3A_147 = arith.constant 50 : i32
    %scan3A_148 = arith.addi %scan3A_146, %scan3A_147 : i32
    %scan3A_149 = arith.constant 1 : i32
    %scan3A_150 = scf.for %scan3A_184 = %scan3A_146 to %scan3A_148 step %scan3A_149 iter_args(%scan3A_185 = %scan3A) -> (i32)  : i32 {
      %mul3A_186 = arith.constant 4 : i32
      %mul3A_187 = arith.muli %scan3A_184, %mul3A_186 : i32
      %add3A_188 = arith.constant 0 : i32
      %add3A_189 = arith.addi %mul3A_187, %add3A_188 : i32
      %rem3A_190 = arith.constant 2 : i32
      %rem3A_191 = arith.remsi %add3A_189, %rem3A_190 : i32
      %add3A_192 = arith.constant 4 : i32
      %add3A_193 = arith.addi %add3A_189, %add3A_192 : i32
      %sub3A = arith.constant 1 : i32
      %sub3A_194 = arith.subi %add3A_193, %sub3A : i32
      %lt3A = arith.constant 200 : i32
      %lt3A_195 = arith.cmpi slt, %sub3A_194, %lt3A : i32
      %convert_element_type3A = arith.extui %lt3A_195 : i1 to i32
      %cond3A = arith.constant 0 : i32
      %cond3A_196 = arith.cmpi ne, %convert_element_type3A, %cond3A : i32
      scf.if %cond3A_196 {
        %add3A_526 = arith.constant 4 : i32
        %add3A_527 = arith.addi %add3A_189, %add3A_526 : i32
        %sub3A_528 = arith.constant 1 : i32
        %sub3A_529 = arith.subi %add3A_527, %sub3A_528 : i32
        %dma_start3A_530 = arith.constant 3 : i32
        %dma_start3A_531 = arith.constant 0 : i32
        %dma_start3A_532 = arith.constant 0 : i32
        %dma_start3A_533 = tpu.memref_slice %arg6[%dma_start3A_530, %dma_start3A_531, %dma_start3A_532] : memref<4x128x64xf32, #tpu.memory_space<vmem>> -> memref<1x32x64xf32, #tpu.memory_space<vmem>>
        %dma_start3A_534 = tpu.memref_squeeze %dma_start3A_533 : memref<1x32x64xf32, #tpu.memory_space<vmem>> -> memref<32x64xf32, #tpu.memory_space<vmem>>
        %dma_start3A_535 = arith.constant 0 : i32
        %dma_start3A_536 = tpu.memref_slice %arg5[%sub3A_529, %dma_start3A_535] : memref<200x128xi32, #tpu.memory_space<vmem>> -> memref<1x32xi32, #tpu.memory_space<vmem>>
        %dma_start3A_537 = tpu.memref_squeeze %dma_start3A_536 : memref<1x32xi32, #tpu.memory_space<vmem>> -> memref<32xi32, #tpu.memory_space<vmem>>
        %dma_start3A_538 = arith.constant 0 : i32
        %dma_start3A_539 = arith.constant 0 : i32
        %dma_start3A_540 = tpu.memref_slice %arg3[%dma_start3A_538, %dma_start3A_539] : memref<1000000x64xf32, #tpu.memory_space<hbm>> -> memref<1000000x64xf32, #tpu.memory_space<hbm>>
        tpu.enqueue_indirect_dma source(%dma_start3A_540 : memref<1000000x64xf32, #tpu.memory_space<hbm>>) target(%dma_start3A_534 : memref<32x64xf32, #tpu.memory_space<vmem>>) offsets(%dma_start3A_537 : memref<32xi32, #tpu.memory_space<vmem>>) semaphore(%arg8 : memref<!tpu.dma_semaphore, #tpu.memory_space<semaphore_mem>>)
        %dma_start3A_541 = arith.constant 3 : i32
        %dma_start3A_542 = arith.constant 32 : i32
        %dma_start3A_543 = arith.constant 0 : i32
        %dma_start3A_544 = tpu.memref_slice %arg6[%dma_start3A_541, %dma_start3A_542, %dma_start3A_543] : memref<4x128x64xf32, #tpu.memory_space<vmem>> -> memref<1x32x64xf32, #tpu.memory_space<vmem>>
        %dma_start3A_545 = tpu.memref_squeeze %dma_start3A_544 : memref<1x32x64xf32, #tpu.memory_space<vmem>> -> memref<32x64xf32, #tpu.memory_space<vmem>>
        %dma_start3A_546 = arith.constant 32 : i32
        %dma_start3A_547 = tpu.memref_slice %arg5[%sub3A_529, %dma_start3A_546] : memref<200x128xi32, #tpu.memory_space<vmem>> -> memref<1x32xi32, #tpu.memory_space<vmem>>
        %dma_start3A_548 = tpu.memref_squeeze %dma_start3A_547 : memref<1x32xi32, #tpu.memory_space<vmem>> -> memref<32xi32, #tpu.memory_space<vmem>>
        %dma_start3A_549 = arith.constant 0 : i32
        %dma_start3A_550 = arith.constant 0 : i32
        %dma_start3A_551 = tpu.memref_slice %arg3[%dma_start3A_549, %dma_start3A_550] : memref<1000000x64xf32, #tpu.memory_space<hbm>> -> memref<1000000x64xf32, #tpu.memory_space<hbm>>
        tpu.enqueue_indirect_dma source(%dma_start3A_551 : memref<1000000x64xf32, #tpu.memory_space<hbm>>) target(%dma_start3A_545 : memref<32x64xf32, #tpu.memory_space<vmem>>) offsets(%dma_start3A_548 : memref<32xi32, #tpu.memory_space<vmem>>) semaphore(%arg8 : memref<!tpu.dma_semaphore, #tpu.memory_space<semaphore_mem>>)
        %dma_start3A_552 = arith.constant 3 : i32
        %dma_start3A_553 = arith.constant 64 : i32
        %dma_start3A_554 = arith.constant 0 : i32
        %dma_start3A_555 = tpu.memref_slice %arg6[%dma_start3A_552, %dma_start3A_553, %dma_start3A_554] : memref<4x128x64xf32, #tpu.memory_space<vmem>> -> memref<1x32x64xf32, #tpu.memory_space<vmem>>
        %dma_start3A_556 = tpu.memref_squeeze %dma_start3A_555 : memref<1x32x64xf32, #tpu.memory_space<vmem>> -> memref<32x64xf32, #tpu.memory_space<vmem>>
        %dma_start3A_557 = arith.constant 64 : i32
        %dma_start3A_558 = tpu.memref_slice %arg5[%sub3A_529, %dma_start3A_557] : memref<200x128xi32, #tpu.memory_space<vmem>> -> memref<1x32xi32, #tpu.memory_space<vmem>>
        %dma_start3A_559 = tpu.memref_squeeze %dma_start3A_558 : memref<1x32xi32, #tpu.memory_space<vmem>> -> memref<32xi32, #tpu.memory_space<vmem>>
        %dma_start3A_560 = arith.constant 0 : i32
        %dma_start3A_561 = arith.constant 0 : i32
        %dma_start3A_562 = tpu.memref_slice %arg3[%dma_start3A_560, %dma_start3A_561] : memref<1000000x64xf32, #tpu.memory_space<hbm>> -> memref<1000000x64xf32, #tpu.memory_space<hbm>>
        tpu.enqueue_indirect_dma source(%dma_start3A_562 : memref<1000000x64xf32, #tpu.memory_space<hbm>>) target(%dma_start3A_556 : memref<32x64xf32, #tpu.memory_space<vmem>>) offsets(%dma_start3A_559 : memref<32xi32, #tpu.memory_space<vmem>>) semaphore(%arg8 : memref<!tpu.dma_semaphore, #tpu.memory_space<semaphore_mem>>)
        %dma_start3A_563 = arith.constant 3 : i32
        %dma_start3A_564 = arith.constant 96 : i32
        %dma_start3A_565 = arith.constant 0 : i32
        %dma_start3A_566 = tpu.memref_slice %arg6[%dma_start3A_563, %dma_start3A_564, %dma_start3A_565] : memref<4x128x64xf32, #tpu.memory_space<vmem>> -> memref<1x32x64xf32, #tpu.memory_space<vmem>>
        %dma_start3A_567 = tpu.memref_squeeze %dma_start3A_566 : memref<1x32x64xf32, #tpu.memory_space<vmem>> -> memref<32x64xf32, #tpu.memory_space<vmem>>
        %dma_start3A_568 = arith.constant 96 : i32
        %dma_start3A_569 = tpu.memref_slice %arg5[%sub3A_529, %dma_start3A_568] : memref<200x128xi32, #tpu.memory_space<vmem>> -> memref<1x32xi32, #tpu.memory_space<vmem>>
        %dma_start3A_570 = tpu.memref_squeeze %dma_start3A_569 : memref<1x32xi32, #tpu.memory_space<vmem>> -> memref<32xi32, #tpu.memory_space<vmem>>
        %dma_start3A_571 = arith.constant 0 : i32
        %dma_start3A_572 = arith.constant 0 : i32
        %dma_start3A_573 = tpu.memref_slice %arg3[%dma_start3A_571, %dma_start3A_572] : memref<1000000x64xf32, #tpu.memory_space<hbm>> -> memref<1000000x64xf32, #tpu.memory_space<hbm>>
        tpu.enqueue_indirect_dma source(%dma_start3A_573 : memref<1000000x64xf32, #tpu.memory_space<hbm>>) target(%dma_start3A_567 : memref<32x64xf32, #tpu.memory_space<vmem>>) offsets(%dma_start3A_570 : memref<32xi32, #tpu.memory_space<vmem>>) semaphore(%arg8 : memref<!tpu.dma_semaphore, #tpu.memory_space<semaphore_mem>>)
      } else {
      }
      %ge3A = arith.constant 2 : i32
      %ge3A_197 = arith.cmpi sge, %add3A_189, %ge3A : i32
      %convert_element_type3A_198 = arith.extui %ge3A_197 : i1 to i32
      %cond3A_199 = arith.constant 0 : i32
      %cond3A_200 = arith.cmpi ne, %convert_element_type3A_198, %cond3A_199 : i32
      scf.if %cond3A_200 {
        %sub3A_526 = arith.constant 2 : i32
        %sub3A_527 = arith.subi %add3A_189, %sub3A_526 : i32
        %mul3A_528 = arith.constant 128 : i32
        %mul3A_529 = arith.muli %sub3A_527, %mul3A_528 : i32
        %add3A_530 = arith.addi %mul3A_2, %mul3A_529 : i32
        %dma_wait3A_531 = arith.constant 0 : i32
        %dma_wait3A_532 = arith.constant 0 : i32
        %dma_wait3A_533 = tpu.memref_slice %arg7[%rem3A_191, %dma_wait3A_531, %dma_wait3A_532] : memref<2x128x128xf32, #tpu.memory_space<vmem>> -> memref<1x128x128xf32, #tpu.memory_space<vmem>>
        %dma_wait3A_534 = tpu.memref_squeeze %dma_wait3A_533 : memref<1x128x128xf32, #tpu.memory_space<vmem>> -> memref<128x128xf32, #tpu.memory_space<vmem>>
        %dma_wait3A_535 = arith.constant 0 : i32
        %dma_wait3A_536 = tpu.memref_slice %arg4[%add3A_530, %dma_wait3A_535] : memref<819200x128xf32, #tpu.memory_space<hbm>> -> memref<128x128xf32, #tpu.memory_space<hbm>>
        %dma_wait3A_537 = arith.constant 0 : i32
        %dma_wait3A_538 = tpu.memref_slice %arg4[%add3A_530, %dma_wait3A_537] : memref<819200x128xf32, #tpu.memory_space<hbm>> -> memref<128x128xf32, #tpu.memory_space<hbm>>
        %dma_wait3A_539 = arith.constant 0 : i32
        %dma_wait3A_540 = arith.constant 0 : i32
        %dma_wait3A_541 = tpu.memref_slice %arg7[%rem3A_191, %dma_wait3A_539, %dma_wait3A_540] : memref<2x128x128xf32, #tpu.memory_space<vmem>> -> memref<1x128x128xf32, #tpu.memory_space<vmem>>
        %dma_wait3A_542 = tpu.memref_squeeze %dma_wait3A_541 : memref<1x128x128xf32, #tpu.memory_space<vmem>> -> memref<128x128xf32, #tpu.memory_space<vmem>>
        tpu.wait_dma2 semaphore(%arg9 : memref<!tpu.dma_semaphore, #tpu.memory_space<semaphore_mem>>) src(%dma_wait3A_542 : memref<128x128xf32, #tpu.memory_space<vmem>>) dst(%dma_wait3A_538 : memref<128x128xf32, #tpu.memory_space<hbm>>)
      } else {
      }
      %dma_wait3A_201 = arith.constant 0 : i32
      %dma_wait3A_202 = arith.constant 0 : i32
      %dma_wait3A_203 = arith.constant 0 : i32
      %dma_wait3A_204 = tpu.memref_slice %arg6[%dma_wait3A_201, %dma_wait3A_202, %dma_wait3A_203] : memref<4x128x64xf32, #tpu.memory_space<vmem>> -> memref<1x32x64xf32, #tpu.memory_space<vmem>>
      %dma_wait3A_205 = tpu.memref_squeeze %dma_wait3A_204 : memref<1x32x64xf32, #tpu.memory_space<vmem>> -> memref<32x64xf32, #tpu.memory_space<vmem>>
      %dma_wait3A_206 = arith.constant 0 : i32
      %dma_wait3A_207 = tpu.memref_slice %arg5[%add3A_189, %dma_wait3A_206] : memref<200x128xi32, #tpu.memory_space<vmem>> -> memref<1x32xi32, #tpu.memory_space<vmem>>
      %dma_wait3A_208 = tpu.memref_squeeze %dma_wait3A_207 : memref<1x32xi32, #tpu.memory_space<vmem>> -> memref<32xi32, #tpu.memory_space<vmem>>
      %dma_wait3A_209 = arith.constant 0 : i32
      %dma_wait3A_210 = arith.constant 0 : i32
      %dma_wait3A_211 = tpu.memref_slice %arg3[%dma_wait3A_209, %dma_wait3A_210] : memref<1000000x64xf32, #tpu.memory_space<hbm>> -> memref<1000000x64xf32, #tpu.memory_space<hbm>>
      tpu.wait_indirect_dma semaphore(%arg8 : memref<!tpu.dma_semaphore, #tpu.memory_space<semaphore_mem>>) src(%dma_wait3A_211 : memref<1000000x64xf32, #tpu.memory_space<hbm>>) dst(%dma_wait3A_205 : memref<32x64xf32, #tpu.memory_space<vmem>>)
      %dma_wait3A_212 = arith.constant 0 : i32
      %dma_wait3A_213 = arith.constant 32 : i32
      %dma_wait3A_214 = arith.constant 0 : i32
      %dma_wait3A_215 = tpu.memref_slice %arg6[%dma_wait3A_212, %dma_wait3A_213, %dma_wait3A_214] : memref<4x128x64xf32, #tpu.memory_space<vmem>> -> memref<1x32x64xf32, #tpu.memory_space<vmem>>
      %dma_wait3A_216 = tpu.memref_squeeze %dma_wait3A_215 : memref<1x32x64xf32, #tpu.memory_space<vmem>> -> memref<32x64xf32, #tpu.memory_space<vmem>>
      %dma_wait3A_217 = arith.constant 32 : i32
      %dma_wait3A_218 = tpu.memref_slice %arg5[%add3A_189, %dma_wait3A_217] : memref<200x128xi32, #tpu.memory_space<vmem>> -> memref<1x32xi32, #tpu.memory_space<vmem>>
      %dma_wait3A_219 = tpu.memref_squeeze %dma_wait3A_218 : memref<1x32xi32, #tpu.memory_space<vmem>> -> memref<32xi32, #tpu.memory_space<vmem>>
      %dma_wait3A_220 = arith.constant 0 : i32
      %dma_wait3A_221 = arith.constant 0 : i32
      %dma_wait3A_222 = tpu.memref_slice %arg3[%dma_wait3A_220, %dma_wait3A_221] : memref<1000000x64xf32, #tpu.memory_space<hbm>> -> memref<1000000x64xf32, #tpu.memory_space<hbm>>
      tpu.wait_indirect_dma semaphore(%arg8 : memref<!tpu.dma_semaphore, #tpu.memory_space<semaphore_mem>>) src(%dma_wait3A_222 : memref<1000000x64xf32, #tpu.memory_space<hbm>>) dst(%dma_wait3A_216 : memref<32x64xf32, #tpu.memory_space<vmem>>)
      %dma_wait3A_223 = arith.constant 0 : i32
      %dma_wait3A_224 = arith.constant 64 : i32
      %dma_wait3A_225 = arith.constant 0 : i32
      %dma_wait3A_226 = tpu.memref_slice %arg6[%dma_wait3A_223, %dma_wait3A_224, %dma_wait3A_225] : memref<4x128x64xf32, #tpu.memory_space<vmem>> -> memref<1x32x64xf32, #tpu.memory_space<vmem>>
      %dma_wait3A_227 = tpu.memref_squeeze %dma_wait3A_226 : memref<1x32x64xf32, #tpu.memory_space<vmem>> -> memref<32x64xf32, #tpu.memory_space<vmem>>
      %dma_wait3A_228 = arith.constant 64 : i32
      %dma_wait3A_229 = tpu.memref_slice %arg5[%add3A_189, %dma_wait3A_228] : memref<200x128xi32, #tpu.memory_space<vmem>> -> memref<1x32xi32, #tpu.memory_space<vmem>>
      %dma_wait3A_230 = tpu.memref_squeeze %dma_wait3A_229 : memref<1x32xi32, #tpu.memory_space<vmem>> -> memref<32xi32, #tpu.memory_space<vmem>>
      %dma_wait3A_231 = arith.constant 0 : i32
      %dma_wait3A_232 = arith.constant 0 : i32
      %dma_wait3A_233 = tpu.memref_slice %arg3[%dma_wait3A_231, %dma_wait3A_232] : memref<1000000x64xf32, #tpu.memory_space<hbm>> -> memref<1000000x64xf32, #tpu.memory_space<hbm>>
      tpu.wait_indirect_dma semaphore(%arg8 : memref<!tpu.dma_semaphore, #tpu.memory_space<semaphore_mem>>) src(%dma_wait3A_233 : memref<1000000x64xf32, #tpu.memory_space<hbm>>) dst(%dma_wait3A_227 : memref<32x64xf32, #tpu.memory_space<vmem>>)
      %dma_wait3A_234 = arith.constant 0 : i32
      %dma_wait3A_235 = arith.constant 96 : i32
      %dma_wait3A_236 = arith.constant 0 : i32
      %dma_wait3A_237 = tpu.memref_slice %arg6[%dma_wait3A_234, %dma_wait3A_235, %dma_wait3A_236] : memref<4x128x64xf32, #tpu.memory_space<vmem>> -> memref<1x32x64xf32, #tpu.memory_space<vmem>>
      %dma_wait3A_238 = tpu.memref_squeeze %dma_wait3A_237 : memref<1x32x64xf32, #tpu.memory_space<vmem>> -> memref<32x64xf32, #tpu.memory_space<vmem>>
      %dma_wait3A_239 = arith.constant 96 : i32
      %dma_wait3A_240 = tpu.memref_slice %arg5[%add3A_189, %dma_wait3A_239] : memref<200x128xi32, #tpu.memory_space<vmem>> -> memref<1x32xi32, #tpu.memory_space<vmem>>
      %dma_wait3A_241 = tpu.memref_squeeze %dma_wait3A_240 : memref<1x32xi32, #tpu.memory_space<vmem>> -> memref<32xi32, #tpu.memory_space<vmem>>
      %dma_wait3A_242 = arith.constant 0 : i32
      %dma_wait3A_243 = arith.constant 0 : i32
      %dma_wait3A_244 = tpu.memref_slice %arg3[%dma_wait3A_242, %dma_wait3A_243] : memref<1000000x64xf32, #tpu.memory_space<hbm>> -> memref<1000000x64xf32, #tpu.memory_space<hbm>>
      tpu.wait_indirect_dma semaphore(%arg8 : memref<!tpu.dma_semaphore, #tpu.memory_space<semaphore_mem>>) src(%dma_wait3A_244 : memref<1000000x64xf32, #tpu.memory_space<hbm>>) dst(%dma_wait3A_238 : memref<32x64xf32, #tpu.memory_space<vmem>>)
      %scan3A_245 = arith.constant 0 : i32
      %scan3A_246 = arith.constant 0 : i32
      %scan3A_247 = arith.constant 128 : i32
      %scan3A_248 = arith.addi %scan3A_246, %scan3A_247 : i32
      %scan3A_249 = arith.constant 4 : i32
      %scan3A_250 = scf.for %scan3A_526 = %scan3A_246 to %scan3A_248 step %scan3A_249 iter_args(%scan3A_527 = %scan3A_245) -> (i32)  : i32 {
        %get3A = arith.constant 0 : i32
        %get3A_528 = arith.index_cast %get3A : i32 to index
        %get3A_529 = arith.index_cast %scan3A_526 : i32 to index
        %get3A_530 = arith.constant 0 : index
        %get3A_531 = tpu.vector_load %arg6[%get3A_528, %get3A_529, %get3A_530] {strides = array<i32>} : memref<4x128x64xf32, #tpu.memory_space<vmem>>, vector<16xf32>,
        %mul3A_532 = arith.constant 8.000000e+00 : f32
        %mul3A_533 = vector.broadcast %mul3A_532 : f32 to vector<16xf32>
        %mul3A_534 = arith.mulf %get3A_531, %mul3A_533 : vector<16xf32>
        %swap3A = arith.index_cast %rem3A_191 : i32 to index
        %swap3A_535 = arith.index_cast %scan3A_526 : i32 to index
        %swap3A_536 = arith.constant 0 : index
        %swap3A_537 = tpu.vector_load %arg7[%swap3A, %swap3A_535, %swap3A_536] {strides = array<i32>} : memref<2x128x128xf32, #tpu.memory_space<vmem>>, vector<16xf32>,
        tpu.vector_store %arg7[%swap3A, %swap3A_535, %swap3A_536], %mul3A_534 {strides = array<i32>} : memref<2x128x128xf32, #tpu.memory_space<vmem>>, vector<16xf32>,
        %get3A_538 = arith.constant 0 : i32
        %get3A_539 = arith.index_cast %get3A_538 : i32 to index
        %get3A_540 = arith.index_cast %scan3A_526 : i32 to index
        %get3A_541 = arith.constant 16 : index
        %get3A_542 = tpu.vector_load %arg6[%get3A_539, %get3A_540, %get3A_541] {strides = array<i32>} : memref<4x128x64xf32, #tpu.memory_space<vmem>>, vector<16xf32>,
        %mul3A_543 = arith.constant 8.000000e+00 : f32
        %mul3A_544 = vector.broadcast %mul3A_543 : f32 to vector<16xf32>
        %mul3A_545 = arith.mulf %get3A_542, %mul3A_544 : vector<16xf32>
        %swap3A_546 = arith.index_cast %rem3A_191 : i32 to index
        %swap3A_547 = arith.index_cast %scan3A_526 : i32 to index
        %swap3A_548 = arith.constant 16 : index
        %swap3A_549 = tpu.vector_load %arg7[%swap3A_546, %swap3A_547, %swap3A_548] {strides = array<i32>} : memref<2x128x128xf32, #tpu.memory_space<vmem>>, vector<16xf32>,
        tpu.vector_store %arg7[%swap3A_546, %swap3A_547, %swap3A_548], %mul3A_545 {strides = array<i32>} : memref<2x128x128xf32, #tpu.memory_space<vmem>>, vector<16xf32>,
        %get3A_550 = arith.constant 0 : i32
        %get3A_551 = arith.index_cast %get3A_550 : i32 to index
        %get3A_552 = arith.index_cast %scan3A_526 : i32 to index
        %get3A_553 = arith.constant 32 : index
        %get3A_554 = tpu.vector_load %arg6[%get3A_551, %get3A_552, %get3A_553] {strides = array<i32>} : memref<4x128x64xf32, #tpu.memory_space<vmem>>, vector<16xf32>,
        %mul3A_555 = arith.constant 8.000000e+00 : f32
        %mul3A_556 = vector.broadcast %mul3A_555 : f32 to vector<16xf32>
        %mul3A_557 = arith.mulf %get3A_554, %mul3A_556 : vector<16xf32>
        %swap3A_558 = arith.index_cast %rem3A_191 : i32 to index
        %swap3A_559 = arith.index_cast %scan3A_526 : i32 to index
        %swap3A_560 = arith.constant 32 : index
        %swap3A_561 = tpu.vector_load %arg7[%swap3A_558, %swap3A_559, %swap3A_560] {strides = array<i32>} : memref<2x128x128xf32, #tpu.memory_space<vmem>>, vector<16xf32>,
        tpu.vector_store %arg7[%swap3A_558, %swap3A_559, %swap3A_560], %mul3A_557 {strides = array<i32>} : memref<2x128x128xf32, #tpu.memory_space<vmem>>, vector<16xf32>,
        %get3A_562 = arith.constant 0 : i32
        %get3A_563 = arith.index_cast %get3A_562 : i32 to index
        %get3A_564 = arith.index_cast %scan3A_526 : i32 to index
        %get3A_565 = arith.constant 48 : index
        %get3A_566 = tpu.vector_load %arg6[%get3A_563, %get3A_564, %get3A_565] {strides = array<i32>} : memref<4x128x64xf32, #tpu.memory_space<vmem>>, vector<16xf32>,
        %mul3A_567 = arith.constant 8.000000e+00 : f32
        %mul3A_568 = vector.broadcast %mul3A_567 : f32 to vector<16xf32>
        %mul3A_569 = arith.mulf %get3A_566, %mul3A_568 : vector<16xf32>
        %swap3A_570 = arith.index_cast %rem3A_191 : i32 to index
        %swap3A_571 = arith.index_cast %scan3A_526 : i32 to index
        %swap3A_572 = arith.constant 48 : index
        %swap3A_573 = tpu.vector_load %arg7[%swap3A_570, %swap3A_571, %swap3A_572] {strides = array<i32>} : memref<2x128x128xf32, #tpu.memory_space<vmem>>, vector<16xf32>,
        tpu.vector_store %arg7[%swap3A_570, %swap3A_571, %swap3A_572], %mul3A_569 {strides = array<i32>} : memref<2x128x128xf32, #tpu.memory_space<vmem>>, vector<16xf32>,
        %scan3A_574 = arith.constant 0 : i32
        %scan3A_575 = arith.constant 1 : i32
        %scan3A_576 = arith.addi %scan3A_526, %scan3A_575 : i32
        %get3A_577 = arith.constant 0 : i32
        %get3A_578 = arith.index_cast %get3A_577 : i32 to index
        %get3A_579 = arith.index_cast %scan3A_576 : i32 to index
        %get3A_580 = arith.constant 0 : index
        %get3A_581 = tpu.vector_load %arg6[%get3A_578, %get3A_579, %get3A_580] {strides = array<i32>} : memref<4x128x64xf32, #tpu.memory_space<vmem>>, vector<16xf32>,
        %mul3A_582 = arith.constant 8.000000e+00 : f32
        %mul3A_583 = vector.broadcast %mul3A_582 : f32 to vector<16xf32>
        %mul3A_584 = arith.mulf %get3A_581, %mul3A_583 : vector<16xf32>
        %swap3A_585 = arith.index_cast %rem3A_191 : i32 to index
        %swap3A_586 = arith.index_cast %scan3A_576 : i32 to index
        %swap3A_587 = arith.constant 0 : index
        %swap3A_588 = tpu.vector_load %arg7[%swap3A_585, %swap3A_586, %swap3A_587] {strides = array<i32>} : memref<2x128x128xf32, #tpu.memory_space<vmem>>, vector<16xf32>,
        tpu.vector_store %arg7[%swap3A_585, %swap3A_586, %swap3A_587], %mul3A_584 {strides = array<i32>} : memref<2x128x128xf32, #tpu.memory_space<vmem>>, vector<16xf32>,
        %get3A_589 = arith.constant 0 : i32
        %get3A_590 = arith.index_cast %get3A_589 : i32 to index
        %get3A_591 = arith.index_cast %scan3A_576 : i32 to index
        %get3A_592 = arith.constant 16 : index
        %get3A_593 = tpu.vector_load %arg6[%get3A_590, %get3A_591, %get3A_592] {strides = array<i32>} : memref<4x128x64xf32, #tpu.memory_space<vmem>>, vector<16xf32>,
        %mul3A_594 = arith.constant 8.000000e+00 : f32
        %mul3A_595 = vector.broadcast %mul3A_594 : f32 to vector<16xf32>
        %mul3A_596 = arith.mulf %get3A_593, %mul3A_595 : vector<16xf32>
        %swap3A_597 = arith.index_cast %rem3A_191 : i32 to index
        %swap3A_598 = arith.index_cast %scan3A_576 : i32 to index
        %swap3A_599 = arith.constant 16 : index
        %swap3A_600 = tpu.vector_load %arg7[%swap3A_597, %swap3A_598, %swap3A_599] {strides = array<i32>} : memref<2x128x128xf32, #tpu.memory_space<vmem>>, vector<16xf32>,
        tpu.vector_store %arg7[%swap3A_597, %swap3A_598, %swap3A_599], %mul3A_596 {strides = array<i32>} : memref<2x128x128xf32, #tpu.memory_space<vmem>>, vector<16xf32>,
        %get3A_601 = arith.constant 0 : i32
        %get3A_602 = arith.index_cast %get3A_601 : i32 to index
        %get3A_603 = arith.index_cast %scan3A_576 : i32 to index
        %get3A_604 = arith.constant 32 : index
        %get3A_605 = tpu.vector_load %arg6[%get3A_602, %get3A_603, %get3A_604] {strides = array<i32>} : memref<4x128x64xf32, #tpu.memory_space<vmem>>, vector<16xf32>,
        %mul3A_606 = arith.constant 8.000000e+00 : f32
        %mul3A_607 = vector.broadcast %mul3A_606 : f32 to vector<16xf32>
        %mul3A_608 = arith.mulf %get3A_605, %mul3A_607 : vector<16xf32>
        %swap3A_609 = arith.index_cast %rem3A_191 : i32 to index
        %swap3A_610 = arith.index_cast %scan3A_576 : i32 to index
        %swap3A_611 = arith.constant 32 : index
        %swap3A_612 = tpu.vector_load %arg7[%swap3A_609, %swap3A_610, %swap3A_611] {strides = array<i32>} : memref<2x128x128xf32, #tpu.memory_space<vmem>>, vector<16xf32>,
        tpu.vector_store %arg7[%swap3A_609, %swap3A_610, %swap3A_611], %mul3A_608 {strides = array<i32>} : memref<2x128x128xf32, #tpu.memory_space<vmem>>, vector<16xf32>,
        %get3A_613 = arith.constant 0 : i32
        %get3A_614 = arith.index_cast %get3A_613 : i32 to index
        %get3A_615 = arith.index_cast %scan3A_576 : i32 to index
        %get3A_616 = arith.constant 48 : index
        %get3A_617 = tpu.vector_load %arg6[%get3A_614, %get3A_615, %get3A_616] {strides = array<i32>} : memref<4x128x64xf32, #tpu.memory_space<vmem>>, vector<16xf32>,
        %mul3A_618 = arith.constant 8.000000e+00 : f32
        %mul3A_619 = vector.broadcast %mul3A_618 : f32 to vector<16xf32>
        %mul3A_620 = arith.mulf %get3A_617, %mul3A_619 : vector<16xf32>
        %swap3A_621 = arith.index_cast %rem3A_191 : i32 to index
        %swap3A_622 = arith.index_cast %scan3A_576 : i32 to index
        %swap3A_623 = arith.constant 48 : index
        %swap3A_624 = tpu.vector_load %arg7[%swap3A_621, %swap3A_622, %swap3A_623] {strides = array<i32>} : memref<2x128x128xf32, #tpu.memory_space<vmem>>, vector<16xf32>,
        tpu.vector_store %arg7[%swap3A_621, %swap3A_622, %swap3A_623], %mul3A_620 {strides = array<i32>} : memref<2x128x128xf32, #tpu.memory_space<vmem>>, vector<16xf32>,
        %scan3A_625 = arith.constant 0 : i32
        %scan3A_626 = arith.constant 2 : i32
        %scan3A_627 = arith.addi %scan3A_526, %scan3A_626 : i32
        %get3A_628 = arith.constant 0 : i32
        %get3A_629 = arith.index_cast %get3A_628 : i32 to index
        %get3A_630 = arith.index_cast %scan3A_627 : i32 to index
        %get3A_631 = arith.constant 0 : index
        %get3A_632 = tpu.vector_load %arg6[%get3A_629, %get3A_630, %get3A_631] {strides = array<i32>} : memref<4x128x64xf32, #tpu.memory_space<vmem>>, vector<16xf32>,
        %mul3A_633 = arith.constant 8.000000e+00 : f32
        %mul3A_634 = vector.broadcast %mul3A_633 : f32 to vector<16xf32>
        %mul3A_635 = arith.mulf %get3A_632, %mul3A_634 : vector<16xf32>
        %swap3A_636 = arith.index_cast %rem3A_191 : i32 to index
        %swap3A_637 = arith.index_cast %scan3A_627 : i32 to index
        %swap3A_638 = arith.constant 0 : index
        %swap3A_639 = tpu.vector_load %arg7[%swap3A_636, %swap3A_637, %swap3A_638] {strides = array<i32>} : memref<2x128x128xf32, #tpu.memory_space<vmem>>, vector<16xf32>,
        tpu.vector_store %arg7[%swap3A_636, %swap3A_637, %swap3A_638], %mul3A_635 {strides = array<i32>} : memref<2x128x128xf32, #tpu.memory_space<vmem>>, vector<16xf32>,
        %get3A_640 = arith.constant 0 : i32
        %get3A_641 = arith.index_cast %get3A_640 : i32 to index
        %get3A_642 = arith.index_cast %scan3A_627 : i32 to index
        %get3A_643 = arith.constant 16 : index
        %get3A_644 = tpu.vector_load %arg6[%get3A_641, %get3A_642, %get3A_643] {strides = array<i32>} : memref<4x128x64xf32, #tpu.memory_space<vmem>>, vector<16xf32>,
        %mul3A_645 = arith.constant 8.000000e+00 : f32
        %mul3A_646 = vector.broadcast %mul3A_645 : f32 to vector<16xf32>
        %mul3A_647 = arith.mulf %get3A_644, %mul3A_646 : vector<16xf32>
        %swap3A_648 = arith.index_cast %rem3A_191 : i32 to index
        %swap3A_649 = arith.index_cast %scan3A_627 : i32 to index
        %swap3A_650 = arith.constant 16 : index
        %swap3A_651 = tpu.vector_load %arg7[%swap3A_648, %swap3A_649, %swap3A_650] {strides = array<i32>} : memref<2x128x128xf32, #tpu.memory_space<vmem>>, vector<16xf32>,
        tpu.vector_store %arg7[%swap3A_648, %swap3A_649, %swap3A_650], %mul3A_647 {strides = array<i32>} : memref<2x128x128xf32, #tpu.memory_space<vmem>>, vector<16xf32>,
        %get3A_652 = arith.constant 0 : i32
        %get3A_653 = arith.index_cast %get3A_652 : i32 to index
        %get3A_654 = arith.index_cast %scan3A_627 : i32 to index
        %get3A_655 = arith.constant 32 : index
        %get3A_656 = tpu.vector_load %arg6[%get3A_653, %get3A_654, %get3A_655] {strides = array<i32>} : memref<4x128x64xf32, #tpu.memory_space<vmem>>, vector<16xf32>,
        %mul3A_657 = arith.constant 8.000000e+00 : f32
        %mul3A_658 = vector.broadcast %mul3A_657 : f32 to vector<16xf32>
        %mul3A_659 = arith.mulf %get3A_656, %mul3A_658 : vector<16xf32>
        %swap3A_660 = arith.index_cast %rem3A_191 : i32 to index
        %swap3A_661 = arith.index_cast %scan3A_627 : i32 to index
        %swap3A_662 = arith.constant 32 : index
        %swap3A_663 = tpu.vector_load %arg7[%swap3A_660, %swap3A_661, %swap3A_662] {strides = array<i32>} : memref<2x128x128xf32, #tpu.memory_space<vmem>>, vector<16xf32>,
        tpu.vector_store %arg7[%swap3A_660, %swap3A_661, %swap3A_662], %mul3A_659 {strides = array<i32>} : memref<2x128x128xf32, #tpu.memory_space<vmem>>, vector<16xf32>,
        %get3A_664 = arith.constant 0 : i32
        %get3A_665 = arith.index_cast %get3A_664 : i32 to index
        %get3A_666 = arith.index_cast %scan3A_627 : i32 to index
        %get3A_667 = arith.constant 48 : index
        %get3A_668 = tpu.vector_load %arg6[%get3A_665, %get3A_666, %get3A_667] {strides = array<i32>} : memref<4x128x64xf32, #tpu.memory_space<vmem>>, vector<16xf32>,
        %mul3A_669 = arith.constant 8.000000e+00 : f32
        %mul3A_670 = vector.broadcast %mul3A_669 : f32 to vector<16xf32>
        %mul3A_671 = arith.mulf %get3A_668, %mul3A_670 : vector<16xf32>
        %swap3A_672 = arith.index_cast %rem3A_191 : i32 to index
        %swap3A_673 = arith.index_cast %scan3A_627 : i32 to index
        %swap3A_674 = arith.constant 48 : index
        %swap3A_675 = tpu.vector_load %arg7[%swap3A_672, %swap3A_673, %swap3A_674] {strides = array<i32>} : memref<2x128x128xf32, #tpu.memory_space<vmem>>, vector<16xf32>,
        tpu.vector_store %arg7[%swap3A_672, %swap3A_673, %swap3A_674], %mul3A_671 {strides = array<i32>} : memref<2x128x128xf32, #tpu.memory_space<vmem>>, vector<16xf32>,
        %scan3A_676 = arith.constant 0 : i32
        %scan3A_677 = arith.constant 3 : i32
        %scan3A_678 = arith.addi %scan3A_526, %scan3A_677 : i32
        %get3A_679 = arith.constant 0 : i32
        %get3A_680 = arith.index_cast %get3A_679 : i32 to index
        %get3A_681 = arith.index_cast %scan3A_678 : i32 to index
        %get3A_682 = arith.constant 0 : index
        %get3A_683 = tpu.vector_load %arg6[%get3A_680, %get3A_681, %get3A_682] {strides = array<i32>} : memref<4x128x64xf32, #tpu.memory_space<vmem>>, vector<16xf32>,
        %mul3A_684 = arith.constant 8.000000e+00 : f32
        %mul3A_685 = vector.broadcast %mul3A_684 : f32 to vector<16xf32>
        %mul3A_686 = arith.mulf %get3A_683, %mul3A_685 : vector<16xf32>
        %swap3A_687 = arith.index_cast %rem3A_191 : i32 to index
        %swap3A_688 = arith.index_cast %scan3A_678 : i32 to index
        %swap3A_689 = arith.constant 0 : index
        %swap3A_690 = tpu.vector_load %arg7[%swap3A_687, %swap3A_688, %swap3A_689] {strides = array<i32>} : memref<2x128x128xf32, #tpu.memory_space<vmem>>, vector<16xf32>,
        tpu.vector_store %arg7[%swap3A_687, %swap3A_688, %swap3A_689], %mul3A_686 {strides = array<i32>} : memref<2x128x128xf32, #tpu.memory_space<vmem>>, vector<16xf32>,
        %get3A_691 = arith.constant 0 : i32
        %get3A_692 = arith.index_cast %get3A_691 : i32 to index
        %get3A_693 = arith.index_cast %scan3A_678 : i32 to index
        %get3A_694 = arith.constant 16 : index
        %get3A_695 = tpu.vector_load %arg6[%get3A_692, %get3A_693, %get3A_694] {strides = array<i32>} : memref<4x128x64xf32, #tpu.memory_space<vmem>>, vector<16xf32>,
        %mul3A_696 = arith.constant 8.000000e+00 : f32
        %mul3A_697 = vector.broadcast %mul3A_696 : f32 to vector<16xf32>
        %mul3A_698 = arith.mulf %get3A_695, %mul3A_697 : vector<16xf32>
        %swap3A_699 = arith.index_cast %rem3A_191 : i32 to index
        %swap3A_700 = arith.index_cast %scan3A_678 : i32 to index
        %swap3A_701 = arith.constant 16 : index
        %swap3A_702 = tpu.vector_load %arg7[%swap3A_699, %swap3A_700, %swap3A_701] {strides = array<i32>} : memref<2x128x128xf32, #tpu.memory_space<vmem>>, vector<16xf32>,
        tpu.vector_store %arg7[%swap3A_699, %swap3A_700, %swap3A_701], %mul3A_698 {strides = array<i32>} : memref<2x128x128xf32, #tpu.memory_space<vmem>>, vector<16xf32>,
        %get3A_703 = arith.constant 0 : i32
        %get3A_704 = arith.index_cast %get3A_703 : i32 to index
        %get3A_705 = arith.index_cast %scan3A_678 : i32 to index
        %get3A_706 = arith.constant 32 : index
        %get3A_707 = tpu.vector_load %arg6[%get3A_704, %get3A_705, %get3A_706] {strides = array<i32>} : memref<4x128x64xf32, #tpu.memory_space<vmem>>, vector<16xf32>,
        %mul3A_708 = arith.constant 8.000000e+00 : f32
        %mul3A_709 = vector.broadcast %mul3A_708 : f32 to vector<16xf32>
        %mul3A_710 = arith.mulf %get3A_707, %mul3A_709 : vector<16xf32>
        %swap3A_711 = arith.index_cast %rem3A_191 : i32 to index
        %swap3A_712 = arith.index_cast %scan3A_678 : i32 to index
        %swap3A_713 = arith.constant 32 : index
        %swap3A_714 = tpu.vector_load %arg7[%swap3A_711, %swap3A_712, %swap3A_713] {strides = array<i32>} : memref<2x128x128xf32, #tpu.memory_space<vmem>>, vector<16xf32>,
        tpu.vector_store %arg7[%swap3A_711, %swap3A_712, %swap3A_713], %mul3A_710 {strides = array<i32>} : memref<2x128x128xf32, #tpu.memory_space<vmem>>, vector<16xf32>,
        %get3A_715 = arith.constant 0 : i32
        %get3A_716 = arith.index_cast %get3A_715 : i32 to index
        %get3A_717 = arith.index_cast %scan3A_678 : i32 to index
        %get3A_718 = arith.constant 48 : index
        %get3A_719 = tpu.vector_load %arg6[%get3A_716, %get3A_717, %get3A_718] {strides = array<i32>} : memref<4x128x64xf32, #tpu.memory_space<vmem>>, vector<16xf32>,
        %mul3A_720 = arith.constant 8.000000e+00 : f32
        %mul3A_721 = vector.broadcast %mul3A_720 : f32 to vector<16xf32>
        %mul3A_722 = arith.mulf %get3A_719, %mul3A_721 : vector<16xf32>
        %swap3A_723 = arith.index_cast %rem3A_191 : i32 to index
        %swap3A_724 = arith.index_cast %scan3A_678 : i32 to index
        %swap3A_725 = arith.constant 48 : index
        %swap3A_726 = tpu.vector_load %arg7[%swap3A_723, %swap3A_724, %swap3A_725] {strides = array<i32>} : memref<2x128x128xf32, #tpu.memory_space<vmem>>, vector<16xf32>,
        tpu.vector_store %arg7[%swap3A_723, %swap3A_724, %swap3A_725], %mul3A_722 {strides = array<i32>} : memref<2x128x128xf32, #tpu.memory_space<vmem>>, vector<16xf32>,
        %scan3A_727 = arith.constant 0 : i32
        scf.yield %scan3A_727 : i32
      }
      %scan3A_251 = arith.constant 128 : i32
      %mul3A_252 = arith.constant 128 : i32
      %mul3A_253 = arith.muli %add3A_189, %mul3A_252 : i32
      %add3A_254 = arith.addi %mul3A_2, %mul3A_253 : i32
      %dma_start3A_255 = arith.constant 0 : i32
      %dma_start3A_256 = arith.constant 0 : i32
      %dma_start3A_257 = tpu.memref_slice %arg7[%rem3A_191, %dma_start3A_255, %dma_start3A_256] : memref<2x128x128xf32, #tpu.memory_space<vmem>> -> memref<1x128x128xf32, #tpu.memory_space<vmem>>
      %dma_start3A_258 = tpu.memref_squeeze %dma_start3A_257 : memref<1x128x128xf32, #tpu.memory_space<vmem>> -> memref<128x128xf32, #tpu.memory_space<vmem>>
      %dma_start3A_259 = arith.constant 0 : i32
      %dma_start3A_260 = tpu.memref_slice %arg4[%add3A_254, %dma_start3A_259] : memref<819200x128xf32, #tpu.memory_space<hbm>> -> memref<128x128xf32, #tpu.memory_space<hbm>>
      %dma_start3A_261 = arith.constant 0 : i32
      %dma_start3A_262 = tpu.memref_slice %arg4[%add3A_254, %dma_start3A_261] : memref<819200x128xf32, #tpu.memory_space<hbm>> -> memref<128x128xf32, #tpu.memory_space<hbm>>
      %dma_start3A_263 = arith.constant 0 : i32
      %dma_start3A_264 = arith.constant 0 : i32
      %dma_start3A_265 = tpu.memref_slice %arg7[%rem3A_191, %dma_start3A_263, %dma_start3A_264] : memref<2x128x128xf32, #tpu.memory_space<vmem>> -> memref<1x128x128xf32, #tpu.memory_space<vmem>>
      %dma_start3A_266 = tpu.memref_squeeze %dma_start3A_265 : memref<1x128x128xf32, #tpu.memory_space<vmem>> -> memref<128x128xf32, #tpu.memory_space<vmem>>
      tpu.enqueue_dma source(%dma_start3A_266 : memref<128x128xf32, #tpu.memory_space<vmem>>) target(%dma_start3A_262 : memref<128x128xf32, #tpu.memory_space<hbm>>) target_semaphore(%arg9 : memref<!tpu.dma_semaphore, #tpu.memory_space<semaphore_mem>>)
      %mul3A_267 = arith.constant 4 : i32
      %mul3A_268 = arith.muli %scan3A_184, %mul3A_267 : i32
      %add3A_269 = arith.constant 1 : i32
      %add3A_270 = arith.addi %mul3A_268, %add3A_269 : i32
      %rem3A_271 = arith.constant 2 : i32
      %rem3A_272 = arith.remsi %add3A_270, %rem3A_271 : i32
      %add3A_273 = arith.constant 4 : i32
      %add3A_274 = arith.addi %add3A_270, %add3A_273 : i32
      %sub3A_275 = arith.constant 1 : i32
      %sub3A_276 = arith.subi %add3A_274, %sub3A_275 : i32
      %lt3A_277 = arith.constant 200 : i32
      %lt3A_278 = arith.cmpi slt, %sub3A_276, %lt3A_277 : i32
      %convert_element_type3A_279 = arith.extui %lt3A_278 : i1 to i32
      %cond3A_280 = arith.constant 0 : i32
      %cond3A_281 = arith.cmpi ne, %convert_element_type3A_279, %cond3A_280 : i32
      scf.if %cond3A_281 {
        %add3A_526 = arith.constant 4 : i32
        %add3A_527 = arith.addi %add3A_270, %add3A_526 : i32
        %sub3A_528 = arith.constant 1 : i32
        %sub3A_529 = arith.subi %add3A_527, %sub3A_528 : i32
        %dma_start3A_530 = arith.constant 0 : i32
        %dma_start3A_531 = arith.constant 0 : i32
        %dma_start3A_532 = arith.constant 0 : i32
        %dma_start3A_533 = tpu.memref_slice %arg6[%dma_start3A_530, %dma_start3A_531, %dma_start3A_532] : memref<4x128x64xf32, #tpu.memory_space<vmem>> -> memref<1x32x64xf32, #tpu.memory_space<vmem>>
        %dma_start3A_534 = tpu.memref_squeeze %dma_start3A_533 : memref<1x32x64xf32, #tpu.memory_space<vmem>> -> memref<32x64xf32, #tpu.memory_space<vmem>>
        %dma_start3A_535 = arith.constant 0 : i32
        %dma_start3A_536 = tpu.memref_slice %arg5[%sub3A_529, %dma_start3A_535] : memref<200x128xi32, #tpu.memory_space<vmem>> -> memref<1x32xi32, #tpu.memory_space<vmem>>
        %dma_start3A_537 = tpu.memref_squeeze %dma_start3A_536 : memref<1x32xi32, #tpu.memory_space<vmem>> -> memref<32xi32, #tpu.memory_space<vmem>>
        %dma_start3A_538 = arith.constant 0 : i32
        %dma_start3A_539 = arith.constant 0 : i32
        %dma_start3A_540 = tpu.memref_slice %arg3[%dma_start3A_538, %dma_start3A_539] : memref<1000000x64xf32, #tpu.memory_space<hbm>> -> memref<1000000x64xf32, #tpu.memory_space<hbm>>
        tpu.enqueue_indirect_dma source(%dma_start3A_540 : memref<1000000x64xf32, #tpu.memory_space<hbm>>) target(%dma_start3A_534 : memref<32x64xf32, #tpu.memory_space<vmem>>) offsets(%dma_start3A_537 : memref<32xi32, #tpu.memory_space<vmem>>) semaphore(%arg8 : memref<!tpu.dma_semaphore, #tpu.memory_space<semaphore_mem>>)
        %dma_start3A_541 = arith.constant 0 : i32
        %dma_start3A_542 = arith.constant 32 : i32
        %dma_start3A_543 = arith.constant 0 : i32
        %dma_start3A_544 = tpu.memref_slice %arg6[%dma_start3A_541, %dma_start3A_542, %dma_start3A_543] : memref<4x128x64xf32, #tpu.memory_space<vmem>> -> memref<1x32x64xf32, #tpu.memory_space<vmem>>
        %dma_start3A_545 = tpu.memref_squeeze %dma_start3A_544 : memref<1x32x64xf32, #tpu.memory_space<vmem>> -> memref<32x64xf32, #tpu.memory_space<vmem>>
        %dma_start3A_546 = arith.constant 32 : i32
        %dma_start3A_547 = tpu.memref_slice %arg5[%sub3A_529, %dma_start3A_546] : memref<200x128xi32, #tpu.memory_space<vmem>> -> memref<1x32xi32, #tpu.memory_space<vmem>>
        %dma_start3A_548 = tpu.memref_squeeze %dma_start3A_547 : memref<1x32xi32, #tpu.memory_space<vmem>> -> memref<32xi32, #tpu.memory_space<vmem>>
        %dma_start3A_549 = arith.constant 0 : i32
        %dma_start3A_550 = arith.constant 0 : i32
        %dma_start3A_551 = tpu.memref_slice %arg3[%dma_start3A_549, %dma_start3A_550] : memref<1000000x64xf32, #tpu.memory_space<hbm>> -> memref<1000000x64xf32, #tpu.memory_space<hbm>>
        tpu.enqueue_indirect_dma source(%dma_start3A_551 : memref<1000000x64xf32, #tpu.memory_space<hbm>>) target(%dma_start3A_545 : memref<32x64xf32, #tpu.memory_space<vmem>>) offsets(%dma_start3A_548 : memref<32xi32, #tpu.memory_space<vmem>>) semaphore(%arg8 : memref<!tpu.dma_semaphore, #tpu.memory_space<semaphore_mem>>)
        %dma_start3A_552 = arith.constant 0 : i32
        %dma_start3A_553 = arith.constant 64 : i32
        %dma_start3A_554 = arith.constant 0 : i32
        %dma_start3A_555 = tpu.memref_slice %arg6[%dma_start3A_552, %dma_start3A_553, %dma_start3A_554] : memref<4x128x64xf32, #tpu.memory_space<vmem>> -> memref<1x32x64xf32, #tpu.memory_space<vmem>>
        %dma_start3A_556 = tpu.memref_squeeze %dma_start3A_555 : memref<1x32x64xf32, #tpu.memory_space<vmem>> -> memref<32x64xf32, #tpu.memory_space<vmem>>
        %dma_start3A_557 = arith.constant 64 : i32
        %dma_start3A_558 = tpu.memref_slice %arg5[%sub3A_529, %dma_start3A_557] : memref<200x128xi32, #tpu.memory_space<vmem>> -> memref<1x32xi32, #tpu.memory_space<vmem>>
        %dma_start3A_559 = tpu.memref_squeeze %dma_start3A_558 : memref<1x32xi32, #tpu.memory_space<vmem>> -> memref<32xi32, #tpu.memory_space<vmem>>
        %dma_start3A_560 = arith.constant 0 : i32
        %dma_start3A_561 = arith.constant 0 : i32
        %dma_start3A_562 = tpu.memref_slice %arg3[%dma_start3A_560, %dma_start3A_561] : memref<1000000x64xf32, #tpu.memory_space<hbm>> -> memref<1000000x64xf32, #tpu.memory_space<hbm>>
        tpu.enqueue_indirect_dma source(%dma_start3A_562 : memref<1000000x64xf32, #tpu.memory_space<hbm>>) target(%dma_start3A_556 : memref<32x64xf32, #tpu.memory_space<vmem>>) offsets(%dma_start3A_559 : memref<32xi32, #tpu.memory_space<vmem>>) semaphore(%arg8 : memref<!tpu.dma_semaphore, #tpu.memory_space<semaphore_mem>>)
        %dma_start3A_563 = arith.constant 0 : i32
        %dma_start3A_564 = arith.constant 96 : i32
        %dma_start3A_565 = arith.constant 0 : i32
        %dma_start3A_566 = tpu.memref_slice %arg6[%dma_start3A_563, %dma_start3A_564, %dma_start3A_565] : memref<4x128x64xf32, #tpu.memory_space<vmem>> -> memref<1x32x64xf32, #tpu.memory_space<vmem>>
        %dma_start3A_567 = tpu.memref_squeeze %dma_start3A_566 : memref<1x32x64xf32, #tpu.memory_space<vmem>> -> memref<32x64xf32, #tpu.memory_space<vmem>>
        %dma_start3A_568 = arith.constant 96 : i32
        %dma_start3A_569 = tpu.memref_slice %arg5[%sub3A_529, %dma_start3A_568] : memref<200x128xi32, #tpu.memory_space<vmem>> -> memref<1x32xi32, #tpu.memory_space<vmem>>
        %dma_start3A_570 = tpu.memref_squeeze %dma_start3A_569 : memref<1x32xi32, #tpu.memory_space<vmem>> -> memref<32xi32, #tpu.memory_space<vmem>>
        %dma_start3A_571 = arith.constant 0 : i32
        %dma_start3A_572 = arith.constant 0 : i32
        %dma_start3A_573 = tpu.memref_slice %arg3[%dma_start3A_571, %dma_start3A_572] : memref<1000000x64xf32, #tpu.memory_space<hbm>> -> memref<1000000x64xf32, #tpu.memory_space<hbm>>
        tpu.enqueue_indirect_dma source(%dma_start3A_573 : memref<1000000x64xf32, #tpu.memory_space<hbm>>) target(%dma_start3A_567 : memref<32x64xf32, #tpu.memory_space<vmem>>) offsets(%dma_start3A_570 : memref<32xi32, #tpu.memory_space<vmem>>) semaphore(%arg8 : memref<!tpu.dma_semaphore, #tpu.memory_space<semaphore_mem>>)
      } else {
      }
      %ge3A_282 = arith.constant 2 : i32
      %ge3A_283 = arith.cmpi sge, %add3A_270, %ge3A_282 : i32
      %convert_element_type3A_284 = arith.extui %ge3A_283 : i1 to i32
      %cond3A_285 = arith.constant 0 : i32
      %cond3A_286 = arith.cmpi ne, %convert_element_type3A_284, %cond3A_285 : i32
      scf.if %cond3A_286 {
        %sub3A_526 = arith.constant 2 : i32
        %sub3A_527 = arith.subi %add3A_270, %sub3A_526 : i32
        %mul3A_528 = arith.constant 128 : i32
        %mul3A_529 = arith.muli %sub3A_527, %mul3A_528 : i32
        %add3A_530 = arith.addi %mul3A_2, %mul3A_529 : i32
        %dma_wait3A_531 = arith.constant 0 : i32
        %dma_wait3A_532 = arith.constant 0 : i32
        %dma_wait3A_533 = tpu.memref_slice %arg7[%rem3A_272, %dma_wait3A_531, %dma_wait3A_532] : memref<2x128x128xf32, #tpu.memory_space<vmem>> -> memref<1x128x128xf32, #tpu.memory_space<vmem>>
        %dma_wait3A_534 = tpu.memref_squeeze %dma_wait3A_533 : memref<1x128x128xf32, #tpu.memory_space<vmem>> -> memref<128x128xf32, #tpu.memory_space<vmem>>
        %dma_wait3A_535 = arith.constant 0 : i32
        %dma_wait3A_536 = tpu.memref_slice %arg4[%add3A_530, %dma_wait3A_535] : memref<819200x128xf32, #tpu.memory_space<hbm>> -> memref<128x128xf32, #tpu.memory_space<hbm>>
        %dma_wait3A_537 = arith.constant 0 : i32
        %dma_wait3A_538 = tpu.memref_slice %arg4[%add3A_530, %dma_wait3A_537] : memref<819200x128xf32, #tpu.memory_space<hbm>> -> memref<128x128xf32, #tpu.memory_space<hbm>>
        %dma_wait3A_539 = arith.constant 0 : i32
        %dma_wait3A_540 = arith.constant 0 : i32
        %dma_wait3A_541 = tpu.memref_slice %arg7[%rem3A_272, %dma_wait3A_539, %dma_wait3A_540] : memref<2x128x128xf32, #tpu.memory_space<vmem>> -> memref<1x128x128xf32, #tpu.memory_space<vmem>>
        %dma_wait3A_542 = tpu.memref_squeeze %dma_wait3A_541 : memref<1x128x128xf32, #tpu.memory_space<vmem>> -> memref<128x128xf32, #tpu.memory_space<vmem>>
        tpu.wait_dma2 semaphore(%arg9 : memref<!tpu.dma_semaphore, #tpu.memory_space<semaphore_mem>>) src(%dma_wait3A_542 : memref<128x128xf32, #tpu.memory_space<vmem>>) dst(%dma_wait3A_538 : memref<128x128xf32, #tpu.memory_space<hbm>>)
      } else {
      }
      %dma_wait3A_287 = arith.constant 1 : i32
      %dma_wait3A_288 = arith.constant 0 : i32
      %dma_wait3A_289 = arith.constant 0 : i32
      %dma_wait3A_290 = tpu.memref_slice %arg6[%dma_wait3A_287, %dma_wait3A_288, %dma_wait3A_289] : memref<4x128x64xf32, #tpu.memory_space<vmem>> -> memref<1x32x64xf32, #tpu.memory_space<vmem>>
      %dma_wait3A_291 = tpu.memref_squeeze %dma_wait3A_290 : memref<1x32x64xf32, #tpu.memory_space<vmem>> -> memref<32x64xf32, #tpu.memory_space<vmem>>
      %dma_wait3A_292 = arith.constant 0 : i32
      %dma_wait3A_293 = tpu.memref_slice %arg5[%add3A_270, %dma_wait3A_292] : memref<200x128xi32, #tpu.memory_space<vmem>> -> memref<1x32xi32, #tpu.memory_space<vmem>>
      %dma_wait3A_294 = tpu.memref_squeeze %dma_wait3A_293 : memref<1x32xi32, #tpu.memory_space<vmem>> -> memref<32xi32, #tpu.memory_space<vmem>>
      %dma_wait3A_295 = arith.constant 0 : i32
      %dma_wait3A_296 = arith.constant 0 : i32
      %dma_wait3A_297 = tpu.memref_slice %arg3[%dma_wait3A_295, %dma_wait3A_296] : memref<1000000x64xf32, #tpu.memory_space<hbm>> -> memref<1000000x64xf32, #tpu.memory_space<hbm>>
      tpu.wait_indirect_dma semaphore(%arg8 : memref<!tpu.dma_semaphore, #tpu.memory_space<semaphore_mem>>) src(%dma_wait3A_297 : memref<1000000x64xf32, #tpu.memory_space<hbm>>) dst(%dma_wait3A_291 : memref<32x64xf32, #tpu.memory_space<vmem>>)
      %dma_wait3A_298 = arith.constant 1 : i32
      %dma_wait3A_299 = arith.constant 32 : i32
      %dma_wait3A_300 = arith.constant 0 : i32
      %dma_wait3A_301 = tpu.memref_slice %arg6[%dma_wait3A_298, %dma_wait3A_299, %dma_wait3A_300] : memref<4x128x64xf32, #tpu.memory_space<vmem>> -> memref<1x32x64xf32, #tpu.memory_space<vmem>>
      %dma_wait3A_302 = tpu.memref_squeeze %dma_wait3A_301 : memref<1x32x64xf32, #tpu.memory_space<vmem>> -> memref<32x64xf32, #tpu.memory_space<vmem>>
      %dma_wait3A_303 = arith.constant 32 : i32
      %dma_wait3A_304 = tpu.memref_slice %arg5[%add3A_270, %dma_wait3A_303] : memref<200x128xi32, #tpu.memory_space<vmem>> -> memref<1x32xi32, #tpu.memory_space<vmem>>
      %dma_wait3A_305 = tpu.memref_squeeze %dma_wait3A_304 : memref<1x32xi32, #tpu.memory_space<vmem>> -> memref<32xi32, #tpu.memory_space<vmem>>
      %dma_wait3A_306 = arith.constant 0 : i32
      %dma_wait3A_307 = arith.constant 0 : i32
      %dma_wait3A_308 = tpu.memref_slice %arg3[%dma_wait3A_306, %dma_wait3A_307] : memref<1000000x64xf32, #tpu.memory_space<hbm>> -> memref<1000000x64xf32, #tpu.memory_space<hbm>>
      tpu.wait_indirect_dma semaphore(%arg8 : memref<!tpu.dma_semaphore, #tpu.memory_space<semaphore_mem>>) src(%dma_wait3A_308 : memref<1000000x64xf32, #tpu.memory_space<hbm>>) dst(%dma_wait3A_302 : memref<32x64xf32, #tpu.memory_space<vmem>>)
      %dma_wait3A_309 = arith.constant 1 : i32
      %dma_wait3A_310 = arith.constant 64 : i32
      %dma_wait3A_311 = arith.constant 0 : i32
      %dma_wait3A_312 = tpu.memref_slice %arg6[%dma_wait3A_309, %dma_wait3A_310, %dma_wait3A_311] : memref<4x128x64xf32, #tpu.memory_space<vmem>> -> memref<1x32x64xf32, #tpu.memory_space<vmem>>
      %dma_wait3A_313 = tpu.memref_squeeze %dma_wait3A_312 : memref<1x32x64xf32, #tpu.memory_space<vmem>> -> memref<32x64xf32, #tpu.memory_space<vmem>>
      %dma_wait3A_314 = arith.constant 64 : i32
      %dma_wait3A_315 = tpu.memref_slice %arg5[%add3A_270, %dma_wait3A_314] : memref<200x128xi32, #tpu.memory_space<vmem>> -> memref<1x32xi32, #tpu.memory_space<vmem>>
      %dma_wait3A_316 = tpu.memref_squeeze %dma_wait3A_315 : memref<1x32xi32, #tpu.memory_space<vmem>> -> memref<32xi32, #tpu.memory_space<vmem>>
      %dma_wait3A_317 = arith.constant 0 : i32
      %dma_wait3A_318 = arith.constant 0 : i32
      %dma_wait3A_319 = tpu.memref_slice %arg3[%dma_wait3A_317, %dma_wait3A_318] : memref<1000000x64xf32, #tpu.memory_space<hbm>> -> memref<1000000x64xf32, #tpu.memory_space<hbm>>
      tpu.wait_indirect_dma semaphore(%arg8 : memref<!tpu.dma_semaphore, #tpu.memory_space<semaphore_mem>>) src(%dma_wait3A_319 : memref<1000000x64xf32, #tpu.memory_space<hbm>>) dst(%dma_wait3A_313 : memref<32x64xf32, #tpu.memory_space<vmem>>)
      %dma_wait3A_320 = arith.constant 1 : i32
      %dma_wait3A_321 = arith.constant 96 : i32
      %dma_wait3A_322 = arith.constant 0 : i32
      %dma_wait3A_323 = tpu.memref_slice %arg6[%dma_wait3A_320, %dma_wait3A_321, %dma_wait3A_322] : memref<4x128x64xf32, #tpu.memory_space<vmem>> -> memref<1x32x64xf32, #tpu.memory_space<vmem>>
      %dma_wait3A_324 = tpu.memref_squeeze %dma_wait3A_323 : memref<1x32x64xf32, #tpu.memory_space<vmem>> -> memref<32x64xf32, #tpu.memory_space<vmem>>
      %dma_wait3A_325 = arith.constant 96 : i32
      %dma_wait3A_326 = tpu.memref_slice %arg5[%add3A_270, %dma_wait3A_325] : memref<200x128xi32, #tpu.memory_space<vmem>> -> memref<1x32xi32, #tpu.memory_space<vmem>>
      %dma_wait3A_327 = tpu.memref_squeeze %dma_wait3A_326 : memref<1x32xi32, #tpu.memory_space<vmem>> -> memref<32xi32, #tpu.memory_space<vmem>>
      %dma_wait3A_328 = arith.constant 0 : i32
      %dma_wait3A_329 = arith.constant 0 : i32
      %dma_wait3A_330 = tpu.memref_slice %arg3[%dma_wait3A_328, %dma_wait3A_329] : memref<1000000x64xf32, #tpu.memory_space<hbm>> -> memref<1000000x64xf32, #tpu.memory_space<hbm>>
      tpu.wait_indirect_dma semaphore(%arg8 : memref<!tpu.dma_semaphore, #tpu.memory_space<semaphore_mem>>) src(%dma_wait3A_330 : memref<1000000x64xf32, #tpu.memory_space<hbm>>) dst(%dma_wait3A_324 : memref<32x64xf32, #tpu.memory_space<vmem>>)
      %scan3A_331 = arith.constant 0 : i32
      %scan3A_332 = arith.constant 0 : i32
      %scan3A_333 = arith.constant 128 : i32
      %scan3A_334 = arith.addi %scan3A_332, %scan3A_333 : i32
      %scan3A_335 = arith.constant 4 : i32
      %scan3A_336 = scf.for %scan3A_526 = %scan3A_332 to %scan3A_334 step %scan3A_335 iter_args(%scan3A_527 = %scan3A_331) -> (i32)  : i32 {
        %get3A = arith.constant 1 : i32
        %get3A_528 = arith.index_cast %get3A : i32 to index
        %get3A_529 = arith.index_cast %scan3A_526 : i32 to index
        %get3A_530 = arith.constant 0 : index
        %get3A_531 = tpu.vector_load %arg6[%get3A_528, %get3A_529, %get3A_530] {strides = array<i32>} : memref<4x128x64xf32, #tpu.memory_space<vmem>>, vector<16xf32>,
        %mul3A_532 = arith.constant 8.000000e+00 : f32
        %mul3A_533 = vector.broadcast %mul3A_532 : f32 to vector<16xf32>
        %mul3A_534 = arith.mulf %get3A_531, %mul3A_533 : vector<16xf32>
        %swap3A = arith.index_cast %rem3A_272 : i32 to index
        %swap3A_535 = arith.index_cast %scan3A_526 : i32 to index
        %swap3A_536 = arith.constant 0 : index
        %swap3A_537 = tpu.vector_load %arg7[%swap3A, %swap3A_535, %swap3A_536] {strides = array<i32>} : memref<2x128x128xf32, #tpu.memory_space<vmem>>, vector<16xf32>,
        tpu.vector_store %arg7[%swap3A, %swap3A_535, %swap3A_536], %mul3A_534 {strides = array<i32>} : memref<2x128x128xf32, #tpu.memory_space<vmem>>, vector<16xf32>,
        %get3A_538 = arith.constant 1 : i32
        %get3A_539 = arith.index_cast %get3A_538 : i32 to index
        %get3A_540 = arith.index_cast %scan3A_526 : i32 to index
        %get3A_541 = arith.constant 16 : index
        %get3A_542 = tpu.vector_load %arg6[%get3A_539, %get3A_540, %get3A_541] {strides = array<i32>} : memref<4x128x64xf32, #tpu.memory_space<vmem>>, vector<16xf32>,
        %mul3A_543 = arith.constant 8.000000e+00 : f32
        %mul3A_544 = vector.broadcast %mul3A_543 : f32 to vector<16xf32>
        %mul3A_545 = arith.mulf %get3A_542, %mul3A_544 : vector<16xf32>
        %swap3A_546 = arith.index_cast %rem3A_272 : i32 to index
        %swap3A_547 = arith.index_cast %scan3A_526 : i32 to index
        %swap3A_548 = arith.constant 16 : index
        %swap3A_549 = tpu.vector_load %arg7[%swap3A_546, %swap3A_547, %swap3A_548] {strides = array<i32>} : memref<2x128x128xf32, #tpu.memory_space<vmem>>, vector<16xf32>,
        tpu.vector_store %arg7[%swap3A_546, %swap3A_547, %swap3A_548], %mul3A_545 {strides = array<i32>} : memref<2x128x128xf32, #tpu.memory_space<vmem>>, vector<16xf32>,
        %get3A_550 = arith.constant 1 : i32
        %get3A_551 = arith.index_cast %get3A_550 : i32 to index
        %get3A_552 = arith.index_cast %scan3A_526 : i32 to index
        %get3A_553 = arith.constant 32 : index
        %get3A_554 = tpu.vector_load %arg6[%get3A_551, %get3A_552, %get3A_553] {strides = array<i32>} : memref<4x128x64xf32, #tpu.memory_space<vmem>>, vector<16xf32>,
        %mul3A_555 = arith.constant 8.000000e+00 : f32
        %mul3A_556 = vector.broadcast %mul3A_555 : f32 to vector<16xf32>
        %mul3A_557 = arith.mulf %get3A_554, %mul3A_556 : vector<16xf32>
        %swap3A_558 = arith.index_cast %rem3A_272 : i32 to index
        %swap3A_559 = arith.index_cast %scan3A_526 : i32 to index
        %swap3A_560 = arith.constant 32 : index
        %swap3A_561 = tpu.vector_load %arg7[%swap3A_558, %swap3A_559, %swap3A_560] {strides = array<i32>} : memref<2x128x128xf32, #tpu.memory_space<vmem>>, vector<16xf32>,
        tpu.vector_store %arg7[%swap3A_558, %swap3A_559, %swap3A_560], %mul3A_557 {strides = array<i32>} : memref<2x128x128xf32, #tpu.memory_space<vmem>>, vector<16xf32>,
        %get3A_562 = arith.constant 1 : i32
        %get3A_563 = arith.index_cast %get3A_562 : i32 to index
        %get3A_564 = arith.index_cast %scan3A_526 : i32 to index
        %get3A_565 = arith.constant 48 : index
        %get3A_566 = tpu.vector_load %arg6[%get3A_563, %get3A_564, %get3A_565] {strides = array<i32>} : memref<4x128x64xf32, #tpu.memory_space<vmem>>, vector<16xf32>,
        %mul3A_567 = arith.constant 8.000000e+00 : f32
        %mul3A_568 = vector.broadcast %mul3A_567 : f32 to vector<16xf32>
        %mul3A_569 = arith.mulf %get3A_566, %mul3A_568 : vector<16xf32>
        %swap3A_570 = arith.index_cast %rem3A_272 : i32 to index
        %swap3A_571 = arith.index_cast %scan3A_526 : i32 to index
        %swap3A_572 = arith.constant 48 : index
        %swap3A_573 = tpu.vector_load %arg7[%swap3A_570, %swap3A_571, %swap3A_572] {strides = array<i32>} : memref<2x128x128xf32, #tpu.memory_space<vmem>>, vector<16xf32>,
        tpu.vector_store %arg7[%swap3A_570, %swap3A_571, %swap3A_572], %mul3A_569 {strides = array<i32>} : memref<2x128x128xf32, #tpu.memory_space<vmem>>, vector<16xf32>,
        %scan3A_574 = arith.constant 0 : i32
        %scan3A_575 = arith.constant 1 : i32
        %scan3A_576 = arith.addi %scan3A_526, %scan3A_575 : i32
        %get3A_577 = arith.constant 1 : i32
        %get3A_578 = arith.index_cast %get3A_577 : i32 to index
        %get3A_579 = arith.index_cast %scan3A_576 : i32 to index
        %get3A_580 = arith.constant 0 : index
        %get3A_581 = tpu.vector_load %arg6[%get3A_578, %get3A_579, %get3A_580] {strides = array<i32>} : memref<4x128x64xf32, #tpu.memory_space<vmem>>, vector<16xf32>,
        %mul3A_582 = arith.constant 8.000000e+00 : f32
        %mul3A_583 = vector.broadcast %mul3A_582 : f32 to vector<16xf32>
        %mul3A_584 = arith.mulf %get3A_581, %mul3A_583 : vector<16xf32>
        %swap3A_585 = arith.index_cast %rem3A_272 : i32 to index
        %swap3A_586 = arith.index_cast %scan3A_576 : i32 to index
        %swap3A_587 = arith.constant 0 : index
        %swap3A_588 = tpu.vector_load %arg7[%swap3A_585, %swap3A_586, %swap3A_587] {strides = array<i32>} : memref<2x128x128xf32, #tpu.memory_space<vmem>>, vector<16xf32>,
        tpu.vector_store %arg7[%swap3A_585, %swap3A_586, %swap3A_587], %mul3A_584 {strides = array<i32>} : memref<2x128x128xf32, #tpu.memory_space<vmem>>, vector<16xf32>,
        %get3A_589 = arith.constant 1 : i32
        %get3A_590 = arith.index_cast %get3A_589 : i32 to index
        %get3A_591 = arith.index_cast %scan3A_576 : i32 to index
        %get3A_592 = arith.constant 16 : index
        %get3A_593 = tpu.vector_load %arg6[%get3A_590, %get3A_591, %get3A_592] {strides = array<i32>} : memref<4x128x64xf32, #tpu.memory_space<vmem>>, vector<16xf32>,
        %mul3A_594 = arith.constant 8.000000e+00 : f32
        %mul3A_595 = vector.broadcast %mul3A_594 : f32 to vector<16xf32>
        %mul3A_596 = arith.mulf %get3A_593, %mul3A_595 : vector<16xf32>
        %swap3A_597 = arith.index_cast %rem3A_272 : i32 to index
        %swap3A_598 = arith.index_cast %scan3A_576 : i32 to index
        %swap3A_599 = arith.constant 16 : index
        %swap3A_600 = tpu.vector_load %arg7[%swap3A_597, %swap3A_598, %swap3A_599] {strides = array<i32>} : memref<2x128x128xf32, #tpu.memory_space<vmem>>, vector<16xf32>,
        tpu.vector_store %arg7[%swap3A_597, %swap3A_598, %swap3A_599], %mul3A_596 {strides = array<i32>} : memref<2x128x128xf32, #tpu.memory_space<vmem>>, vector<16xf32>,
        %get3A_601 = arith.constant 1 : i32
        %get3A_602 = arith.index_cast %get3A_601 : i32 to index
        %get3A_603 = arith.index_cast %scan3A_576 : i32 to index
        %get3A_604 = arith.constant 32 : index
        %get3A_605 = tpu.vector_load %arg6[%get3A_602, %get3A_603, %get3A_604] {strides = array<i32>} : memref<4x128x64xf32, #tpu.memory_space<vmem>>, vector<16xf32>,
        %mul3A_606 = arith.constant 8.000000e+00 : f32
        %mul3A_607 = vector.broadcast %mul3A_606 : f32 to vector<16xf32>
        %mul3A_608 = arith.mulf %get3A_605, %mul3A_607 : vector<16xf32>
        %swap3A_609 = arith.index_cast %rem3A_272 : i32 to index
        %swap3A_610 = arith.index_cast %scan3A_576 : i32 to index
        %swap3A_611 = arith.constant 32 : index
        %swap3A_612 = tpu.vector_load %arg7[%swap3A_609, %swap3A_610, %swap3A_611] {strides = array<i32>} : memref<2x128x128xf32, #tpu.memory_space<vmem>>, vector<16xf32>,
        tpu.vector_store %arg7[%swap3A_609, %swap3A_610, %swap3A_611], %mul3A_608 {strides = array<i32>} : memref<2x128x128xf32, #tpu.memory_space<vmem>>, vector<16xf32>,
        %get3A_613 = arith.constant 1 : i32
        %get3A_614 = arith.index_cast %get3A_613 : i32 to index
        %get3A_615 = arith.index_cast %scan3A_576 : i32 to index
        %get3A_616 = arith.constant 48 : index
        %get3A_617 = tpu.vector_load %arg6[%get3A_614, %get3A_615, %get3A_616] {strides = array<i32>} : memref<4x128x64xf32, #tpu.memory_space<vmem>>, vector<16xf32>,
        %mul3A_618 = arith.constant 8.000000e+00 : f32
        %mul3A_619 = vector.broadcast %mul3A_618 : f32 to vector<16xf32>
        %mul3A_620 = arith.mulf %get3A_617, %mul3A_619 : vector<16xf32>
        %swap3A_621 = arith.index_cast %rem3A_272 : i32 to index
        %swap3A_622 = arith.index_cast %scan3A_576 : i32 to index
        %swap3A_623 = arith.constant 48 : index
        %swap3A_624 = tpu.vector_load %arg7[%swap3A_621, %swap3A_622, %swap3A_623] {strides = array<i32>} : memref<2x128x128xf32, #tpu.memory_space<vmem>>, vector<16xf32>,
        tpu.vector_store %arg7[%swap3A_621, %swap3A_622, %swap3A_623], %mul3A_620 {strides = array<i32>} : memref<2x128x128xf32, #tpu.memory_space<vmem>>, vector<16xf32>,
        %scan3A_625 = arith.constant 0 : i32
        %scan3A_626 = arith.constant 2 : i32
        %scan3A_627 = arith.addi %scan3A_526, %scan3A_626 : i32
        %get3A_628 = arith.constant 1 : i32
        %get3A_629 = arith.index_cast %get3A_628 : i32 to index
        %get3A_630 = arith.index_cast %scan3A_627 : i32 to index
        %get3A_631 = arith.constant 0 : index
        %get3A_632 = tpu.vector_load %arg6[%get3A_629, %get3A_630, %get3A_631] {strides = array<i32>} : memref<4x128x64xf32, #tpu.memory_space<vmem>>, vector<16xf32>,
        %mul3A_633 = arith.constant 8.000000e+00 : f32
        %mul3A_634 = vector.broadcast %mul3A_633 : f32 to vector<16xf32>
        %mul3A_635 = arith.mulf %get3A_632, %mul3A_634 : vector<16xf32>
        %swap3A_636 = arith.index_cast %rem3A_272 : i32 to index
        %swap3A_637 = arith.index_cast %scan3A_627 : i32 to index
        %swap3A_638 = arith.constant 0 : index
        %swap3A_639 = tpu.vector_load %arg7[%swap3A_636, %swap3A_637, %swap3A_638] {strides = array<i32>} : memref<2x128x128xf32, #tpu.memory_space<vmem>>, vector<16xf32>,
        tpu.vector_store %arg7[%swap3A_636, %swap3A_637, %swap3A_638], %mul3A_635 {strides = array<i32>} : memref<2x128x128xf32, #tpu.memory_space<vmem>>, vector<16xf32>,
        %get3A_640 = arith.constant 1 : i32
        %get3A_641 = arith.index_cast %get3A_640 : i32 to index
        %get3A_642 = arith.index_cast %scan3A_627 : i32 to index
        %get3A_643 = arith.constant 16 : index
        %get3A_644 = tpu.vector_load %arg6[%get3A_641, %get3A_642, %get3A_643] {strides = array<i32>} : memref<4x128x64xf32, #tpu.memory_space<vmem>>, vector<16xf32>,
        %mul3A_645 = arith.constant 8.000000e+00 : f32
        %mul3A_646 = vector.broadcast %mul3A_645 : f32 to vector<16xf32>
        %mul3A_647 = arith.mulf %get3A_644, %mul3A_646 : vector<16xf32>
        %swap3A_648 = arith.index_cast %rem3A_272 : i32 to index
        %swap3A_649 = arith.index_cast %scan3A_627 : i32 to index
        %swap3A_650 = arith.constant 16 : index
        %swap3A_651 = tpu.vector_load %arg7[%swap3A_648, %swap3A_649, %swap3A_650] {strides = array<i32>} : memref<2x128x128xf32, #tpu.memory_space<vmem>>, vector<16xf32>,
        tpu.vector_store %arg7[%swap3A_648, %swap3A_649, %swap3A_650], %mul3A_647 {strides = array<i32>} : memref<2x128x128xf32, #tpu.memory_space<vmem>>, vector<16xf32>,
        %get3A_652 = arith.constant 1 : i32
        %get3A_653 = arith.index_cast %get3A_652 : i32 to index
        %get3A_654 = arith.index_cast %scan3A_627 : i32 to index
        %get3A_655 = arith.constant 32 : index
        %get3A_656 = tpu.vector_load %arg6[%get3A_653, %get3A_654, %get3A_655] {strides = array<i32>} : memref<4x128x64xf32, #tpu.memory_space<vmem>>, vector<16xf32>,
        %mul3A_657 = arith.constant 8.000000e+00 : f32
        %mul3A_658 = vector.broadcast %mul3A_657 : f32 to vector<16xf32>
        %mul3A_659 = arith.mulf %get3A_656, %mul3A_658 : vector<16xf32>
        %swap3A_660 = arith.index_cast %rem3A_272 : i32 to index
        %swap3A_661 = arith.index_cast %scan3A_627 : i32 to index
        %swap3A_662 = arith.constant 32 : index
        %swap3A_663 = tpu.vector_load %arg7[%swap3A_660, %swap3A_661, %swap3A_662] {strides = array<i32>} : memref<2x128x128xf32, #tpu.memory_space<vmem>>, vector<16xf32>,
        tpu.vector_store %arg7[%swap3A_660, %swap3A_661, %swap3A_662], %mul3A_659 {strides = array<i32>} : memref<2x128x128xf32, #tpu.memory_space<vmem>>, vector<16xf32>,
        %get3A_664 = arith.constant 1 : i32
        %get3A_665 = arith.index_cast %get3A_664 : i32 to index
        %get3A_666 = arith.index_cast %scan3A_627 : i32 to index
        %get3A_667 = arith.constant 48 : index
        %get3A_668 = tpu.vector_load %arg6[%get3A_665, %get3A_666, %get3A_667] {strides = array<i32>} : memref<4x128x64xf32, #tpu.memory_space<vmem>>, vector<16xf32>,
        %mul3A_669 = arith.constant 8.000000e+00 : f32
        %mul3A_670 = vector.broadcast %mul3A_669 : f32 to vector<16xf32>
        %mul3A_671 = arith.mulf %get3A_668, %mul3A_670 : vector<16xf32>
        %swap3A_672 = arith.index_cast %rem3A_272 : i32 to index
        %swap3A_673 = arith.index_cast %scan3A_627 : i32 to index
        %swap3A_674 = arith.constant 48 : index
        %swap3A_675 = tpu.vector_load %arg7[%swap3A_672, %swap3A_673, %swap3A_674] {strides = array<i32>} : memref<2x128x128xf32, #tpu.memory_space<vmem>>, vector<16xf32>,
        tpu.vector_store %arg7[%swap3A_672, %swap3A_673, %swap3A_674], %mul3A_671 {strides = array<i32>} : memref<2x128x128xf32, #tpu.memory_space<vmem>>, vector<16xf32>,
        %scan3A_676 = arith.constant 0 : i32
        %scan3A_677 = arith.constant 3 : i32
        %scan3A_678 = arith.addi %scan3A_526, %scan3A_677 : i32
        %get3A_679 = arith.constant 1 : i32
        %get3A_680 = arith.index_cast %get3A_679 : i32 to index
        %get3A_681 = arith.index_cast %scan3A_678 : i32 to index
        %get3A_682 = arith.constant 0 : index
        %get3A_683 = tpu.vector_load %arg6[%get3A_680, %get3A_681, %get3A_682] {strides = array<i32>} : memref<4x128x64xf32, #tpu.memory_space<vmem>>, vector<16xf32>,
        %mul3A_684 = arith.constant 8.000000e+00 : f32
        %mul3A_685 = vector.broadcast %mul3A_684 : f32 to vector<16xf32>
        %mul3A_686 = arith.mulf %get3A_683, %mul3A_685 : vector<16xf32>
        %swap3A_687 = arith.index_cast %rem3A_272 : i32 to index
        %swap3A_688 = arith.index_cast %scan3A_678 : i32 to index
        %swap3A_689 = arith.constant 0 : index
        %swap3A_690 = tpu.vector_load %arg7[%swap3A_687, %swap3A_688, %swap3A_689] {strides = array<i32>} : memref<2x128x128xf32, #tpu.memory_space<vmem>>, vector<16xf32>,
        tpu.vector_store %arg7[%swap3A_687, %swap3A_688, %swap3A_689], %mul3A_686 {strides = array<i32>} : memref<2x128x128xf32, #tpu.memory_space<vmem>>, vector<16xf32>,
        %get3A_691 = arith.constant 1 : i32
        %get3A_692 = arith.index_cast %get3A_691 : i32 to index
        %get3A_693 = arith.index_cast %scan3A_678 : i32 to index
        %get3A_694 = arith.constant 16 : index
        %get3A_695 = tpu.vector_load %arg6[%get3A_692, %get3A_693, %get3A_694] {strides = array<i32>} : memref<4x128x64xf32, #tpu.memory_space<vmem>>, vector<16xf32>,
        %mul3A_696 = arith.constant 8.000000e+00 : f32
        %mul3A_697 = vector.broadcast %mul3A_696 : f32 to vector<16xf32>
        %mul3A_698 = arith.mulf %get3A_695, %mul3A_697 : vector<16xf32>
        %swap3A_699 = arith.index_cast %rem3A_272 : i32 to index
        %swap3A_700 = arith.index_cast %scan3A_678 : i32 to index
        %swap3A_701 = arith.constant 16 : index
        %swap3A_702 = tpu.vector_load %arg7[%swap3A_699, %swap3A_700, %swap3A_701] {strides = array<i32>} : memref<2x128x128xf32, #tpu.memory_space<vmem>>, vector<16xf32>,
        tpu.vector_store %arg7[%swap3A_699, %swap3A_700, %swap3A_701], %mul3A_698 {strides = array<i32>} : memref<2x128x128xf32, #tpu.memory_space<vmem>>, vector<16xf32>,
        %get3A_703 = arith.constant 1 : i32
        %get3A_704 = arith.index_cast %get3A_703 : i32 to index
        %get3A_705 = arith.index_cast %scan3A_678 : i32 to index
        %get3A_706 = arith.constant 32 : index
        %get3A_707 = tpu.vector_load %arg6[%get3A_704, %get3A_705, %get3A_706] {strides = array<i32>} : memref<4x128x64xf32, #tpu.memory_space<vmem>>, vector<16xf32>,
        %mul3A_708 = arith.constant 8.000000e+00 : f32
        %mul3A_709 = vector.broadcast %mul3A_708 : f32 to vector<16xf32>
        %mul3A_710 = arith.mulf %get3A_707, %mul3A_709 : vector<16xf32>
        %swap3A_711 = arith.index_cast %rem3A_272 : i32 to index
        %swap3A_712 = arith.index_cast %scan3A_678 : i32 to index
        %swap3A_713 = arith.constant 32 : index
        %swap3A_714 = tpu.vector_load %arg7[%swap3A_711, %swap3A_712, %swap3A_713] {strides = array<i32>} : memref<2x128x128xf32, #tpu.memory_space<vmem>>, vector<16xf32>,
        tpu.vector_store %arg7[%swap3A_711, %swap3A_712, %swap3A_713], %mul3A_710 {strides = array<i32>} : memref<2x128x128xf32, #tpu.memory_space<vmem>>, vector<16xf32>,
        %get3A_715 = arith.constant 1 : i32
        %get3A_716 = arith.index_cast %get3A_715 : i32 to index
        %get3A_717 = arith.index_cast %scan3A_678 : i32 to index
        %get3A_718 = arith.constant 48 : index
        %get3A_719 = tpu.vector_load %arg6[%get3A_716, %get3A_717, %get3A_718] {strides = array<i32>} : memref<4x128x64xf32, #tpu.memory_space<vmem>>, vector<16xf32>,
        %mul3A_720 = arith.constant 8.000000e+00 : f32
        %mul3A_721 = vector.broadcast %mul3A_720 : f32 to vector<16xf32>
        %mul3A_722 = arith.mulf %get3A_719, %mul3A_721 : vector<16xf32>
        %swap3A_723 = arith.index_cast %rem3A_272 : i32 to index
        %swap3A_724 = arith.index_cast %scan3A_678 : i32 to index
        %swap3A_725 = arith.constant 48 : index
        %swap3A_726 = tpu.vector_load %arg7[%swap3A_723, %swap3A_724, %swap3A_725] {strides = array<i32>} : memref<2x128x128xf32, #tpu.memory_space<vmem>>, vector<16xf32>,
        tpu.vector_store %arg7[%swap3A_723, %swap3A_724, %swap3A_725], %mul3A_722 {strides = array<i32>} : memref<2x128x128xf32, #tpu.memory_space<vmem>>, vector<16xf32>,
        %scan3A_727 = arith.constant 0 : i32
        scf.yield %scan3A_727 : i32
      }
      %scan3A_337 = arith.constant 128 : i32
      %mul3A_338 = arith.constant 128 : i32
      %mul3A_339 = arith.muli %add3A_270, %mul3A_338 : i32
      %add3A_340 = arith.addi %mul3A_2, %mul3A_339 : i32
      %dma_start3A_341 = arith.constant 0 : i32
      %dma_start3A_342 = arith.constant 0 : i32
      %dma_start3A_343 = tpu.memref_slice %arg7[%rem3A_272, %dma_start3A_341, %dma_start3A_342] : memref<2x128x128xf32, #tpu.memory_space<vmem>> -> memref<1x128x128xf32, #tpu.memory_space<vmem>>
      %dma_start3A_344 = tpu.memref_squeeze %dma_start3A_343 : memref<1x128x128xf32, #tpu.memory_space<vmem>> -> memref<128x128xf32, #tpu.memory_space<vmem>>
      %dma_start3A_345 = arith.constant 0 : i32
      %dma_start3A_346 = tpu.memref_slice %arg4[%add3A_340, %dma_start3A_345] : memref<819200x128xf32, #tpu.memory_space<hbm>> -> memref<128x128xf32, #tpu.memory_space<hbm>>
      %dma_start3A_347 = arith.constant 0 : i32
      %dma_start3A_348 = tpu.memref_slice %arg4[%add3A_340, %dma_start3A_347] : memref<819200x128xf32, #tpu.memory_space<hbm>> -> memref<128x128xf32, #tpu.memory_space<hbm>>
      %dma_start3A_349 = arith.constant 0 : i32
      %dma_start3A_350 = arith.constant 0 : i32
      %dma_start3A_351 = tpu.memref_slice %arg7[%rem3A_272, %dma_start3A_349, %dma_start3A_350] : memref<2x128x128xf32, #tpu.memory_space<vmem>> -> memref<1x128x128xf32, #tpu.memory_space<vmem>>
      %dma_start3A_352 = tpu.memref_squeeze %dma_start3A_351 : memref<1x128x128xf32, #tpu.memory_space<vmem>> -> memref<128x128xf32, #tpu.memory_space<vmem>>
      tpu.enqueue_dma source(%dma_start3A_352 : memref<128x128xf32, #tpu.memory_space<vmem>>) target(%dma_start3A_348 : memref<128x128xf32, #tpu.memory_space<hbm>>) target_semaphore(%arg9 : memref<!tpu.dma_semaphore, #tpu.memory_space<semaphore_mem>>)
      %mul3A_353 = arith.constant 4 : i32
      %mul3A_354 = arith.muli %scan3A_184, %mul3A_353 : i32
      %add3A_355 = arith.constant 2 : i32
      %add3A_356 = arith.addi %mul3A_354, %add3A_355 : i32
      %rem3A_357 = arith.constant 2 : i32
      %rem3A_358 = arith.remsi %add3A_356, %rem3A_357 : i32
      %add3A_359 = arith.constant 4 : i32
      %add3A_360 = arith.addi %add3A_356, %add3A_359 : i32
      %sub3A_361 = arith.constant 1 : i32
      %sub3A_362 = arith.subi %add3A_360, %sub3A_361 : i32
      %lt3A_363 = arith.constant 200 : i32
      %lt3A_364 = arith.cmpi slt, %sub3A_362, %lt3A_363 : i32
      %convert_element_type3A_365 = arith.extui %lt3A_364 : i1 to i32
      %cond3A_366 = arith.constant 0 : i32
      %cond3A_367 = arith.cmpi ne, %convert_element_type3A_365, %cond3A_366 : i32
      scf.if %cond3A_367 {
        %add3A_526 = arith.constant 4 : i32
        %add3A_527 = arith.addi %add3A_356, %add3A_526 : i32
        %sub3A_528 = arith.constant 1 : i32
        %sub3A_529 = arith.subi %add3A_527, %sub3A_528 : i32
        %dma_start3A_530 = arith.constant 1 : i32
        %dma_start3A_531 = arith.constant 0 : i32
        %dma_start3A_532 = arith.constant 0 : i32
        %dma_start3A_533 = tpu.memref_slice %arg6[%dma_start3A_530, %dma_start3A_531, %dma_start3A_532] : memref<4x128x64xf32, #tpu.memory_space<vmem>> -> memref<1x32x64xf32, #tpu.memory_space<vmem>>
        %dma_start3A_534 = tpu.memref_squeeze %dma_start3A_533 : memref<1x32x64xf32, #tpu.memory_space<vmem>> -> memref<32x64xf32, #tpu.memory_space<vmem>>
        %dma_start3A_535 = arith.constant 0 : i32
        %dma_start3A_536 = tpu.memref_slice %arg5[%sub3A_529, %dma_start3A_535] : memref<200x128xi32, #tpu.memory_space<vmem>> -> memref<1x32xi32, #tpu.memory_space<vmem>>
        %dma_start3A_537 = tpu.memref_squeeze %dma_start3A_536 : memref<1x32xi32, #tpu.memory_space<vmem>> -> memref<32xi32, #tpu.memory_space<vmem>>
        %dma_start3A_538 = arith.constant 0 : i32
        %dma_start3A_539 = arith.constant 0 : i32
        %dma_start3A_540 = tpu.memref_slice %arg3[%dma_start3A_538, %dma_start3A_539] : memref<1000000x64xf32, #tpu.memory_space<hbm>> -> memref<1000000x64xf32, #tpu.memory_space<hbm>>
        tpu.enqueue_indirect_dma source(%dma_start3A_540 : memref<1000000x64xf32, #tpu.memory_space<hbm>>) target(%dma_start3A_534 : memref<32x64xf32, #tpu.memory_space<vmem>>) offsets(%dma_start3A_537 : memref<32xi32, #tpu.memory_space<vmem>>) semaphore(%arg8 : memref<!tpu.dma_semaphore, #tpu.memory_space<semaphore_mem>>)
        %dma_start3A_541 = arith.constant 1 : i32
        %dma_start3A_542 = arith.constant 32 : i32
        %dma_start3A_543 = arith.constant 0 : i32
        %dma_start3A_544 = tpu.memref_slice %arg6[%dma_start3A_541, %dma_start3A_542, %dma_start3A_543] : memref<4x128x64xf32, #tpu.memory_space<vmem>> -> memref<1x32x64xf32, #tpu.memory_space<vmem>>
        %dma_start3A_545 = tpu.memref_squeeze %dma_start3A_544 : memref<1x32x64xf32, #tpu.memory_space<vmem>> -> memref<32x64xf32, #tpu.memory_space<vmem>>
        %dma_start3A_546 = arith.constant 32 : i32
        %dma_start3A_547 = tpu.memref_slice %arg5[%sub3A_529, %dma_start3A_546] : memref<200x128xi32, #tpu.memory_space<vmem>> -> memref<1x32xi32, #tpu.memory_space<vmem>>
        %dma_start3A_548 = tpu.memref_squeeze %dma_start3A_547 : memref<1x32xi32, #tpu.memory_space<vmem>> -> memref<32xi32, #tpu.memory_space<vmem>>
        %dma_start3A_549 = arith.constant 0 : i32
        %dma_start3A_550 = arith.constant 0 : i32
        %dma_start3A_551 = tpu.memref_slice %arg3[%dma_start3A_549, %dma_start3A_550] : memref<1000000x64xf32, #tpu.memory_space<hbm>> -> memref<1000000x64xf32, #tpu.memory_space<hbm>>
        tpu.enqueue_indirect_dma source(%dma_start3A_551 : memref<1000000x64xf32, #tpu.memory_space<hbm>>) target(%dma_start3A_545 : memref<32x64xf32, #tpu.memory_space<vmem>>) offsets(%dma_start3A_548 : memref<32xi32, #tpu.memory_space<vmem>>) semaphore(%arg8 : memref<!tpu.dma_semaphore, #tpu.memory_space<semaphore_mem>>)
        %dma_start3A_552 = arith.constant 1 : i32
        %dma_start3A_553 = arith.constant 64 : i32
        %dma_start3A_554 = arith.constant 0 : i32
        %dma_start3A_555 = tpu.memref_slice %arg6[%dma_start3A_552, %dma_start3A_553, %dma_start3A_554] : memref<4x128x64xf32, #tpu.memory_space<vmem>> -> memref<1x32x64xf32, #tpu.memory_space<vmem>>
        %dma_start3A_556 = tpu.memref_squeeze %dma_start3A_555 : memref<1x32x64xf32, #tpu.memory_space<vmem>> -> memref<32x64xf32, #tpu.memory_space<vmem>>
        %dma_start3A_557 = arith.constant 64 : i32
        %dma_start3A_558 = tpu.memref_slice %arg5[%sub3A_529, %dma_start3A_557] : memref<200x128xi32, #tpu.memory_space<vmem>> -> memref<1x32xi32, #tpu.memory_space<vmem>>
        %dma_start3A_559 = tpu.memref_squeeze %dma_start3A_558 : memref<1x32xi32, #tpu.memory_space<vmem>> -> memref<32xi32, #tpu.memory_space<vmem>>
        %dma_start3A_560 = arith.constant 0 : i32
        %dma_start3A_561 = arith.constant 0 : i32
        %dma_start3A_562 = tpu.memref_slice %arg3[%dma_start3A_560, %dma_start3A_561] : memref<1000000x64xf32, #tpu.memory_space<hbm>> -> memref<1000000x64xf32, #tpu.memory_space<hbm>>
        tpu.enqueue_indirect_dma source(%dma_start3A_562 : memref<1000000x64xf32, #tpu.memory_space<hbm>>) target(%dma_start3A_556 : memref<32x64xf32, #tpu.memory_space<vmem>>) offsets(%dma_start3A_559 : memref<32xi32, #tpu.memory_space<vmem>>) semaphore(%arg8 : memref<!tpu.dma_semaphore, #tpu.memory_space<semaphore_mem>>)
        %dma_start3A_563 = arith.constant 1 : i32
        %dma_start3A_564 = arith.constant 96 : i32
        %dma_start3A_565 = arith.constant 0 : i32
        %dma_start3A_566 = tpu.memref_slice %arg6[%dma_start3A_563, %dma_start3A_564, %dma_start3A_565] : memref<4x128x64xf32, #tpu.memory_space<vmem>> -> memref<1x32x64xf32, #tpu.memory_space<vmem>>
        %dma_start3A_567 = tpu.memref_squeeze %dma_start3A_566 : memref<1x32x64xf32, #tpu.memory_space<vmem>> -> memref<32x64xf32, #tpu.memory_space<vmem>>
        %dma_start3A_568 = arith.constant 96 : i32
        %dma_start3A_569 = tpu.memref_slice %arg5[%sub3A_529, %dma_start3A_568] : memref<200x128xi32, #tpu.memory_space<vmem>> -> memref<1x32xi32, #tpu.memory_space<vmem>>
        %dma_start3A_570 = tpu.memref_squeeze %dma_start3A_569 : memref<1x32xi32, #tpu.memory_space<vmem>> -> memref<32xi32, #tpu.memory_space<vmem>>
        %dma_start3A_571 = arith.constant 0 : i32
        %dma_start3A_572 = arith.constant 0 : i32
        %dma_start3A_573 = tpu.memref_slice %arg3[%dma_start3A_571, %dma_start3A_572] : memref<1000000x64xf32, #tpu.memory_space<hbm>> -> memref<1000000x64xf32, #tpu.memory_space<hbm>>
        tpu.enqueue_indirect_dma source(%dma_start3A_573 : memref<1000000x64xf32, #tpu.memory_space<hbm>>) target(%dma_start3A_567 : memref<32x64xf32, #tpu.memory_space<vmem>>) offsets(%dma_start3A_570 : memref<32xi32, #tpu.memory_space<vmem>>) semaphore(%arg8 : memref<!tpu.dma_semaphore, #tpu.memory_space<semaphore_mem>>)
      } else {
      }
      %ge3A_368 = arith.constant 2 : i32
      %ge3A_369 = arith.cmpi sge, %add3A_356, %ge3A_368 : i32
      %convert_element_type3A_370 = arith.extui %ge3A_369 : i1 to i32
      %cond3A_371 = arith.constant 0 : i32
      %cond3A_372 = arith.cmpi ne, %convert_element_type3A_370, %cond3A_371 : i32
      scf.if %cond3A_372 {
        %sub3A_526 = arith.constant 2 : i32
        %sub3A_527 = arith.subi %add3A_356, %sub3A_526 : i32
        %mul3A_528 = arith.constant 128 : i32
        %mul3A_529 = arith.muli %sub3A_527, %mul3A_528 : i32
        %add3A_530 = arith.addi %mul3A_2, %mul3A_529 : i32
        %dma_wait3A_531 = arith.constant 0 : i32
        %dma_wait3A_532 = arith.constant 0 : i32
        %dma_wait3A_533 = tpu.memref_slice %arg7[%rem3A_358, %dma_wait3A_531, %dma_wait3A_532] : memref<2x128x128xf32, #tpu.memory_space<vmem>> -> memref<1x128x128xf32, #tpu.memory_space<vmem>>
        %dma_wait3A_534 = tpu.memref_squeeze %dma_wait3A_533 : memref<1x128x128xf32, #tpu.memory_space<vmem>> -> memref<128x128xf32, #tpu.memory_space<vmem>>
        %dma_wait3A_535 = arith.constant 0 : i32
        %dma_wait3A_536 = tpu.memref_slice %arg4[%add3A_530, %dma_wait3A_535] : memref<819200x128xf32, #tpu.memory_space<hbm>> -> memref<128x128xf32, #tpu.memory_space<hbm>>
        %dma_wait3A_537 = arith.constant 0 : i32
        %dma_wait3A_538 = tpu.memref_slice %arg4[%add3A_530, %dma_wait3A_537] : memref<819200x128xf32, #tpu.memory_space<hbm>> -> memref<128x128xf32, #tpu.memory_space<hbm>>
        %dma_wait3A_539 = arith.constant 0 : i32
        %dma_wait3A_540 = arith.constant 0 : i32
        %dma_wait3A_541 = tpu.memref_slice %arg7[%rem3A_358, %dma_wait3A_539, %dma_wait3A_540] : memref<2x128x128xf32, #tpu.memory_space<vmem>> -> memref<1x128x128xf32, #tpu.memory_space<vmem>>
        %dma_wait3A_542 = tpu.memref_squeeze %dma_wait3A_541 : memref<1x128x128xf32, #tpu.memory_space<vmem>> -> memref<128x128xf32, #tpu.memory_space<vmem>>
        tpu.wait_dma2 semaphore(%arg9 : memref<!tpu.dma_semaphore, #tpu.memory_space<semaphore_mem>>) src(%dma_wait3A_542 : memref<128x128xf32, #tpu.memory_space<vmem>>) dst(%dma_wait3A_538 : memref<128x128xf32, #tpu.memory_space<hbm>>)
      } else {
      }
      %dma_wait3A_373 = arith.constant 2 : i32
      %dma_wait3A_374 = arith.constant 0 : i32
      %dma_wait3A_375 = arith.constant 0 : i32
      %dma_wait3A_376 = tpu.memref_slice %arg6[%dma_wait3A_373, %dma_wait3A_374, %dma_wait3A_375] : memref<4x128x64xf32, #tpu.memory_space<vmem>> -> memref<1x32x64xf32, #tpu.memory_space<vmem>>
      %dma_wait3A_377 = tpu.memref_squeeze %dma_wait3A_376 : memref<1x32x64xf32, #tpu.memory_space<vmem>> -> memref<32x64xf32, #tpu.memory_space<vmem>>
      %dma_wait3A_378 = arith.constant 0 : i32
      %dma_wait3A_379 = tpu.memref_slice %arg5[%add3A_356, %dma_wait3A_378] : memref<200x128xi32, #tpu.memory_space<vmem>> -> memref<1x32xi32, #tpu.memory_space<vmem>>
      %dma_wait3A_380 = tpu.memref_squeeze %dma_wait3A_379 : memref<1x32xi32, #tpu.memory_space<vmem>> -> memref<32xi32, #tpu.memory_space<vmem>>
      %dma_wait3A_381 = arith.constant 0 : i32
      %dma_wait3A_382 = arith.constant 0 : i32
      %dma_wait3A_383 = tpu.memref_slice %arg3[%dma_wait3A_381, %dma_wait3A_382] : memref<1000000x64xf32, #tpu.memory_space<hbm>> -> memref<1000000x64xf32, #tpu.memory_space<hbm>>
      tpu.wait_indirect_dma semaphore(%arg8 : memref<!tpu.dma_semaphore, #tpu.memory_space<semaphore_mem>>) src(%dma_wait3A_383 : memref<1000000x64xf32, #tpu.memory_space<hbm>>) dst(%dma_wait3A_377 : memref<32x64xf32, #tpu.memory_space<vmem>>)
      %dma_wait3A_384 = arith.constant 2 : i32
      %dma_wait3A_385 = arith.constant 32 : i32
      %dma_wait3A_386 = arith.constant 0 : i32
      %dma_wait3A_387 = tpu.memref_slice %arg6[%dma_wait3A_384, %dma_wait3A_385, %dma_wait3A_386] : memref<4x128x64xf32, #tpu.memory_space<vmem>> -> memref<1x32x64xf32, #tpu.memory_space<vmem>>
      %dma_wait3A_388 = tpu.memref_squeeze %dma_wait3A_387 : memref<1x32x64xf32, #tpu.memory_space<vmem>> -> memref<32x64xf32, #tpu.memory_space<vmem>>
      %dma_wait3A_389 = arith.constant 32 : i32
      %dma_wait3A_390 = tpu.memref_slice %arg5[%add3A_356, %dma_wait3A_389] : memref<200x128xi32, #tpu.memory_space<vmem>> -> memref<1x32xi32, #tpu.memory_space<vmem>>
      %dma_wait3A_391 = tpu.memref_squeeze %dma_wait3A_390 : memref<1x32xi32, #tpu.memory_space<vmem>> -> memref<32xi32, #tpu.memory_space<vmem>>
      %dma_wait3A_392 = arith.constant 0 : i32
      %dma_wait3A_393 = arith.constant 0 : i32
      %dma_wait3A_394 = tpu.memref_slice %arg3[%dma_wait3A_392, %dma_wait3A_393] : memref<1000000x64xf32, #tpu.memory_space<hbm>> -> memref<1000000x64xf32, #tpu.memory_space<hbm>>
      tpu.wait_indirect_dma semaphore(%arg8 : memref<!tpu.dma_semaphore, #tpu.memory_space<semaphore_mem>>) src(%dma_wait3A_394 : memref<1000000x64xf32, #tpu.memory_space<hbm>>) dst(%dma_wait3A_388 : memref<32x64xf32, #tpu.memory_space<vmem>>)
      %dma_wait3A_395 = arith.constant 2 : i32
      %dma_wait3A_396 = arith.constant 64 : i32
      %dma_wait3A_397 = arith.constant 0 : i32
      %dma_wait3A_398 = tpu.memref_slice %arg6[%dma_wait3A_395, %dma_wait3A_396, %dma_wait3A_397] : memref<4x128x64xf32, #tpu.memory_space<vmem>> -> memref<1x32x64xf32, #tpu.memory_space<vmem>>
      %dma_wait3A_399 = tpu.memref_squeeze %dma_wait3A_398 : memref<1x32x64xf32, #tpu.memory_space<vmem>> -> memref<32x64xf32, #tpu.memory_space<vmem>>
      %dma_wait3A_400 = arith.constant 64 : i32
      %dma_wait3A_401 = tpu.memref_slice %arg5[%add3A_356, %dma_wait3A_400] : memref<200x128xi32, #tpu.memory_space<vmem>> -> memref<1x32xi32, #tpu.memory_space<vmem>>
      %dma_wait3A_402 = tpu.memref_squeeze %dma_wait3A_401 : memref<1x32xi32, #tpu.memory_space<vmem>> -> memref<32xi32, #tpu.memory_space<vmem>>
      %dma_wait3A_403 = arith.constant 0 : i32
      %dma_wait3A_404 = arith.constant 0 : i32
      %dma_wait3A_405 = tpu.memref_slice %arg3[%dma_wait3A_403, %dma_wait3A_404] : memref<1000000x64xf32, #tpu.memory_space<hbm>> -> memref<1000000x64xf32, #tpu.memory_space<hbm>>
      tpu.wait_indirect_dma semaphore(%arg8 : memref<!tpu.dma_semaphore, #tpu.memory_space<semaphore_mem>>) src(%dma_wait3A_405 : memref<1000000x64xf32, #tpu.memory_space<hbm>>) dst(%dma_wait3A_399 : memref<32x64xf32, #tpu.memory_space<vmem>>)
      %dma_wait3A_406 = arith.constant 2 : i32
      %dma_wait3A_407 = arith.constant 96 : i32
      %dma_wait3A_408 = arith.constant 0 : i32
      %dma_wait3A_409 = tpu.memref_slice %arg6[%dma_wait3A_406, %dma_wait3A_407, %dma_wait3A_408] : memref<4x128x64xf32, #tpu.memory_space<vmem>> -> memref<1x32x64xf32, #tpu.memory_space<vmem>>
      %dma_wait3A_410 = tpu.memref_squeeze %dma_wait3A_409 : memref<1x32x64xf32, #tpu.memory_space<vmem>> -> memref<32x64xf32, #tpu.memory_space<vmem>>
      %dma_wait3A_411 = arith.constant 96 : i32
      %dma_wait3A_412 = tpu.memref_slice %arg5[%add3A_356, %dma_wait3A_411] : memref<200x128xi32, #tpu.memory_space<vmem>> -> memref<1x32xi32, #tpu.memory_space<vmem>>
      %dma_wait3A_413 = tpu.memref_squeeze %dma_wait3A_412 : memref<1x32xi32, #tpu.memory_space<vmem>> -> memref<32xi32, #tpu.memory_space<vmem>>
      %dma_wait3A_414 = arith.constant 0 : i32
      %dma_wait3A_415 = arith.constant 0 : i32
      %dma_wait3A_416 = tpu.memref_slice %arg3[%dma_wait3A_414, %dma_wait3A_415] : memref<1000000x64xf32, #tpu.memory_space<hbm>> -> memref<1000000x64xf32, #tpu.memory_space<hbm>>
      tpu.wait_indirect_dma semaphore(%arg8 : memref<!tpu.dma_semaphore, #tpu.memory_space<semaphore_mem>>) src(%dma_wait3A_416 : memref<1000000x64xf32, #tpu.memory_space<hbm>>) dst(%dma_wait3A_410 : memref<32x64xf32, #tpu.memory_space<vmem>>)
      %scan3A_417 = arith.constant 0 : i32
      %scan3A_418 = arith.constant 0 : i32
      %scan3A_419 = arith.constant 128 : i32
      %scan3A_420 = arith.addi %scan3A_418, %scan3A_419 : i32
      %scan3A_421 = arith.constant 4 : i32
      %scan3A_422 = scf.for %scan3A_526 = %scan3A_418 to %scan3A_420 step %scan3A_421 iter_args(%scan3A_527 = %scan3A_417) -> (i32)  : i32 {
        %get3A = arith.constant 2 : i32
        %get3A_528 = arith.index_cast %get3A : i32 to index
        %get3A_529 = arith.index_cast %scan3A_526 : i32 to index
        %get3A_530 = arith.constant 0 : index
        %get3A_531 = tpu.vector_load %arg6[%get3A_528, %get3A_529, %get3A_530] {strides = array<i32>} : memref<4x128x64xf32, #tpu.memory_space<vmem>>, vector<16xf32>,
        %mul3A_532 = arith.constant 8.000000e+00 : f32
        %mul3A_533 = vector.broadcast %mul3A_532 : f32 to vector<16xf32>
        %mul3A_534 = arith.mulf %get3A_531, %mul3A_533 : vector<16xf32>
        %swap3A = arith.index_cast %rem3A_358 : i32 to index
        %swap3A_535 = arith.index_cast %scan3A_526 : i32 to index
        %swap3A_536 = arith.constant 0 : index
        %swap3A_537 = tpu.vector_load %arg7[%swap3A, %swap3A_535, %swap3A_536] {strides = array<i32>} : memref<2x128x128xf32, #tpu.memory_space<vmem>>, vector<16xf32>,
        tpu.vector_store %arg7[%swap3A, %swap3A_535, %swap3A_536], %mul3A_534 {strides = array<i32>} : memref<2x128x128xf32, #tpu.memory_space<vmem>>, vector<16xf32>,
        %get3A_538 = arith.constant 2 : i32
        %get3A_539 = arith.index_cast %get3A_538 : i32 to index
        %get3A_540 = arith.index_cast %scan3A_526 : i32 to index
        %get3A_541 = arith.constant 16 : index
        %get3A_542 = tpu.vector_load %arg6[%get3A_539, %get3A_540, %get3A_541] {strides = array<i32>} : memref<4x128x64xf32, #tpu.memory_space<vmem>>, vector<16xf32>,
        %mul3A_543 = arith.constant 8.000000e+00 : f32
        %mul3A_544 = vector.broadcast %mul3A_543 : f32 to vector<16xf32>
        %mul3A_545 = arith.mulf %get3A_542, %mul3A_544 : vector<16xf32>
        %swap3A_546 = arith.index_cast %rem3A_358 : i32 to index
        %swap3A_547 = arith.index_cast %scan3A_526 : i32 to index
        %swap3A_548 = arith.constant 16 : index
        %swap3A_549 = tpu.vector_load %arg7[%swap3A_546, %swap3A_547, %swap3A_548] {strides = array<i32>} : memref<2x128x128xf32, #tpu.memory_space<vmem>>, vector<16xf32>,
        tpu.vector_store %arg7[%swap3A_546, %swap3A_547, %swap3A_548], %mul3A_545 {strides = array<i32>} : memref<2x128x128xf32, #tpu.memory_space<vmem>>, vector<16xf32>,
        %get3A_550 = arith.constant 2 : i32
        %get3A_551 = arith.index_cast %get3A_550 : i32 to index
        %get3A_552 = arith.index_cast %scan3A_526 : i32 to index
        %get3A_553 = arith.constant 32 : index
        %get3A_554 = tpu.vector_load %arg6[%get3A_551, %get3A_552, %get3A_553] {strides = array<i32>} : memref<4x128x64xf32, #tpu.memory_space<vmem>>, vector<16xf32>,
        %mul3A_555 = arith.constant 8.000000e+00 : f32
        %mul3A_556 = vector.broadcast %mul3A_555 : f32 to vector<16xf32>
        %mul3A_557 = arith.mulf %get3A_554, %mul3A_556 : vector<16xf32>
        %swap3A_558 = arith.index_cast %rem3A_358 : i32 to index
        %swap3A_559 = arith.index_cast %scan3A_526 : i32 to index
        %swap3A_560 = arith.constant 32 : index
        %swap3A_561 = tpu.vector_load %arg7[%swap3A_558, %swap3A_559, %swap3A_560] {strides = array<i32>} : memref<2x128x128xf32, #tpu.memory_space<vmem>>, vector<16xf32>,
        tpu.vector_store %arg7[%swap3A_558, %swap3A_559, %swap3A_560], %mul3A_557 {strides = array<i32>} : memref<2x128x128xf32, #tpu.memory_space<vmem>>, vector<16xf32>,
        %get3A_562 = arith.constant 2 : i32
        %get3A_563 = arith.index_cast %get3A_562 : i32 to index
        %get3A_564 = arith.index_cast %scan3A_526 : i32 to index
        %get3A_565 = arith.constant 48 : index
        %get3A_566 = tpu.vector_load %arg6[%get3A_563, %get3A_564, %get3A_565] {strides = array<i32>} : memref<4x128x64xf32, #tpu.memory_space<vmem>>, vector<16xf32>,
        %mul3A_567 = arith.constant 8.000000e+00 : f32
        %mul3A_568 = vector.broadcast %mul3A_567 : f32 to vector<16xf32>
        %mul3A_569 = arith.mulf %get3A_566, %mul3A_568 : vector<16xf32>
        %swap3A_570 = arith.index_cast %rem3A_358 : i32 to index
        %swap3A_571 = arith.index_cast %scan3A_526 : i32 to index
        %swap3A_572 = arith.constant 48 : index
        %swap3A_573 = tpu.vector_load %arg7[%swap3A_570, %swap3A_571, %swap3A_572] {strides = array<i32>} : memref<2x128x128xf32, #tpu.memory_space<vmem>>, vector<16xf32>,
        tpu.vector_store %arg7[%swap3A_570, %swap3A_571, %swap3A_572], %mul3A_569 {strides = array<i32>} : memref<2x128x128xf32, #tpu.memory_space<vmem>>, vector<16xf32>,
        %scan3A_574 = arith.constant 0 : i32
        %scan3A_575 = arith.constant 1 : i32
        %scan3A_576 = arith.addi %scan3A_526, %scan3A_575 : i32
        %get3A_577 = arith.constant 2 : i32
        %get3A_578 = arith.index_cast %get3A_577 : i32 to index
        %get3A_579 = arith.index_cast %scan3A_576 : i32 to index
        %get3A_580 = arith.constant 0 : index
        %get3A_581 = tpu.vector_load %arg6[%get3A_578, %get3A_579, %get3A_580] {strides = array<i32>} : memref<4x128x64xf32, #tpu.memory_space<vmem>>, vector<16xf32>,
        %mul3A_582 = arith.constant 8.000000e+00 : f32
        %mul3A_583 = vector.broadcast %mul3A_582 : f32 to vector<16xf32>
        %mul3A_584 = arith.mulf %get3A_581, %mul3A_583 : vector<16xf32>
        %swap3A_585 = arith.index_cast %rem3A_358 : i32 to index
        %swap3A_586 = arith.index_cast %scan3A_576 : i32 to index
        %swap3A_587 = arith.constant 0 : index
        %swap3A_588 = tpu.vector_load %arg7[%swap3A_585, %swap3A_586, %swap3A_587] {strides = array<i32>} : memref<2x128x128xf32, #tpu.memory_space<vmem>>, vector<16xf32>,
        tpu.vector_store %arg7[%swap3A_585, %swap3A_586, %swap3A_587], %mul3A_584 {strides = array<i32>} : memref<2x128x128xf32, #tpu.memory_space<vmem>>, vector<16xf32>,
        %get3A_589 = arith.constant 2 : i32
        %get3A_590 = arith.index_cast %get3A_589 : i32 to index
        %get3A_591 = arith.index_cast %scan3A_576 : i32 to index
        %get3A_592 = arith.constant 16 : index
        %get3A_593 = tpu.vector_load %arg6[%get3A_590, %get3A_591, %get3A_592] {strides = array<i32>} : memref<4x128x64xf32, #tpu.memory_space<vmem>>, vector<16xf32>,
        %mul3A_594 = arith.constant 8.000000e+00 : f32
        %mul3A_595 = vector.broadcast %mul3A_594 : f32 to vector<16xf32>
        %mul3A_596 = arith.mulf %get3A_593, %mul3A_595 : vector<16xf32>
        %swap3A_597 = arith.index_cast %rem3A_358 : i32 to index
        %swap3A_598 = arith.index_cast %scan3A_576 : i32 to index
        %swap3A_599 = arith.constant 16 : index
        %swap3A_600 = tpu.vector_load %arg7[%swap3A_597, %swap3A_598, %swap3A_599] {strides = array<i32>} : memref<2x128x128xf32, #tpu.memory_space<vmem>>, vector<16xf32>,
        tpu.vector_store %arg7[%swap3A_597, %swap3A_598, %swap3A_599], %mul3A_596 {strides = array<i32>} : memref<2x128x128xf32, #tpu.memory_space<vmem>>, vector<16xf32>,
        %get3A_601 = arith.constant 2 : i32
        %get3A_602 = arith.index_cast %get3A_601 : i32 to index
        %get3A_603 = arith.index_cast %scan3A_576 : i32 to index
        %get3A_604 = arith.constant 32 : index
        %get3A_605 = tpu.vector_load %arg6[%get3A_602, %get3A_603, %get3A_604] {strides = array<i32>} : memref<4x128x64xf32, #tpu.memory_space<vmem>>, vector<16xf32>,
        %mul3A_606 = arith.constant 8.000000e+00 : f32
        %mul3A_607 = vector.broadcast %mul3A_606 : f32 to vector<16xf32>
        %mul3A_608 = arith.mulf %get3A_605, %mul3A_607 : vector<16xf32>
        %swap3A_609 = arith.index_cast %rem3A_358 : i32 to index
        %swap3A_610 = arith.index_cast %scan3A_576 : i32 to index
        %swap3A_611 = arith.constant 32 : index
        %swap3A_612 = tpu.vector_load %arg7[%swap3A_609, %swap3A_610, %swap3A_611] {strides = array<i32>} : memref<2x128x128xf32, #tpu.memory_space<vmem>>, vector<16xf32>,
        tpu.vector_store %arg7[%swap3A_609, %swap3A_610, %swap3A_611], %mul3A_608 {strides = array<i32>} : memref<2x128x128xf32, #tpu.memory_space<vmem>>, vector<16xf32>,
        %get3A_613 = arith.constant 2 : i32
        %get3A_614 = arith.index_cast %get3A_613 : i32 to index
        %get3A_615 = arith.index_cast %scan3A_576 : i32 to index
        %get3A_616 = arith.constant 48 : index
        %get3A_617 = tpu.vector_load %arg6[%get3A_614, %get3A_615, %get3A_616] {strides = array<i32>} : memref<4x128x64xf32, #tpu.memory_space<vmem>>, vector<16xf32>,
        %mul3A_618 = arith.constant 8.000000e+00 : f32
        %mul3A_619 = vector.broadcast %mul3A_618 : f32 to vector<16xf32>
        %mul3A_620 = arith.mulf %get3A_617, %mul3A_619 : vector<16xf32>
        %swap3A_621 = arith.index_cast %rem3A_358 : i32 to index
        %swap3A_622 = arith.index_cast %scan3A_576 : i32 to index
        %swap3A_623 = arith.constant 48 : index
        %swap3A_624 = tpu.vector_load %arg7[%swap3A_621, %swap3A_622, %swap3A_623] {strides = array<i32>} : memref<2x128x128xf32, #tpu.memory_space<vmem>>, vector<16xf32>,
        tpu.vector_store %arg7[%swap3A_621, %swap3A_622, %swap3A_623], %mul3A_620 {strides = array<i32>} : memref<2x128x128xf32, #tpu.memory_space<vmem>>, vector<16xf32>,
        %scan3A_625 = arith.constant 0 : i32
        %scan3A_626 = arith.constant 2 : i32
        %scan3A_627 = arith.addi %scan3A_526, %scan3A_626 : i32
        %get3A_628 = arith.constant 2 : i32
        %get3A_629 = arith.index_cast %get3A_628 : i32 to index
        %get3A_630 = arith.index_cast %scan3A_627 : i32 to index
        %get3A_631 = arith.constant 0 : index
        %get3A_632 = tpu.vector_load %arg6[%get3A_629, %get3A_630, %get3A_631] {strides = array<i32>} : memref<4x128x64xf32, #tpu.memory_space<vmem>>, vector<16xf32>,
        %mul3A_633 = arith.constant 8.000000e+00 : f32
        %mul3A_634 = vector.broadcast %mul3A_633 : f32 to vector<16xf32>
        %mul3A_635 = arith.mulf %get3A_632, %mul3A_634 : vector<16xf32>
        %swap3A_636 = arith.index_cast %rem3A_358 : i32 to index
        %swap3A_637 = arith.index_cast %scan3A_627 : i32 to index
        %swap3A_638 = arith.constant 0 : index
        %swap3A_639 = tpu.vector_load %arg7[%swap3A_636, %swap3A_637, %swap3A_638] {strides = array<i32>} : memref<2x128x128xf32, #tpu.memory_space<vmem>>, vector<16xf32>,
        tpu.vector_store %arg7[%swap3A_636, %swap3A_637, %swap3A_638], %mul3A_635 {strides = array<i32>} : memref<2x128x128xf32, #tpu.memory_space<vmem>>, vector<16xf32>,
        %get3A_640 = arith.constant 2 : i32
        %get3A_641 = arith.index_cast %get3A_640 : i32 to index
        %get3A_642 = arith.index_cast %scan3A_627 : i32 to index
        %get3A_643 = arith.constant 16 : index
        %get3A_644 = tpu.vector_load %arg6[%get3A_641, %get3A_642, %get3A_643] {strides = array<i32>} : memref<4x128x64xf32, #tpu.memory_space<vmem>>, vector<16xf32>,
        %mul3A_645 = arith.constant 8.000000e+00 : f32
        %mul3A_646 = vector.broadcast %mul3A_645 : f32 to vector<16xf32>
        %mul3A_647 = arith.mulf %get3A_644, %mul3A_646 : vector<16xf32>
        %swap3A_648 = arith.index_cast %rem3A_358 : i32 to index
        %swap3A_649 = arith.index_cast %scan3A_627 : i32 to index
        %swap3A_650 = arith.constant 16 : index
        %swap3A_651 = tpu.vector_load %arg7[%swap3A_648, %swap3A_649, %swap3A_650] {strides = array<i32>} : memref<2x128x128xf32, #tpu.memory_space<vmem>>, vector<16xf32>,
        tpu.vector_store %arg7[%swap3A_648, %swap3A_649, %swap3A_650], %mul3A_647 {strides = array<i32>} : memref<2x128x128xf32, #tpu.memory_space<vmem>>, vector<16xf32>,
        %get3A_652 = arith.constant 2 : i32
        %get3A_653 = arith.index_cast %get3A_652 : i32 to index
        %get3A_654 = arith.index_cast %scan3A_627 : i32 to index
        %get3A_655 = arith.constant 32 : index
        %get3A_656 = tpu.vector_load %arg6[%get3A_653, %get3A_654, %get3A_655] {strides = array<i32>} : memref<4x128x64xf32, #tpu.memory_space<vmem>>, vector<16xf32>,
        %mul3A_657 = arith.constant 8.000000e+00 : f32
        %mul3A_658 = vector.broadcast %mul3A_657 : f32 to vector<16xf32>
        %mul3A_659 = arith.mulf %get3A_656, %mul3A_658 : vector<16xf32>
        %swap3A_660 = arith.index_cast %rem3A_358 : i32 to index
        %swap3A_661 = arith.index_cast %scan3A_627 : i32 to index
        %swap3A_662 = arith.constant 32 : index
        %swap3A_663 = tpu.vector_load %arg7[%swap3A_660, %swap3A_661, %swap3A_662] {strides = array<i32>} : memref<2x128x128xf32, #tpu.memory_space<vmem>>, vector<16xf32>,
        tpu.vector_store %arg7[%swap3A_660, %swap3A_661, %swap3A_662], %mul3A_659 {strides = array<i32>} : memref<2x128x128xf32, #tpu.memory_space<vmem>>, vector<16xf32>,
        %get3A_664 = arith.constant 2 : i32
        %get3A_665 = arith.index_cast %get3A_664 : i32 to index
        %get3A_666 = arith.index_cast %scan3A_627 : i32 to index
        %get3A_667 = arith.constant 48 : index
        %get3A_668 = tpu.vector_load %arg6[%get3A_665, %get3A_666, %get3A_667] {strides = array<i32>} : memref<4x128x64xf32, #tpu.memory_space<vmem>>, vector<16xf32>,
        %mul3A_669 = arith.constant 8.000000e+00 : f32
        %mul3A_670 = vector.broadcast %mul3A_669 : f32 to vector<16xf32>
        %mul3A_671 = arith.mulf %get3A_668, %mul3A_670 : vector<16xf32>
        %swap3A_672 = arith.index_cast %rem3A_358 : i32 to index
        %swap3A_673 = arith.index_cast %scan3A_627 : i32 to index
        %swap3A_674 = arith.constant 48 : index
        %swap3A_675 = tpu.vector_load %arg7[%swap3A_672, %swap3A_673, %swap3A_674] {strides = array<i32>} : memref<2x128x128xf32, #tpu.memory_space<vmem>>, vector<16xf32>,
        tpu.vector_store %arg7[%swap3A_672, %swap3A_673, %swap3A_674], %mul3A_671 {strides = array<i32>} : memref<2x128x128xf32, #tpu.memory_space<vmem>>, vector<16xf32>,
        %scan3A_676 = arith.constant 0 : i32
        %scan3A_677 = arith.constant 3 : i32
        %scan3A_678 = arith.addi %scan3A_526, %scan3A_677 : i32
        %get3A_679 = arith.constant 2 : i32
        %get3A_680 = arith.index_cast %get3A_679 : i32 to index
        %get3A_681 = arith.index_cast %scan3A_678 : i32 to index
        %get3A_682 = arith.constant 0 : index
        %get3A_683 = tpu.vector_load %arg6[%get3A_680, %get3A_681, %get3A_682] {strides = array<i32>} : memref<4x128x64xf32, #tpu.memory_space<vmem>>, vector<16xf32>,
        %mul3A_684 = arith.constant 8.000000e+00 : f32
        %mul3A_685 = vector.broadcast %mul3A_684 : f32 to vector<16xf32>
        %mul3A_686 = arith.mulf %get3A_683, %mul3A_685 : vector<16xf32>
        %swap3A_687 = arith.index_cast %rem3A_358 : i32 to index
        %swap3A_688 = arith.index_cast %scan3A_678 : i32 to index
        %swap3A_689 = arith.constant 0 : index
        %swap3A_690 = tpu.vector_load %arg7[%swap3A_687, %swap3A_688, %swap3A_689] {strides = array<i32>} : memref<2x128x128xf32, #tpu.memory_space<vmem>>, vector<16xf32>,
        tpu.vector_store %arg7[%swap3A_687, %swap3A_688, %swap3A_689], %mul3A_686 {strides = array<i32>} : memref<2x128x128xf32, #tpu.memory_space<vmem>>, vector<16xf32>,
        %get3A_691 = arith.constant 2 : i32
        %get3A_692 = arith.index_cast %get3A_691 : i32 to index
        %get3A_693 = arith.index_cast %scan3A_678 : i32 to index
        %get3A_694 = arith.constant 16 : index
        %get3A_695 = tpu.vector_load %arg6[%get3A_692, %get3A_693, %get3A_694] {strides = array<i32>} : memref<4x128x64xf32, #tpu.memory_space<vmem>>, vector<16xf32>,
        %mul3A_696 = arith.constant 8.000000e+00 : f32
        %mul3A_697 = vector.broadcast %mul3A_696 : f32 to vector<16xf32>
        %mul3A_698 = arith.mulf %get3A_695, %mul3A_697 : vector<16xf32>
        %swap3A_699 = arith.index_cast %rem3A_358 : i32 to index
        %swap3A_700 = arith.index_cast %scan3A_678 : i32 to index
        %swap3A_701 = arith.constant 16 : index
        %swap3A_702 = tpu.vector_load %arg7[%swap3A_699, %swap3A_700, %swap3A_701] {strides = array<i32>} : memref<2x128x128xf32, #tpu.memory_space<vmem>>, vector<16xf32>,
        tpu.vector_store %arg7[%swap3A_699, %swap3A_700, %swap3A_701], %mul3A_698 {strides = array<i32>} : memref<2x128x128xf32, #tpu.memory_space<vmem>>, vector<16xf32>,
        %get3A_703 = arith.constant 2 : i32
        %get3A_704 = arith.index_cast %get3A_703 : i32 to index
        %get3A_705 = arith.index_cast %scan3A_678 : i32 to index
        %get3A_706 = arith.constant 32 : index
        %get3A_707 = tpu.vector_load %arg6[%get3A_704, %get3A_705, %get3A_706] {strides = array<i32>} : memref<4x128x64xf32, #tpu.memory_space<vmem>>, vector<16xf32>,
        %mul3A_708 = arith.constant 8.000000e+00 : f32
        %mul3A_709 = vector.broadcast %mul3A_708 : f32 to vector<16xf32>
        %mul3A_710 = arith.mulf %get3A_707, %mul3A_709 : vector<16xf32>
        %swap3A_711 = arith.index_cast %rem3A_358 : i32 to index
        %swap3A_712 = arith.index_cast %scan3A_678 : i32 to index
        %swap3A_713 = arith.constant 32 : index
        %swap3A_714 = tpu.vector_load %arg7[%swap3A_711, %swap3A_712, %swap3A_713] {strides = array<i32>} : memref<2x128x128xf32, #tpu.memory_space<vmem>>, vector<16xf32>,
        tpu.vector_store %arg7[%swap3A_711, %swap3A_712, %swap3A_713], %mul3A_710 {strides = array<i32>} : memref<2x128x128xf32, #tpu.memory_space<vmem>>, vector<16xf32>,
        %get3A_715 = arith.constant 2 : i32
        %get3A_716 = arith.index_cast %get3A_715 : i32 to index
        %get3A_717 = arith.index_cast %scan3A_678 : i32 to index
        %get3A_718 = arith.constant 48 : index
        %get3A_719 = tpu.vector_load %arg6[%get3A_716, %get3A_717, %get3A_718] {strides = array<i32>} : memref<4x128x64xf32, #tpu.memory_space<vmem>>, vector<16xf32>,
        %mul3A_720 = arith.constant 8.000000e+00 : f32
        %mul3A_721 = vector.broadcast %mul3A_720 : f32 to vector<16xf32>
        %mul3A_722 = arith.mulf %get3A_719, %mul3A_721 : vector<16xf32>
        %swap3A_723 = arith.index_cast %rem3A_358 : i32 to index
        %swap3A_724 = arith.index_cast %scan3A_678 : i32 to index
        %swap3A_725 = arith.constant 48 : index
        %swap3A_726 = tpu.vector_load %arg7[%swap3A_723, %swap3A_724, %swap3A_725] {strides = array<i32>} : memref<2x128x128xf32, #tpu.memory_space<vmem>>, vector<16xf32>,
        tpu.vector_store %arg7[%swap3A_723, %swap3A_724, %swap3A_725], %mul3A_722 {strides = array<i32>} : memref<2x128x128xf32, #tpu.memory_space<vmem>>, vector<16xf32>,
        %scan3A_727 = arith.constant 0 : i32
        scf.yield %scan3A_727 : i32
      }
      %scan3A_423 = arith.constant 128 : i32
      %mul3A_424 = arith.constant 128 : i32
      %mul3A_425 = arith.muli %add3A_356, %mul3A_424 : i32
      %add3A_426 = arith.addi %mul3A_2, %mul3A_425 : i32
      %dma_start3A_427 = arith.constant 0 : i32
      %dma_start3A_428 = arith.constant 0 : i32
      %dma_start3A_429 = tpu.memref_slice %arg7[%rem3A_358, %dma_start3A_427, %dma_start3A_428] : memref<2x128x128xf32, #tpu.memory_space<vmem>> -> memref<1x128x128xf32, #tpu.memory_space<vmem>>
      %dma_start3A_430 = tpu.memref_squeeze %dma_start3A_429 : memref<1x128x128xf32, #tpu.memory_space<vmem>> -> memref<128x128xf32, #tpu.memory_space<vmem>>
      %dma_start3A_431 = arith.constant 0 : i32
      %dma_start3A_432 = tpu.memref_slice %arg4[%add3A_426, %dma_start3A_431] : memref<819200x128xf32, #tpu.memory_space<hbm>> -> memref<128x128xf32, #tpu.memory_space<hbm>>
      %dma_start3A_433 = arith.constant 0 : i32
      %dma_start3A_434 = tpu.memref_slice %arg4[%add3A_426, %dma_start3A_433] : memref<819200x128xf32, #tpu.memory_space<hbm>> -> memref<128x128xf32, #tpu.memory_space<hbm>>
      %dma_start3A_435 = arith.constant 0 : i32
      %dma_start3A_436 = arith.constant 0 : i32
      %dma_start3A_437 = tpu.memref_slice %arg7[%rem3A_358, %dma_start3A_435, %dma_start3A_436] : memref<2x128x128xf32, #tpu.memory_space<vmem>> -> memref<1x128x128xf32, #tpu.memory_space<vmem>>
      %dma_start3A_438 = tpu.memref_squeeze %dma_start3A_437 : memref<1x128x128xf32, #tpu.memory_space<vmem>> -> memref<128x128xf32, #tpu.memory_space<vmem>>
      tpu.enqueue_dma source(%dma_start3A_438 : memref<128x128xf32, #tpu.memory_space<vmem>>) target(%dma_start3A_434 : memref<128x128xf32, #tpu.memory_space<hbm>>) target_semaphore(%arg9 : memref<!tpu.dma_semaphore, #tpu.memory_space<semaphore_mem>>)
      %mul3A_439 = arith.constant 4 : i32
      %mul3A_440 = arith.muli %scan3A_184, %mul3A_439 : i32
      %add3A_441 = arith.constant 3 : i32
      %add3A_442 = arith.addi %mul3A_440, %add3A_441 : i32
      %rem3A_443 = arith.constant 2 : i32
      %rem3A_444 = arith.remsi %add3A_442, %rem3A_443 : i32
      %add3A_445 = arith.constant 4 : i32
      %add3A_446 = arith.addi %add3A_442, %add3A_445 : i32
      %sub3A_447 = arith.constant 1 : i32
      %sub3A_448 = arith.subi %add3A_446, %sub3A_447 : i32
      %lt3A_449 = arith.constant 200 : i32
      %lt3A_450 = arith.cmpi slt, %sub3A_448, %lt3A_449 : i32
      %convert_element_type3A_451 = arith.extui %lt3A_450 : i1 to i32
      %cond3A_452 = arith.constant 0 : i32
      %cond3A_453 = arith.cmpi ne, %convert_element_type3A_451, %cond3A_452 : i32
      scf.if %cond3A_453 {
        %add3A_526 = arith.constant 4 : i32
        %add3A_527 = arith.addi %add3A_442, %add3A_526 : i32
        %sub3A_528 = arith.constant 1 : i32
        %sub3A_529 = arith.subi %add3A_527, %sub3A_528 : i32
        %dma_start3A_530 = arith.constant 2 : i32
        %dma_start3A_531 = arith.constant 0 : i32
        %dma_start3A_532 = arith.constant 0 : i32
        %dma_start3A_533 = tpu.memref_slice %arg6[%dma_start3A_530, %dma_start3A_531, %dma_start3A_532] : memref<4x128x64xf32, #tpu.memory_space<vmem>> -> memref<1x32x64xf32, #tpu.memory_space<vmem>>
        %dma_start3A_534 = tpu.memref_squeeze %dma_start3A_533 : memref<1x32x64xf32, #tpu.memory_space<vmem>> -> memref<32x64xf32, #tpu.memory_space<vmem>>
        %dma_start3A_535 = arith.constant 0 : i32
        %dma_start3A_536 = tpu.memref_slice %arg5[%sub3A_529, %dma_start3A_535] : memref<200x128xi32, #tpu.memory_space<vmem>> -> memref<1x32xi32, #tpu.memory_space<vmem>>
        %dma_start3A_537 = tpu.memref_squeeze %dma_start3A_536 : memref<1x32xi32, #tpu.memory_space<vmem>> -> memref<32xi32, #tpu.memory_space<vmem>>
        %dma_start3A_538 = arith.constant 0 : i32
        %dma_start3A_539 = arith.constant 0 : i32
        %dma_start3A_540 = tpu.memref_slice %arg3[%dma_start3A_538, %dma_start3A_539] : memref<1000000x64xf32, #tpu.memory_space<hbm>> -> memref<1000000x64xf32, #tpu.memory_space<hbm>>
        tpu.enqueue_indirect_dma source(%dma_start3A_540 : memref<1000000x64xf32, #tpu.memory_space<hbm>>) target(%dma_start3A_534 : memref<32x64xf32, #tpu.memory_space<vmem>>) offsets(%dma_start3A_537 : memref<32xi32, #tpu.memory_space<vmem>>) semaphore(%arg8 : memref<!tpu.dma_semaphore, #tpu.memory_space<semaphore_mem>>)
        %dma_start3A_541 = arith.constant 2 : i32
        %dma_start3A_542 = arith.constant 32 : i32
        %dma_start3A_543 = arith.constant 0 : i32
        %dma_start3A_544 = tpu.memref_slice %arg6[%dma_start3A_541, %dma_start3A_542, %dma_start3A_543] : memref<4x128x64xf32, #tpu.memory_space<vmem>> -> memref<1x32x64xf32, #tpu.memory_space<vmem>>
        %dma_start3A_545 = tpu.memref_squeeze %dma_start3A_544 : memref<1x32x64xf32, #tpu.memory_space<vmem>> -> memref<32x64xf32, #tpu.memory_space<vmem>>
        %dma_start3A_546 = arith.constant 32 : i32
        %dma_start3A_547 = tpu.memref_slice %arg5[%sub3A_529, %dma_start3A_546] : memref<200x128xi32, #tpu.memory_space<vmem>> -> memref<1x32xi32, #tpu.memory_space<vmem>>
        %dma_start3A_548 = tpu.memref_squeeze %dma_start3A_547 : memref<1x32xi32, #tpu.memory_space<vmem>> -> memref<32xi32, #tpu.memory_space<vmem>>
        %dma_start3A_549 = arith.constant 0 : i32
        %dma_start3A_550 = arith.constant 0 : i32
        %dma_start3A_551 = tpu.memref_slice %arg3[%dma_start3A_549, %dma_start3A_550] : memref<1000000x64xf32, #tpu.memory_space<hbm>> -> memref<1000000x64xf32, #tpu.memory_space<hbm>>
        tpu.enqueue_indirect_dma source(%dma_start3A_551 : memref<1000000x64xf32, #tpu.memory_space<hbm>>) target(%dma_start3A_545 : memref<32x64xf32, #tpu.memory_space<vmem>>) offsets(%dma_start3A_548 : memref<32xi32, #tpu.memory_space<vmem>>) semaphore(%arg8 : memref<!tpu.dma_semaphore, #tpu.memory_space<semaphore_mem>>)
        %dma_start3A_552 = arith.constant 2 : i32
        %dma_start3A_553 = arith.constant 64 : i32
        %dma_start3A_554 = arith.constant 0 : i32
        %dma_start3A_555 = tpu.memref_slice %arg6[%dma_start3A_552, %dma_start3A_553, %dma_start3A_554] : memref<4x128x64xf32, #tpu.memory_space<vmem>> -> memref<1x32x64xf32, #tpu.memory_space<vmem>>
        %dma_start3A_556 = tpu.memref_squeeze %dma_start3A_555 : memref<1x32x64xf32, #tpu.memory_space<vmem>> -> memref<32x64xf32, #tpu.memory_space<vmem>>
        %dma_start3A_557 = arith.constant 64 : i32
        %dma_start3A_558 = tpu.memref_slice %arg5[%sub3A_529, %dma_start3A_557] : memref<200x128xi32, #tpu.memory_space<vmem>> -> memref<1x32xi32, #tpu.memory_space<vmem>>
        %dma_start3A_559 = tpu.memref_squeeze %dma_start3A_558 : memref<1x32xi32, #tpu.memory_space<vmem>> -> memref<32xi32, #tpu.memory_space<vmem>>
        %dma_start3A_560 = arith.constant 0 : i32
        %dma_start3A_561 = arith.constant 0 : i32
        %dma_start3A_562 = tpu.memref_slice %arg3[%dma_start3A_560, %dma_start3A_561] : memref<1000000x64xf32, #tpu.memory_space<hbm>> -> memref<1000000x64xf32, #tpu.memory_space<hbm>>
        tpu.enqueue_indirect_dma source(%dma_start3A_562 : memref<1000000x64xf32, #tpu.memory_space<hbm>>) target(%dma_start3A_556 : memref<32x64xf32, #tpu.memory_space<vmem>>) offsets(%dma_start3A_559 : memref<32xi32, #tpu.memory_space<vmem>>) semaphore(%arg8 : memref<!tpu.dma_semaphore, #tpu.memory_space<semaphore_mem>>)
        %dma_start3A_563 = arith.constant 2 : i32
        %dma_start3A_564 = arith.constant 96 : i32
        %dma_start3A_565 = arith.constant 0 : i32
        %dma_start3A_566 = tpu.memref_slice %arg6[%dma_start3A_563, %dma_start3A_564, %dma_start3A_565] : memref<4x128x64xf32, #tpu.memory_space<vmem>> -> memref<1x32x64xf32, #tpu.memory_space<vmem>>
        %dma_start3A_567 = tpu.memref_squeeze %dma_start3A_566 : memref<1x32x64xf32, #tpu.memory_space<vmem>> -> memref<32x64xf32, #tpu.memory_space<vmem>>
        %dma_start3A_568 = arith.constant 96 : i32
        %dma_start3A_569 = tpu.memref_slice %arg5[%sub3A_529, %dma_start3A_568] : memref<200x128xi32, #tpu.memory_space<vmem>> -> memref<1x32xi32, #tpu.memory_space<vmem>>
        %dma_start3A_570 = tpu.memref_squeeze %dma_start3A_569 : memref<1x32xi32, #tpu.memory_space<vmem>> -> memref<32xi32, #tpu.memory_space<vmem>>
        %dma_start3A_571 = arith.constant 0 : i32
        %dma_start3A_572 = arith.constant 0 : i32
        %dma_start3A_573 = tpu.memref_slice %arg3[%dma_start3A_571, %dma_start3A_572] : memref<1000000x64xf32, #tpu.memory_space<hbm>> -> memref<1000000x64xf32, #tpu.memory_space<hbm>>
        tpu.enqueue_indirect_dma source(%dma_start3A_573 : memref<1000000x64xf32, #tpu.memory_space<hbm>>) target(%dma_start3A_567 : memref<32x64xf32, #tpu.memory_space<vmem>>) offsets(%dma_start3A_570 : memref<32xi32, #tpu.memory_space<vmem>>) semaphore(%arg8 : memref<!tpu.dma_semaphore, #tpu.memory_space<semaphore_mem>>)
      } else {
      }
      %ge3A_454 = arith.constant 2 : i32
      %ge3A_455 = arith.cmpi sge, %add3A_442, %ge3A_454 : i32
      %convert_element_type3A_456 = arith.extui %ge3A_455 : i1 to i32
      %cond3A_457 = arith.constant 0 : i32
      %cond3A_458 = arith.cmpi ne, %convert_element_type3A_456, %cond3A_457 : i32
      scf.if %cond3A_458 {
        %sub3A_526 = arith.constant 2 : i32
        %sub3A_527 = arith.subi %add3A_442, %sub3A_526 : i32
        %mul3A_528 = arith.constant 128 : i32
        %mul3A_529 = arith.muli %sub3A_527, %mul3A_528 : i32
        %add3A_530 = arith.addi %mul3A_2, %mul3A_529 : i32
        %dma_wait3A_531 = arith.constant 0 : i32
        %dma_wait3A_532 = arith.constant 0 : i32
        %dma_wait3A_533 = tpu.memref_slice %arg7[%rem3A_444, %dma_wait3A_531, %dma_wait3A_532] : memref<2x128x128xf32, #tpu.memory_space<vmem>> -> memref<1x128x128xf32, #tpu.memory_space<vmem>>
        %dma_wait3A_534 = tpu.memref_squeeze %dma_wait3A_533 : memref<1x128x128xf32, #tpu.memory_space<vmem>> -> memref<128x128xf32, #tpu.memory_space<vmem>>
        %dma_wait3A_535 = arith.constant 0 : i32
        %dma_wait3A_536 = tpu.memref_slice %arg4[%add3A_530, %dma_wait3A_535] : memref<819200x128xf32, #tpu.memory_space<hbm>> -> memref<128x128xf32, #tpu.memory_space<hbm>>
        %dma_wait3A_537 = arith.constant 0 : i32
        %dma_wait3A_538 = tpu.memref_slice %arg4[%add3A_530, %dma_wait3A_537] : memref<819200x128xf32, #tpu.memory_space<hbm>> -> memref<128x128xf32, #tpu.memory_space<hbm>>
        %dma_wait3A_539 = arith.constant 0 : i32
        %dma_wait3A_540 = arith.constant 0 : i32
        %dma_wait3A_541 = tpu.memref_slice %arg7[%rem3A_444, %dma_wait3A_539, %dma_wait3A_540] : memref<2x128x128xf32, #tpu.memory_space<vmem>> -> memref<1x128x128xf32, #tpu.memory_space<vmem>>
        %dma_wait3A_542 = tpu.memref_squeeze %dma_wait3A_541 : memref<1x128x128xf32, #tpu.memory_space<vmem>> -> memref<128x128xf32, #tpu.memory_space<vmem>>
        tpu.wait_dma2 semaphore(%arg9 : memref<!tpu.dma_semaphore, #tpu.memory_space<semaphore_mem>>) src(%dma_wait3A_542 : memref<128x128xf32, #tpu.memory_space<vmem>>) dst(%dma_wait3A_538 : memref<128x128xf32, #tpu.memory_space<hbm>>)
      } else {
      }
      %dma_wait3A_459 = arith.constant 3 : i32
      %dma_wait3A_460 = arith.constant 0 : i32
      %dma_wait3A_461 = arith.constant 0 : i32
      %dma_wait3A_462 = tpu.memref_slice %arg6[%dma_wait3A_459, %dma_wait3A_460, %dma_wait3A_461] : memref<4x128x64xf32, #tpu.memory_space<vmem>> -> memref<1x32x64xf32, #tpu.memory_space<vmem>>
      %dma_wait3A_463 = tpu.memref_squeeze %dma_wait3A_462 : memref<1x32x64xf32, #tpu.memory_space<vmem>> -> memref<32x64xf32, #tpu.memory_space<vmem>>
      %dma_wait3A_464 = arith.constant 0 : i32
      %dma_wait3A_465 = tpu.memref_slice %arg5[%add3A_442, %dma_wait3A_464] : memref<200x128xi32, #tpu.memory_space<vmem>> -> memref<1x32xi32, #tpu.memory_space<vmem>>
      %dma_wait3A_466 = tpu.memref_squeeze %dma_wait3A_465 : memref<1x32xi32, #tpu.memory_space<vmem>> -> memref<32xi32, #tpu.memory_space<vmem>>
      %dma_wait3A_467 = arith.constant 0 : i32
      %dma_wait3A_468 = arith.constant 0 : i32
      %dma_wait3A_469 = tpu.memref_slice %arg3[%dma_wait3A_467, %dma_wait3A_468] : memref<1000000x64xf32, #tpu.memory_space<hbm>> -> memref<1000000x64xf32, #tpu.memory_space<hbm>>
      tpu.wait_indirect_dma semaphore(%arg8 : memref<!tpu.dma_semaphore, #tpu.memory_space<semaphore_mem>>) src(%dma_wait3A_469 : memref<1000000x64xf32, #tpu.memory_space<hbm>>) dst(%dma_wait3A_463 : memref<32x64xf32, #tpu.memory_space<vmem>>)
      %dma_wait3A_470 = arith.constant 3 : i32
      %dma_wait3A_471 = arith.constant 32 : i32
      %dma_wait3A_472 = arith.constant 0 : i32
      %dma_wait3A_473 = tpu.memref_slice %arg6[%dma_wait3A_470, %dma_wait3A_471, %dma_wait3A_472] : memref<4x128x64xf32, #tpu.memory_space<vmem>> -> memref<1x32x64xf32, #tpu.memory_space<vmem>>
      %dma_wait3A_474 = tpu.memref_squeeze %dma_wait3A_473 : memref<1x32x64xf32, #tpu.memory_space<vmem>> -> memref<32x64xf32, #tpu.memory_space<vmem>>
      %dma_wait3A_475 = arith.constant 32 : i32
      %dma_wait3A_476 = tpu.memref_slice %arg5[%add3A_442, %dma_wait3A_475] : memref<200x128xi32, #tpu.memory_space<vmem>> -> memref<1x32xi32, #tpu.memory_space<vmem>>
      %dma_wait3A_477 = tpu.memref_squeeze %dma_wait3A_476 : memref<1x32xi32, #tpu.memory_space<vmem>> -> memref<32xi32, #tpu.memory_space<vmem>>
      %dma_wait3A_478 = arith.constant 0 : i32
      %dma_wait3A_479 = arith.constant 0 : i32
      %dma_wait3A_480 = tpu.memref_slice %arg3[%dma_wait3A_478, %dma_wait3A_479] : memref<1000000x64xf32, #tpu.memory_space<hbm>> -> memref<1000000x64xf32, #tpu.memory_space<hbm>>
      tpu.wait_indirect_dma semaphore(%arg8 : memref<!tpu.dma_semaphore, #tpu.memory_space<semaphore_mem>>) src(%dma_wait3A_480 : memref<1000000x64xf32, #tpu.memory_space<hbm>>) dst(%dma_wait3A_474 : memref<32x64xf32, #tpu.memory_space<vmem>>)
      %dma_wait3A_481 = arith.constant 3 : i32
      %dma_wait3A_482 = arith.constant 64 : i32
      %dma_wait3A_483 = arith.constant 0 : i32
      %dma_wait3A_484 = tpu.memref_slice %arg6[%dma_wait3A_481, %dma_wait3A_482, %dma_wait3A_483] : memref<4x128x64xf32, #tpu.memory_space<vmem>> -> memref<1x32x64xf32, #tpu.memory_space<vmem>>
      %dma_wait3A_485 = tpu.memref_squeeze %dma_wait3A_484 : memref<1x32x64xf32, #tpu.memory_space<vmem>> -> memref<32x64xf32, #tpu.memory_space<vmem>>
      %dma_wait3A_486 = arith.constant 64 : i32
      %dma_wait3A_487 = tpu.memref_slice %arg5[%add3A_442, %dma_wait3A_486] : memref<200x128xi32, #tpu.memory_space<vmem>> -> memref<1x32xi32, #tpu.memory_space<vmem>>
      %dma_wait3A_488 = tpu.memref_squeeze %dma_wait3A_487 : memref<1x32xi32, #tpu.memory_space<vmem>> -> memref<32xi32, #tpu.memory_space<vmem>>
      %dma_wait3A_489 = arith.constant 0 : i32
      %dma_wait3A_490 = arith.constant 0 : i32
      %dma_wait3A_491 = tpu.memref_slice %arg3[%dma_wait3A_489, %dma_wait3A_490] : memref<1000000x64xf32, #tpu.memory_space<hbm>> -> memref<1000000x64xf32, #tpu.memory_space<hbm>>
      tpu.wait_indirect_dma semaphore(%arg8 : memref<!tpu.dma_semaphore, #tpu.memory_space<semaphore_mem>>) src(%dma_wait3A_491 : memref<1000000x64xf32, #tpu.memory_space<hbm>>) dst(%dma_wait3A_485 : memref<32x64xf32, #tpu.memory_space<vmem>>)
      %dma_wait3A_492 = arith.constant 3 : i32
      %dma_wait3A_493 = arith.constant 96 : i32
      %dma_wait3A_494 = arith.constant 0 : i32
      %dma_wait3A_495 = tpu.memref_slice %arg6[%dma_wait3A_492, %dma_wait3A_493, %dma_wait3A_494] : memref<4x128x64xf32, #tpu.memory_space<vmem>> -> memref<1x32x64xf32, #tpu.memory_space<vmem>>
      %dma_wait3A_496 = tpu.memref_squeeze %dma_wait3A_495 : memref<1x32x64xf32, #tpu.memory_space<vmem>> -> memref<32x64xf32, #tpu.memory_space<vmem>>
      %dma_wait3A_497 = arith.constant 96 : i32
      %dma_wait3A_498 = tpu.memref_slice %arg5[%add3A_442, %dma_wait3A_497] : memref<200x128xi32, #tpu.memory_space<vmem>> -> memref<1x32xi32, #tpu.memory_space<vmem>>
      %dma_wait3A_499 = tpu.memref_squeeze %dma_wait3A_498 : memref<1x32xi32, #tpu.memory_space<vmem>> -> memref<32xi32, #tpu.memory_space<vmem>>
      %dma_wait3A_500 = arith.constant 0 : i32
      %dma_wait3A_501 = arith.constant 0 : i32
      %dma_wait3A_502 = tpu.memref_slice %arg3[%dma_wait3A_500, %dma_wait3A_501] : memref<1000000x64xf32, #tpu.memory_space<hbm>> -> memref<1000000x64xf32, #tpu.memory_space<hbm>>
      tpu.wait_indirect_dma semaphore(%arg8 : memref<!tpu.dma_semaphore, #tpu.memory_space<semaphore_mem>>) src(%dma_wait3A_502 : memref<1000000x64xf32, #tpu.memory_space<hbm>>) dst(%dma_wait3A_496 : memref<32x64xf32, #tpu.memory_space<vmem>>)
      %scan3A_503 = arith.constant 0 : i32
      %scan3A_504 = arith.constant 0 : i32
      %scan3A_505 = arith.constant 128 : i32
      %scan3A_506 = arith.addi %scan3A_504, %scan3A_505 : i32
      %scan3A_507 = arith.constant 4 : i32
      %scan3A_508 = scf.for %scan3A_526 = %scan3A_504 to %scan3A_506 step %scan3A_507 iter_args(%scan3A_527 = %scan3A_503) -> (i32)  : i32 {
        %get3A = arith.constant 3 : i32
        %get3A_528 = arith.index_cast %get3A : i32 to index
        %get3A_529 = arith.index_cast %scan3A_526 : i32 to index
        %get3A_530 = arith.constant 0 : index
        %get3A_531 = tpu.vector_load %arg6[%get3A_528, %get3A_529, %get3A_530] {strides = array<i32>} : memref<4x128x64xf32, #tpu.memory_space<vmem>>, vector<16xf32>,
        %mul3A_532 = arith.constant 8.000000e+00 : f32
        %mul3A_533 = vector.broadcast %mul3A_532 : f32 to vector<16xf32>
        %mul3A_534 = arith.mulf %get3A_531, %mul3A_533 : vector<16xf32>
        %swap3A = arith.index_cast %rem3A_444 : i32 to index
        %swap3A_535 = arith.index_cast %scan3A_526 : i32 to index
        %swap3A_536 = arith.constant 0 : index
        %swap3A_537 = tpu.vector_load %arg7[%swap3A, %swap3A_535, %swap3A_536] {strides = array<i32>} : memref<2x128x128xf32, #tpu.memory_space<vmem>>, vector<16xf32>,
        tpu.vector_store %arg7[%swap3A, %swap3A_535, %swap3A_536], %mul3A_534 {strides = array<i32>} : memref<2x128x128xf32, #tpu.memory_space<vmem>>, vector<16xf32>,
        %get3A_538 = arith.constant 3 : i32
        %get3A_539 = arith.index_cast %get3A_538 : i32 to index
        %get3A_540 = arith.index_cast %scan3A_526 : i32 to index
        %get3A_541 = arith.constant 16 : index
        %get3A_542 = tpu.vector_load %arg6[%get3A_539, %get3A_540, %get3A_541] {strides = array<i32>} : memref<4x128x64xf32, #tpu.memory_space<vmem>>, vector<16xf32>,
        %mul3A_543 = arith.constant 8.000000e+00 : f32
        %mul3A_544 = vector.broadcast %mul3A_543 : f32 to vector<16xf32>
        %mul3A_545 = arith.mulf %get3A_542, %mul3A_544 : vector<16xf32>
        %swap3A_546 = arith.index_cast %rem3A_444 : i32 to index
        %swap3A_547 = arith.index_cast %scan3A_526 : i32 to index
        %swap3A_548 = arith.constant 16 : index
        %swap3A_549 = tpu.vector_load %arg7[%swap3A_546, %swap3A_547, %swap3A_548] {strides = array<i32>} : memref<2x128x128xf32, #tpu.memory_space<vmem>>, vector<16xf32>,
        tpu.vector_store %arg7[%swap3A_546, %swap3A_547, %swap3A_548], %mul3A_545 {strides = array<i32>} : memref<2x128x128xf32, #tpu.memory_space<vmem>>, vector<16xf32>,
        %get3A_550 = arith.constant 3 : i32
        %get3A_551 = arith.index_cast %get3A_550 : i32 to index
        %get3A_552 = arith.index_cast %scan3A_526 : i32 to index
        %get3A_553 = arith.constant 32 : index
        %get3A_554 = tpu.vector_load %arg6[%get3A_551, %get3A_552, %get3A_553] {strides = array<i32>} : memref<4x128x64xf32, #tpu.memory_space<vmem>>, vector<16xf32>,
        %mul3A_555 = arith.constant 8.000000e+00 : f32
        %mul3A_556 = vector.broadcast %mul3A_555 : f32 to vector<16xf32>
        %mul3A_557 = arith.mulf %get3A_554, %mul3A_556 : vector<16xf32>
        %swap3A_558 = arith.index_cast %rem3A_444 : i32 to index
        %swap3A_559 = arith.index_cast %scan3A_526 : i32 to index
        %swap3A_560 = arith.constant 32 : index
        %swap3A_561 = tpu.vector_load %arg7[%swap3A_558, %swap3A_559, %swap3A_560] {strides = array<i32>} : memref<2x128x128xf32, #tpu.memory_space<vmem>>, vector<16xf32>,
        tpu.vector_store %arg7[%swap3A_558, %swap3A_559, %swap3A_560], %mul3A_557 {strides = array<i32>} : memref<2x128x128xf32, #tpu.memory_space<vmem>>, vector<16xf32>,
        %get3A_562 = arith.constant 3 : i32
        %get3A_563 = arith.index_cast %get3A_562 : i32 to index
        %get3A_564 = arith.index_cast %scan3A_526 : i32 to index
        %get3A_565 = arith.constant 48 : index
        %get3A_566 = tpu.vector_load %arg6[%get3A_563, %get3A_564, %get3A_565] {strides = array<i32>} : memref<4x128x64xf32, #tpu.memory_space<vmem>>, vector<16xf32>,
        %mul3A_567 = arith.constant 8.000000e+00 : f32
        %mul3A_568 = vector.broadcast %mul3A_567 : f32 to vector<16xf32>
        %mul3A_569 = arith.mulf %get3A_566, %mul3A_568 : vector<16xf32>
        %swap3A_570 = arith.index_cast %rem3A_444 : i32 to index
        %swap3A_571 = arith.index_cast %scan3A_526 : i32 to index
        %swap3A_572 = arith.constant 48 : index
        %swap3A_573 = tpu.vector_load %arg7[%swap3A_570, %swap3A_571, %swap3A_572] {strides = array<i32>} : memref<2x128x128xf32, #tpu.memory_space<vmem>>, vector<16xf32>,
        tpu.vector_store %arg7[%swap3A_570, %swap3A_571, %swap3A_572], %mul3A_569 {strides = array<i32>} : memref<2x128x128xf32, #tpu.memory_space<vmem>>, vector<16xf32>,
        %scan3A_574 = arith.constant 0 : i32
        %scan3A_575 = arith.constant 1 : i32
        %scan3A_576 = arith.addi %scan3A_526, %scan3A_575 : i32
        %get3A_577 = arith.constant 3 : i32
        %get3A_578 = arith.index_cast %get3A_577 : i32 to index
        %get3A_579 = arith.index_cast %scan3A_576 : i32 to index
        %get3A_580 = arith.constant 0 : index
        %get3A_581 = tpu.vector_load %arg6[%get3A_578, %get3A_579, %get3A_580] {strides = array<i32>} : memref<4x128x64xf32, #tpu.memory_space<vmem>>, vector<16xf32>,
        %mul3A_582 = arith.constant 8.000000e+00 : f32
        %mul3A_583 = vector.broadcast %mul3A_582 : f32 to vector<16xf32>
        %mul3A_584 = arith.mulf %get3A_581, %mul3A_583 : vector<16xf32>
        %swap3A_585 = arith.index_cast %rem3A_444 : i32 to index
        %swap3A_586 = arith.index_cast %scan3A_576 : i32 to index
        %swap3A_587 = arith.constant 0 : index
        %swap3A_588 = tpu.vector_load %arg7[%swap3A_585, %swap3A_586, %swap3A_587] {strides = array<i32>} : memref<2x128x128xf32, #tpu.memory_space<vmem>>, vector<16xf32>,
        tpu.vector_store %arg7[%swap3A_585, %swap3A_586, %swap3A_587], %mul3A_584 {strides = array<i32>} : memref<2x128x128xf32, #tpu.memory_space<vmem>>, vector<16xf32>,
        %get3A_589 = arith.constant 3 : i32
        %get3A_590 = arith.index_cast %get3A_589 : i32 to index
        %get3A_591 = arith.index_cast %scan3A_576 : i32 to index
        %get3A_592 = arith.constant 16 : index
        %get3A_593 = tpu.vector_load %arg6[%get3A_590, %get3A_591, %get3A_592] {strides = array<i32>} : memref<4x128x64xf32, #tpu.memory_space<vmem>>, vector<16xf32>,
        %mul3A_594 = arith.constant 8.000000e+00 : f32
        %mul3A_595 = vector.broadcast %mul3A_594 : f32 to vector<16xf32>
        %mul3A_596 = arith.mulf %get3A_593, %mul3A_595 : vector<16xf32>
        %swap3A_597 = arith.index_cast %rem3A_444 : i32 to index
        %swap3A_598 = arith.index_cast %scan3A_576 : i32 to index
        %swap3A_599 = arith.constant 16 : index
        %swap3A_600 = tpu.vector_load %arg7[%swap3A_597, %swap3A_598, %swap3A_599] {strides = array<i32>} : memref<2x128x128xf32, #tpu.memory_space<vmem>>, vector<16xf32>,
        tpu.vector_store %arg7[%swap3A_597, %swap3A_598, %swap3A_599], %mul3A_596 {strides = array<i32>} : memref<2x128x128xf32, #tpu.memory_space<vmem>>, vector<16xf32>,
        %get3A_601 = arith.constant 3 : i32
        %get3A_602 = arith.index_cast %get3A_601 : i32 to index
        %get3A_603 = arith.index_cast %scan3A_576 : i32 to index
        %get3A_604 = arith.constant 32 : index
        %get3A_605 = tpu.vector_load %arg6[%get3A_602, %get3A_603, %get3A_604] {strides = array<i32>} : memref<4x128x64xf32, #tpu.memory_space<vmem>>, vector<16xf32>,
        %mul3A_606 = arith.constant 8.000000e+00 : f32
        %mul3A_607 = vector.broadcast %mul3A_606 : f32 to vector<16xf32>
        %mul3A_608 = arith.mulf %get3A_605, %mul3A_607 : vector<16xf32>
        %swap3A_609 = arith.index_cast %rem3A_444 : i32 to index
        %swap3A_610 = arith.index_cast %scan3A_576 : i32 to index
        %swap3A_611 = arith.constant 32 : index
        %swap3A_612 = tpu.vector_load %arg7[%swap3A_609, %swap3A_610, %swap3A_611] {strides = array<i32>} : memref<2x128x128xf32, #tpu.memory_space<vmem>>, vector<16xf32>,
        tpu.vector_store %arg7[%swap3A_609, %swap3A_610, %swap3A_611], %mul3A_608 {strides = array<i32>} : memref<2x128x128xf32, #tpu.memory_space<vmem>>, vector<16xf32>,
        %get3A_613 = arith.constant 3 : i32
        %get3A_614 = arith.index_cast %get3A_613 : i32 to index
        %get3A_615 = arith.index_cast %scan3A_576 : i32 to index
        %get3A_616 = arith.constant 48 : index
        %get3A_617 = tpu.vector_load %arg6[%get3A_614, %get3A_615, %get3A_616] {strides = array<i32>} : memref<4x128x64xf32, #tpu.memory_space<vmem>>, vector<16xf32>,
        %mul3A_618 = arith.constant 8.000000e+00 : f32
        %mul3A_619 = vector.broadcast %mul3A_618 : f32 to vector<16xf32>
        %mul3A_620 = arith.mulf %get3A_617, %mul3A_619 : vector<16xf32>
        %swap3A_621 = arith.index_cast %rem3A_444 : i32 to index
        %swap3A_622 = arith.index_cast %scan3A_576 : i32 to index
        %swap3A_623 = arith.constant 48 : index
        %swap3A_624 = tpu.vector_load %arg7[%swap3A_621, %swap3A_622, %swap3A_623] {strides = array<i32>} : memref<2x128x128xf32, #tpu.memory_space<vmem>>, vector<16xf32>,
        tpu.vector_store %arg7[%swap3A_621, %swap3A_622, %swap3A_623], %mul3A_620 {strides = array<i32>} : memref<2x128x128xf32, #tpu.memory_space<vmem>>, vector<16xf32>,
        %scan3A_625 = arith.constant 0 : i32
        %scan3A_626 = arith.constant 2 : i32
        %scan3A_627 = arith.addi %scan3A_526, %scan3A_626 : i32
        %get3A_628 = arith.constant 3 : i32
        %get3A_629 = arith.index_cast %get3A_628 : i32 to index
        %get3A_630 = arith.index_cast %scan3A_627 : i32 to index
        %get3A_631 = arith.constant 0 : index
        %get3A_632 = tpu.vector_load %arg6[%get3A_629, %get3A_630, %get3A_631] {strides = array<i32>} : memref<4x128x64xf32, #tpu.memory_space<vmem>>, vector<16xf32>,
        %mul3A_633 = arith.constant 8.000000e+00 : f32
        %mul3A_634 = vector.broadcast %mul3A_633 : f32 to vector<16xf32>
        %mul3A_635 = arith.mulf %get3A_632, %mul3A_634 : vector<16xf32>
        %swap3A_636 = arith.index_cast %rem3A_444 : i32 to index
        %swap3A_637 = arith.index_cast %scan3A_627 : i32 to index
        %swap3A_638 = arith.constant 0 : index
        %swap3A_639 = tpu.vector_load %arg7[%swap3A_636, %swap3A_637, %swap3A_638] {strides = array<i32>} : memref<2x128x128xf32, #tpu.memory_space<vmem>>, vector<16xf32>,
        tpu.vector_store %arg7[%swap3A_636, %swap3A_637, %swap3A_638], %mul3A_635 {strides = array<i32>} : memref<2x128x128xf32, #tpu.memory_space<vmem>>, vector<16xf32>,
        %get3A_640 = arith.constant 3 : i32
        %get3A_641 = arith.index_cast %get3A_640 : i32 to index
        %get3A_642 = arith.index_cast %scan3A_627 : i32 to index
        %get3A_643 = arith.constant 16 : index
        %get3A_644 = tpu.vector_load %arg6[%get3A_641, %get3A_642, %get3A_643] {strides = array<i32>} : memref<4x128x64xf32, #tpu.memory_space<vmem>>, vector<16xf32>,
        %mul3A_645 = arith.constant 8.000000e+00 : f32
        %mul3A_646 = vector.broadcast %mul3A_645 : f32 to vector<16xf32>
        %mul3A_647 = arith.mulf %get3A_644, %mul3A_646 : vector<16xf32>
        %swap3A_648 = arith.index_cast %rem3A_444 : i32 to index
        %swap3A_649 = arith.index_cast %scan3A_627 : i32 to index
        %swap3A_650 = arith.constant 16 : index
        %swap3A_651 = tpu.vector_load %arg7[%swap3A_648, %swap3A_649, %swap3A_650] {strides = array<i32>} : memref<2x128x128xf32, #tpu.memory_space<vmem>>, vector<16xf32>,
        tpu.vector_store %arg7[%swap3A_648, %swap3A_649, %swap3A_650], %mul3A_647 {strides = array<i32>} : memref<2x128x128xf32, #tpu.memory_space<vmem>>, vector<16xf32>,
        %get3A_652 = arith.constant 3 : i32
        %get3A_653 = arith.index_cast %get3A_652 : i32 to index
        %get3A_654 = arith.index_cast %scan3A_627 : i32 to index
        %get3A_655 = arith.constant 32 : index
        %get3A_656 = tpu.vector_load %arg6[%get3A_653, %get3A_654, %get3A_655] {strides = array<i32>} : memref<4x128x64xf32, #tpu.memory_space<vmem>>, vector<16xf32>,
        %mul3A_657 = arith.constant 8.000000e+00 : f32
        %mul3A_658 = vector.broadcast %mul3A_657 : f32 to vector<16xf32>
        %mul3A_659 = arith.mulf %get3A_656, %mul3A_658 : vector<16xf32>
        %swap3A_660 = arith.index_cast %rem3A_444 : i32 to index
        %swap3A_661 = arith.index_cast %scan3A_627 : i32 to index
        %swap3A_662 = arith.constant 32 : index
        %swap3A_663 = tpu.vector_load %arg7[%swap3A_660, %swap3A_661, %swap3A_662] {strides = array<i32>} : memref<2x128x128xf32, #tpu.memory_space<vmem>>, vector<16xf32>,
        tpu.vector_store %arg7[%swap3A_660, %swap3A_661, %swap3A_662], %mul3A_659 {strides = array<i32>} : memref<2x128x128xf32, #tpu.memory_space<vmem>>, vector<16xf32>,
        %get3A_664 = arith.constant 3 : i32
        %get3A_665 = arith.index_cast %get3A_664 : i32 to index
        %get3A_666 = arith.index_cast %scan3A_627 : i32 to index
        %get3A_667 = arith.constant 48 : index
        %get3A_668 = tpu.vector_load %arg6[%get3A_665, %get3A_666, %get3A_667] {strides = array<i32>} : memref<4x128x64xf32, #tpu.memory_space<vmem>>, vector<16xf32>,
        %mul3A_669 = arith.constant 8.000000e+00 : f32
        %mul3A_670 = vector.broadcast %mul3A_669 : f32 to vector<16xf32>
        %mul3A_671 = arith.mulf %get3A_668, %mul3A_670 : vector<16xf32>
        %swap3A_672 = arith.index_cast %rem3A_444 : i32 to index
        %swap3A_673 = arith.index_cast %scan3A_627 : i32 to index
        %swap3A_674 = arith.constant 48 : index
        %swap3A_675 = tpu.vector_load %arg7[%swap3A_672, %swap3A_673, %swap3A_674] {strides = array<i32>} : memref<2x128x128xf32, #tpu.memory_space<vmem>>, vector<16xf32>,
        tpu.vector_store %arg7[%swap3A_672, %swap3A_673, %swap3A_674], %mul3A_671 {strides = array<i32>} : memref<2x128x128xf32, #tpu.memory_space<vmem>>, vector<16xf32>,
        %scan3A_676 = arith.constant 0 : i32
        %scan3A_677 = arith.constant 3 : i32
        %scan3A_678 = arith.addi %scan3A_526, %scan3A_677 : i32
        %get3A_679 = arith.constant 3 : i32
        %get3A_680 = arith.index_cast %get3A_679 : i32 to index
        %get3A_681 = arith.index_cast %scan3A_678 : i32 to index
        %get3A_682 = arith.constant 0 : index
        %get3A_683 = tpu.vector_load %arg6[%get3A_680, %get3A_681, %get3A_682] {strides = array<i32>} : memref<4x128x64xf32, #tpu.memory_space<vmem>>, vector<16xf32>,
        %mul3A_684 = arith.constant 8.000000e+00 : f32
        %mul3A_685 = vector.broadcast %mul3A_684 : f32 to vector<16xf32>
        %mul3A_686 = arith.mulf %get3A_683, %mul3A_685 : vector<16xf32>
        %swap3A_687 = arith.index_cast %rem3A_444 : i32 to index
        %swap3A_688 = arith.index_cast %scan3A_678 : i32 to index
        %swap3A_689 = arith.constant 0 : index
        %swap3A_690 = tpu.vector_load %arg7[%swap3A_687, %swap3A_688, %swap3A_689] {strides = array<i32>} : memref<2x128x128xf32, #tpu.memory_space<vmem>>, vector<16xf32>,
        tpu.vector_store %arg7[%swap3A_687, %swap3A_688, %swap3A_689], %mul3A_686 {strides = array<i32>} : memref<2x128x128xf32, #tpu.memory_space<vmem>>, vector<16xf32>,
        %get3A_691 = arith.constant 3 : i32
        %get3A_692 = arith.index_cast %get3A_691 : i32 to index
        %get3A_693 = arith.index_cast %scan3A_678 : i32 to index
        %get3A_694 = arith.constant 16 : index
        %get3A_695 = tpu.vector_load %arg6[%get3A_692, %get3A_693, %get3A_694] {strides = array<i32>} : memref<4x128x64xf32, #tpu.memory_space<vmem>>, vector<16xf32>,
        %mul3A_696 = arith.constant 8.000000e+00 : f32
        %mul3A_697 = vector.broadcast %mul3A_696 : f32 to vector<16xf32>
        %mul3A_698 = arith.mulf %get3A_695, %mul3A_697 : vector<16xf32>
        %swap3A_699 = arith.index_cast %rem3A_444 : i32 to index
        %swap3A_700 = arith.index_cast %scan3A_678 : i32 to index
        %swap3A_701 = arith.constant 16 : index
        %swap3A_702 = tpu.vector_load %arg7[%swap3A_699, %swap3A_700, %swap3A_701] {strides = array<i32>} : memref<2x128x128xf32, #tpu.memory_space<vmem>>, vector<16xf32>,
        tpu.vector_store %arg7[%swap3A_699, %swap3A_700, %swap3A_701], %mul3A_698 {strides = array<i32>} : memref<2x128x128xf32, #tpu.memory_space<vmem>>, vector<16xf32>,
        %get3A_703 = arith.constant 3 : i32
        %get3A_704 = arith.index_cast %get3A_703 : i32 to index
        %get3A_705 = arith.index_cast %scan3A_678 : i32 to index
        %get3A_706 = arith.constant 32 : index
        %get3A_707 = tpu.vector_load %arg6[%get3A_704, %get3A_705, %get3A_706] {strides = array<i32>} : memref<4x128x64xf32, #tpu.memory_space<vmem>>, vector<16xf32>,
        %mul3A_708 = arith.constant 8.000000e+00 : f32
        %mul3A_709 = vector.broadcast %mul3A_708 : f32 to vector<16xf32>
        %mul3A_710 = arith.mulf %get3A_707, %mul3A_709 : vector<16xf32>
        %swap3A_711 = arith.index_cast %rem3A_444 : i32 to index
        %swap3A_712 = arith.index_cast %scan3A_678 : i32 to index
        %swap3A_713 = arith.constant 32 : index
        %swap3A_714 = tpu.vector_load %arg7[%swap3A_711, %swap3A_712, %swap3A_713] {strides = array<i32>} : memref<2x128x128xf32, #tpu.memory_space<vmem>>, vector<16xf32>,
        tpu.vector_store %arg7[%swap3A_711, %swap3A_712, %swap3A_713], %mul3A_710 {strides = array<i32>} : memref<2x128x128xf32, #tpu.memory_space<vmem>>, vector<16xf32>,
        %get3A_715 = arith.constant 3 : i32
        %get3A_716 = arith.index_cast %get3A_715 : i32 to index
        %get3A_717 = arith.index_cast %scan3A_678 : i32 to index
        %get3A_718 = arith.constant 48 : index
        %get3A_719 = tpu.vector_load %arg6[%get3A_716, %get3A_717, %get3A_718] {strides = array<i32>} : memref<4x128x64xf32, #tpu.memory_space<vmem>>, vector<16xf32>,
        %mul3A_720 = arith.constant 8.000000e+00 : f32
        %mul3A_721 = vector.broadcast %mul3A_720 : f32 to vector<16xf32>
        %mul3A_722 = arith.mulf %get3A_719, %mul3A_721 : vector<16xf32>
        %swap3A_723 = arith.index_cast %rem3A_444 : i32 to index
        %swap3A_724 = arith.index_cast %scan3A_678 : i32 to index
        %swap3A_725 = arith.constant 48 : index
        %swap3A_726 = tpu.vector_load %arg7[%swap3A_723, %swap3A_724, %swap3A_725] {strides = array<i32>} : memref<2x128x128xf32, #tpu.memory_space<vmem>>, vector<16xf32>,
        tpu.vector_store %arg7[%swap3A_723, %swap3A_724, %swap3A_725], %mul3A_722 {strides = array<i32>} : memref<2x128x128xf32, #tpu.memory_space<vmem>>, vector<16xf32>,
        %scan3A_727 = arith.constant 0 : i32
        scf.yield %scan3A_727 : i32
      }
      %scan3A_509 = arith.constant 128 : i32
      %mul3A_510 = arith.constant 128 : i32
      %mul3A_511 = arith.muli %add3A_442, %mul3A_510 : i32
      %add3A_512 = arith.addi %mul3A_2, %mul3A_511 : i32
      %dma_start3A_513 = arith.constant 0 : i32
      %dma_start3A_514 = arith.constant 0 : i32
      %dma_start3A_515 = tpu.memref_slice %arg7[%rem3A_444, %dma_start3A_513, %dma_start3A_514] : memref<2x128x128xf32, #tpu.memory_space<vmem>> -> memref<1x128x128xf32, #tpu.memory_space<vmem>>
      %dma_start3A_516 = tpu.memref_squeeze %dma_start3A_515 : memref<1x128x128xf32, #tpu.memory_space<vmem>> -> memref<128x128xf32, #tpu.memory_space<vmem>>
      %dma_start3A_517 = arith.constant 0 : i32
      %dma_start3A_518 = tpu.memref_slice %arg4[%add3A_512, %dma_start3A_517] : memref<819200x128xf32, #tpu.memory_space<hbm>> -> memref<128x128xf32, #tpu.memory_space<hbm>>
      %dma_start3A_519 = arith.constant 0 : i32
      %dma_start3A_520 = tpu.memref_slice %arg4[%add3A_512, %dma_start3A_519] : memref<819200x128xf32, #tpu.memory_space<hbm>> -> memref<128x128xf32, #tpu.memory_space<hbm>>
      %dma_start3A_521 = arith.constant 0 : i32
      %dma_start3A_522 = arith.constant 0 : i32
      %dma_start3A_523 = tpu.memref_slice %arg7[%rem3A_444, %dma_start3A_521, %dma_start3A_522] : memref<2x128x128xf32, #tpu.memory_space<vmem>> -> memref<1x128x128xf32, #tpu.memory_space<vmem>>
      %dma_start3A_524 = tpu.memref_squeeze %dma_start3A_523 : memref<1x128x128xf32, #tpu.memory_space<vmem>> -> memref<128x128xf32, #tpu.memory_space<vmem>>
      tpu.enqueue_dma source(%dma_start3A_524 : memref<128x128xf32, #tpu.memory_space<vmem>>) target(%dma_start3A_520 : memref<128x128xf32, #tpu.memory_space<hbm>>) target_semaphore(%arg9 : memref<!tpu.dma_semaphore, #tpu.memory_space<semaphore_mem>>)
      %scan3A_525 = arith.constant 0 : i32
      scf.yield %scan3A_525 : i32
    }
    %scan3A_151 = arith.constant 50 : i32
    %rem3A = arith.constant 198 : i32
    %rem3A_152 = arith.constant 2 : i32
    %rem3A_153 = arith.remsi %rem3A, %rem3A_152 : i32
    %add3A_154 = arith.constant 25344 : i32
    %add3A_155 = arith.addi %mul3A_2, %add3A_154 : i32
    %dma_wait3A = arith.constant 0 : i32
    %dma_wait3A_156 = arith.constant 0 : i32
    %dma_wait3A_157 = tpu.memref_slice %arg7[%rem3A_153, %dma_wait3A, %dma_wait3A_156] : memref<2x128x128xf32, #tpu.memory_space<vmem>> -> memref<1x128x128xf32, #tpu.memory_space<vmem>>
    %dma_wait3A_158 = tpu.memref_squeeze %dma_wait3A_157 : memref<1x128x128xf32, #tpu.memory_space<vmem>> -> memref<128x128xf32, #tpu.memory_space<vmem>>
    %dma_wait3A_159 = arith.constant 0 : i32
    %dma_wait3A_160 = tpu.memref_slice %arg4[%add3A_155, %dma_wait3A_159] : memref<819200x128xf32, #tpu.memory_space<hbm>> -> memref<128x128xf32, #tpu.memory_space<hbm>>
    %dma_wait3A_161 = arith.constant 0 : i32
    %dma_wait3A_162 = tpu.memref_slice %arg4[%add3A_155, %dma_wait3A_161] : memref<819200x128xf32, #tpu.memory_space<hbm>> -> memref<128x128xf32, #tpu.memory_space<hbm>>
    %dma_wait3A_163 = arith.constant 0 : i32
    %dma_wait3A_164 = arith.constant 0 : i32
    %dma_wait3A_165 = tpu.memref_slice %arg7[%rem3A_153, %dma_wait3A_163, %dma_wait3A_164] : memref<2x128x128xf32, #tpu.memory_space<vmem>> -> memref<1x128x128xf32, #tpu.memory_space<vmem>>
    %dma_wait3A_166 = tpu.memref_squeeze %dma_wait3A_165 : memref<1x128x128xf32, #tpu.memory_space<vmem>> -> memref<128x128xf32, #tpu.memory_space<vmem>>
    tpu.wait_dma2 semaphore(%arg9 : memref<!tpu.dma_semaphore, #tpu.memory_space<semaphore_mem>>) src(%dma_wait3A_166 : memref<128x128xf32, #tpu.memory_space<vmem>>) dst(%dma_wait3A_162 : memref<128x128xf32, #tpu.memory_space<hbm>>)
    %rem3A_167 = arith.constant 199 : i32
    %rem3A_168 = arith.constant 2 : i32
    %rem3A_169 = arith.remsi %rem3A_167, %rem3A_168 : i32
    %add3A_170 = arith.constant 25472 : i32
    %add3A_171 = arith.addi %mul3A_2, %add3A_170 : i32
    %dma_wait3A_172 = arith.constant 0 : i32
    %dma_wait3A_173 = arith.constant 0 : i32
    %dma_wait3A_174 = tpu.memref_slice %arg7[%rem3A_169, %dma_wait3A_172, %dma_wait3A_173] : memref<2x128x128xf32, #tpu.memory_space<vmem>> -> memref<1x128x128xf32, #tpu.memory_space<vmem>>
    %dma_wait3A_175 = tpu.memref_squeeze %dma_wait3A_174 : memref<1x128x128xf32, #tpu.memory_space<vmem>> -> memref<128x128xf32, #tpu.memory_space<vmem>>
    %dma_wait3A_176 = arith.constant 0 : i32
    %dma_wait3A_177 = tpu.memref_slice %arg4[%add3A_171, %dma_wait3A_176] : memref<819200x128xf32, #tpu.memory_space<hbm>> -> memref<128x128xf32, #tpu.memory_space<hbm>>
    %dma_wait3A_178 = arith.constant 0 : i32
    %dma_wait3A_179 = tpu.memref_slice %arg4[%add3A_171, %dma_wait3A_178] : memref<819200x128xf32, #tpu.memory_space<hbm>> -> memref<128x128xf32, #tpu.memory_space<hbm>>
    %dma_wait3A_180 = arith.constant 0 : i32
    %dma_wait3A_181 = arith.constant 0 : i32
    %dma_wait3A_182 = tpu.memref_slice %arg7[%rem3A_169, %dma_wait3A_180, %dma_wait3A_181] : memref<2x128x128xf32, #tpu.memory_space<vmem>> -> memref<1x128x128xf32, #tpu.memory_space<vmem>>
    %dma_wait3A_183 = tpu.memref_squeeze %dma_wait3A_182 : memref<1x128x128xf32, #tpu.memory_space<vmem>> -> memref<128x128xf32, #tpu.memory_space<vmem>>
    tpu.wait_dma2 semaphore(%arg9 : memref<!tpu.dma_semaphore, #tpu.memory_space<semaphore_mem>>) src(%dma_wait3A_183 : memref<128x128xf32, #tpu.memory_space<vmem>>) dst(%dma_wait3A_179 : memref<128x128xf32, #tpu.memory_space<hbm>>)
    return
  }
}

</mosaic_0001>

<sc_bundles>
// kernel: kernel.3.cloned.1.call-start
scs
__scs_entry_jumppad:
0x0: {  	(pc) =	sbr.rel $0x88, $3  }
0x1: {  	(tag) =	ssettag $0x0;
	lr =	simm.s32 $0x1  }
0x2: {  	[smem:$0x3F9F] =	sst lr;
	_ =	strace $0xD0000000  }
0x3: {  	_ = 	snop  }
0x4: {  	_ = 	snop  }
0x5: {  	_ = 	snop  }
0x6: {  	_ = 	snop  }
0x7: {  	_ = 	snop  }
__scs_overlays_trampoline_lowered:
0x8: {  	[smem:$0x3FAE] =	sst s0  }
0x9: {  	[smem:$0x3FAF] =	sst s1  }
0xa: {  	[smem:$0x3FB0] =	sst s2  }
0xb: {  	[smem:$0x3FB1] =	sst s3  }
0xc: {  	[smem:$0x3FB2] =	sst s4  }
0xd: {  	[smem:$0x3FB3] =	sst s5  }
0xe: {  	[smem:$0x3FB4] =	sst s6  }
0xf: {  	[smem:$0x3FB5] =	sst s7  }
0x10: {  	[smem:$0x3FB6] =	sst s8  }
0x11: {  	[smem:$0x3FB7] =	sst s9;
	s0 =	simm.s32 @!p0 $0x0  }
0x12: {  	s1 =	sld [smem:$0x3F9D];
	s0 =	simm.s32 @p0 $0x1  }
0x13: {  	[smem:$0x3FB8] =	sst s0;
	s0 =	simm.s32 @!p1 $0x0  }
0x14: {  	s2 =	sld [smem:$0x3F9C];
	s0 =	simm.s32 @p1 $0x1  }
0x15: {  	[smem:$0x3FB9] =	sst s0;
	s0 =	simm.s32 @!p2 $0x0  }
0x16: {  	s3 =	sld [smem:$0x3FDB];
	s0 =	simm.s32 @p2 $0x1  }
0x17: {  	s4 =	simm.s32 $0x1BF5;
	[smem:$0x3FBB] =	sst s0  }
0x18: {  	s0 =	sld [smem:$0x3F9E];
	_ =	swait.ge [sflag:s4], $0x0  }
0x19: {  	s7 =	sld [smem:$0x3F9F]  }
0x1a: {  	s8 =	sadd.s32 $0xFFFFE003, lr  }
0x1b: {  	s9 =	sadd.s32 $0xFFFFFEF7, lr;
	s5 =	simm.s32 $0xFFFFFFFF;
	p2 =	slt.u32 s8, $0xFFFFF086  }
0x1c: {  	p1 =	slt.u32 s9, $0xF7A;
	s5 =	simm.s32 @!p2 $0x0  }
0x1d: {  	s5 =	simm.s32 @p1 $0x1;
	p0 =	seq.s32 s7, s2  }
0x1e: {  	s7 =	smul.u32 @!p0 $0xF7A, s2;
	p2 =	seq.s32 @!p0 s5, $0x0  }
0x1f: {  	s9 =	smul.u32 $0xF7A, s1;
	s8 =	simm.s32 @!p0 $0x1BF5;
	p2 =	por !p2, p0  }
0x20: {  	[sflag:s8] =	ssyncset.s32 @!p0 $0xFFFFF086;
	s6 =	sadd.s32 @!p0 s3, s7;
	s7 =	simm.s32 @!p0 $0x108  }
0x21: {  	s3 =	sadd.s32 s3, s9;
	s6 =	sadd.s32 @!p0 $0x88, s6;
	s7 =	simm.s32 @p2 $0x1082  }
0x22: {  	[simem:s7], [sflag:s8] =	dma.local @!p0 [hbm:s6], $0xF7A  }
0x23: {  	s9 =	sor.u32 $0xD0000000, s2;
	s6 =	simm.s32 $0x108;
	_ =	swait.ge @!p0 [sflag:s8], $0x0  }
0x24: {  	s3 =	sadd.s32 $0x88, s3;
	s6 =	simm.s32 @!p1 $0x1082;
	[sflag:s4] =	ssyncset.s32 $0xFFFFF086  }
0x25: {  	[simem:s6], [sflag:s4] =	dma.local [hbm:s3], $0xF7A  }
0x26: {  	[smem:$0x3F9F] =	sst s1;
	(tag) =	ssettag s2;
	_ =	strace s9  }
0x27: {  	s1 =	sld [smem:$0x3FAF]  }
0x28: {  	s2 =	sld [smem:$0x3FB0]  }
0x29: {  	s4 =	sld [smem:$0x3FB2]  }
0x2a: {  	p0 =	seq.s32 s5, $0x0;
	s5 =	sld [smem:$0x3FB3]  }
0x2b: {  	s6 =	sld [smem:$0x3FB4]  }
0x2c: {  	s7 =	sld [smem:$0x3FB5]  }
0x2d: {  	s3 =	simm.s32 $0x108;
	s8 =	sld [smem:$0x3FB6]  }
0x2e: {  	s3 =	simm.s32 @!p0 $0x1082;
	s9 =	sld [smem:$0x3FB7]  }
0x2f: {  	lr =	sadd.s32 s0, s3;
	s0 =	sld [smem:$0x3FAE]  }
0x30: {  	s3 =	sld [smem:$0x3FB1]  }
0x31: {  	[smem:$0x3FBA] =	sst s10  }
0x32: {  	s10 =	sld [smem:$0x3FB8];
	_ =	sdelay $0x3  }
0x33: {  	p0 =	seq.s32 s10, $0x1;
	s10 =	sld [smem:$0x3FBA];
	_ =	sdelay $0x3  }
0x34: {  	[smem:$0x3FBA] =	sst s10  }
0x35: {  	s10 =	sld [smem:$0x3FB9];
	_ =	sdelay $0x3  }
0x36: {  	p1 =	seq.s32 s10, $0x1;
	s10 =	sld [smem:$0x3FBA];
	_ =	sdelay $0x3  }
0x37: {  	[smem:$0x3FBA] =	sst s10  }
0x38: {  	s10 =	sld [smem:$0x3FBB]  }
0x39: {  	_ = 	snop;
	(pc) =	sbr.ind lr, $3  }
0x3a: {  	_ = 	snop  }
0x3b: {  	_ = 	snop  }
0x3c: {  	p2 =	seq.s32 s10, $0x1;
	s10 =	sld [smem:$0x3FBA]  }
0x3d: {  	_ =	shalt  }
0x3e: {  	_ =	shalt  }
0x3f: {  	_ =	shalt  }
0x40: {  	_ =	shalt  }
0x41: {  	_ =	shalt  }
0x42: {  	_ =	shalt  }
0x43: {  	_ =	shalt  }
0x44: {  	_ =	shalt  }
0x45: {  	_ =	shalt  }
0x46: {  	_ =	shalt  }
0x47: {  	_ =	shalt  }
0x48: {  	_ =	shalt  }
0x49: {  	_ =	shalt  }
0x4a: {  	_ =	shalt  }
0x4b: {  	_ =	shalt  }
0x4c: {  	_ =	shalt  }
0x4d: {  	_ =	shalt  }
0x4e: {  	_ =	shalt  }
0x4f: {  	_ =	shalt  }
0x50: {  	_ =	shalt  }
0x51: {  	_ =	shalt  }
0x52: {  	_ =	shalt  }
0x53: {  	_ =	shalt  }
0x54: {  	_ =	shalt  }
0x55: {  	_ =	shalt  }
0x56: {  	_ =	shalt  }
0x57: {  	_ =	shalt  }
0x58: {  	_ =	shalt  }
0x59: {  	_ =	shalt  }
0x5a: {  	_ =	shalt  }
0x5b: {  	_ =	shalt  }
0x5c: {  	_ =	shalt  }
0x5d: {  	_ =	shalt  }
0x5e: {  	_ =	shalt  }
0x5f: {  	_ =	shalt  }
0x60: {  	_ =	shalt  }
0x61: {  	_ =	shalt  }
0x62: {  	_ =	shalt  }
0x63: {  	_ =	shalt  }
0x64: {  	_ =	shalt  }
0x65: {  	_ =	shalt  }
0x66: {  	_ =	shalt  }
0x67: {  	_ =	shalt  }
0x68: {  	_ =	shalt  }
0x69: {  	_ =	shalt  }
0x6a: {  	_ =	shalt  }
0x6b: {  	_ =	shalt  }
0x6c: {  	_ =	shalt  }
0x6d: {  	_ =	shalt  }
0x6e: {  	_ =	shalt  }
0x6f: {  	_ =	shalt  }
0x70: {  	_ =	shalt  }
0x71: {  	_ =	shalt  }
0x72: {  	_ =	shalt  }
0x73: {  	_ =	shalt  }
0x74: {  	_ =	shalt  }
0x75: {  	_ =	shalt  }
0x76: {  	_ =	shalt  }
0x77: {  	_ =	shalt  }
0x78: {  	_ =	shalt  }
0x79: {  	_ =	shalt  }
0x7a: {  	_ =	shalt  }
0x7b: {  	_ =	shalt  }
0x7c: {  	_ =	shalt  }
0x7d: {  	_ =	shalt  }
0x7e: {  	_ =	shalt  }
0x7f: {  	_ =	shalt  }
0x80: {  	_ =	shalt  }
0x81: {  	_ =	shalt  }
0x82: {  	_ =	shalt  }
0x83: {  	_ =	shalt  }
0x84: {  	_ =	shalt  }
0x85: {  	_ =	shalt  }
0x86: {  	_ =	shalt  }
0x87: {  	_ =	shalt  }
.Lfunc_end0:
.L_simem_size_0:
called_computation.1_lowered:
.L_overlay_start_0:
0x88: {  	s2 =	sld [smem:$0x3FD9]  }
0x89: {  	s3 =	sld [smem:$0x3FFE];
	_ =	sdelay $0x1  }
0x8a: {  	s1 =	srdreg.scid  }
0x8b: {  	s0 =	sand.u32 $0x1, s1  }
0x8c: {  	s17 =	sshll.u32 s0, $0xA;
	s2 =	sadd.s32 s3, s2  }
0x8d: {  	s2 =	sadd.s32 s2, s17  }
0x8e: {  	[smem:$0x3FC6] =	sst s2  }
0x8f: {  	_ = 	snop  }
0x90: {  	s2 =	sld [smem:$0x3FD0];
	(tm) =	ssettm $0x1  }
0x91: {  	s18 =	sld [smem:$0x3FFB];
	_ =	sdelay $0x3  }
0x92: {  	_ =	strace s18  }
0x93: {  	s3 =	sld [smem:$0x3FFC];
	_ =	sdelay $0x3  }
0x94: {  	_ =	strace s3  }
0x95: {  	s3 =	sld [smem:$0x3FFD];
	_ =	sdelay $0x3  }
0x96: {  	_ =	strace s3  }
0x97: {  	_ =	strace $0x8FFFFFFF  }
0x98: {  	s19 =	sld [smem:$0x3FDB];
	_ =	sdelay $0x1  }
0x99: {  	s4 =	simm.s32 $_scs_section_size  }
0x9a: {  	s5 =	simm.s32 $_size__tile_overlayer_lowered;
	s6 =	simm.s32 $_tile_overlayer_lowered  }
0x9b: {  	s22 =	simm.s32 $0x1BFF;
	s21 =	sshll.u32 s6, $0x1;
	s3 =	sadd.s32 s4, s19  }
0x9c: {  	s7 =	simm.s32 $0x0;
	s20 =	sshll.u32 s5, $0x1;
	s5 =	sadd.s32 s21, s3  }
0x9d: {  	[timem:s7], [sflag:s22] =	dma.local [hbm:s5], s20  }
0x9e: {  	_ =	swait.ge [sflag:s22], s20  }
0x9f: {  	s4 =	ssub.s32 $0x0, s20;
	[sflag:s22] =	ssyncset.done $0x0  }
0xa0: {  	[sflag:s22] =	ssyncadd.s32 s4;
	_ =	sdelay $0x1  }
0xa1: {  	s23 =	simm.s32 $0x1B8B  }
0xa2: {  	_ =	swait.ge [sflag:s23], $0x1  }
0xa3: {  	[sflag:s23] =	ssyncset.done $0x0  }
0xa4: {  	s25 =	simm.s32 $0x1B8E;
	s24 =	sld [smem:$0x3FFE];
	[sflag:s23] =	ssyncadd.s32 $0xFFFFFFFF  }
0xa5: {  	s26 =	simm.s32 $execute0_lowered;
	[smem:$0x3FD2] =	sst s25  }
0xa6: {  	s5 =	sshll.u32 s26, $0x1;
	_ =	strace $0x80000046;
	[dreg:$0x1] =	wrdreg $0xFFFFFFFF  }
0xa7: {  	s28 =	simm.s32 $_size_execute0_lowered;
	s3 =	sadd.s32 s3, s5;
	[dreg:$0x0] =	wrdreg $0x0  }
0xa8: {  	s5 =	sshll.u32 s28, $0x1;
	[dreg:$0x2] =	wrdreg s3  }
0xa9: {  	[dreg:$0x3] =	wrdreg s5  }
0xaa: {  	[dreg:$0x4] =	wrdreg $0xC0  }
0xab: {  	_ =	task [dreg:s7], $0x5FFFF  }
0xac: {  	[dreg:$0x1] =	wrdreg $0xFFFFFFFF  }
0xad: {  	[dreg:$0x0] =	wrdreg $0x60  }
0xae: {  	[dreg:$0x2] =	wrdreg s2  }
0xaf: {  	[dreg:$0x3] =	wrdreg s24  }
0xb0: {  	[dreg:$0x4] =	wrdreg $0x9  }
0xb1: {  	_ =	task.clear_ibuf [dreg:s7], $0x5FFFF;
	_ =	strace $0x90000046  }
0xb2: {  	s29 =	simm.s32 $0x9;
	_ =	strace $0x80000048  }
0xb3: {  	_ =	swait.ge [sflag:s29], $0x1  }
0xb4: {  	[sflag:s29] =	ssyncadd.s32 $0xFFFFFFFF  }
0xb5: {  	_ =	strace $0x90000048  }
0xb6: {  	_ =	sfence  }
0xb7: {  	s30 =	sld [smem:$0x0];
	_ =	sdelay $0x2  }
0xb8: {  	s31 =	sshll.u32 s1, $0xD;
	s1 =	sshrl.u32 s1, $0x2  }
0xb9: {  	s3 =	sand.u32 $0x4000, s31;
	s1 =	sadd.s32 s1, s30  }
0xba: {  	s0 =	sor.u32 s3, s0;
	s1 =	sshll.u32 s1, $0x11  }
0xbb: {  	s0 =	sor.u32 s1, s0  }
0xbc: {  	s0 =	sadd.s32 $0x8F2B, s0  }
0xbd: {  	[sflag:s0] =	ssyncadd.remote.s32 $0x1  }
0xbe: {  	_ =	sfence.sel $0xFFFF  }
0xbf: {  	[dreg:$0x0] =	wrdreg $0xFFFFFFFF;
	(pc) =	sbr.abs _section_cstart, $3  }
0xc0: {  	[dreg:$0x1] =	wrdreg $0xFFFFFFFF  }
0xc1: {  	_ =	task.clear_ibuf [dreg:s7], $0x2FFFF;
	_ =	strace $0x9FFFFFFF  }
0xc2: {  	(tm) =	ssettm $0x7FFFFFFF  }
0xc3: {  	_ =	shalt  }
tec
execute0_lowered:
.L_overlay_start_1:
0x0: {  	(tag) =	ssettag $0x1  }
0x1: {  	s0 =	rddreg [dreg:$0x0];
	s1 =	srdreg.scid  }
0x2: {  	s2 =	stileid.u32;
	s5 =	rddreg [dreg:$0x1];
	s10 =	simm.s32 $0x3  }
0x3: {  	s11 =	simm.s32 $0x20;
	s30 =	simm.s32 $0xAC00;
	s31 =	simm.s32 $0x140  }
0x4: {  	s12 =	simm.s32 $0xBC00;
	s13 =	simm.s32 $0xC400;
	s14 =	simm.s32 $0xCC00  }
0x5: {  	s15 =	simm.s32 $0xD400;
	s16 =	simm.s32 $0xDC00;
	s17 =	simm.s32 $0x1  }
0x6: {  	s18 =	simm.s32 $0xE400;
	s19 =	simm.s32 $0x12400;
	s20 =	simm.s32 $0x2  }
0x7: {  	s1 =	sand.u32 $0x1, s1;
	s3 =	sshll.u32 s2, $0x1;
	s2 =	simm.s32 $0x0  }
0x8: {  	s21 =	simm.s32 $0x0;
	s4 =	sor.u32 s1, s3;
	[smem:$0x7FF] =	sst s2  }
0x9: {  	s3 =	sadd.s32 $0xF42E00, s5;
	s1 =	ssub.s32 $0x2, s1;
	s8 =	smul.u32 $0x6400, s4  }
0xa: {  	s5 =	sadd.s32 $0xA00, s5;
	_ =	strace $0x80000047;
	s6 =	sshrl.u32 s1, $0x1  }
0xb: {  	s4 =	smul.u32 $0x320000, s4;
	s1 =	ssub.s32 s1, s6;
	s7 =	sshrl.u32 s8, $0x3  }
0xc: {  	s8 =	sor.u32 $0x100, s8;
	s9 =	smax.u32 s1, $0x1;
	s1 =	simm.s32 $0xB400  }
0xd: {  	s6 =	sadd.s32 s0, s7;
	s7 =	sor.u32 $0x4000, s4;
	s0 =	simm.s32 $0x160  }
.LBB2_1:
0xe: {  	[tilespmem:s2], [sflag:$0x3] =	stream.linear.gather [hbm4b:s6+s2], $0x6400, $0x38;
	[tilespmem:$0x16400] =	vst v63  }
0xf: {  	_ =	swait.ge [sflag:s10], $0x6400  }
0x10: {  	[sflag:s10] =	ssyncset.done $0x0  }
0x11: {  	s22 =	simm.s32 $0x6400;
	[sflag:s10] =	ssyncadd.s32 $0xFFFF9C00  }
0x12: {  	[tilespmem:s22], [sflag:$0x1] =	stream.indirect.gather [hbm4b:s3+s11], $0x40, s2, s11, $0xb8;
	[tilespmem:$0x16400] =	vst v63  }
0x13: {  	s25 =	simm.s32 $0x6C00  }
0x14: {  	[tilespmem:s25], [sflag:$0x1] =	stream.indirect.gather [hbm4b:s3+s11], $0x40, s11, s11, $0xb8;
	[tilespmem:$0x16400] =	vst v63  }
0x15: {  	s26 =	simm.s32 $0x40;
	s23 =	simm.s32 $0x7400  }
0x16: {  	[tilespmem:s23], [sflag:$0x1] =	stream.indirect.gather [hbm4b:s3+s11], $0x40, s26, s11, $0xb8;
	[tilespmem:$0x16400] =	vst v63  }
0x17: {  	s28 =	simm.s32 $0x60;
	s29 =	simm.s32 $0x7C00  }
0x18: {  	[tilespmem:s29], [sflag:$0x1] =	stream.indirect.gather [hbm4b:s3+s11], $0x40, s28, s11, $0xb8;
	[tilespmem:$0x16400] =	vst v63  }
0x19: {  	s24 =	simm.s32 $0x8400;
	s23 =	simm.s32 $0x80  }
0x1a: {  	[tilespmem:s24], [sflag:$0x1] =	stream.indirect.gather [hbm4b:s3+s11], $0x40, s23, s11, $0xb8;
	[tilespmem:$0x16400] =	vst v63  }
0x1b: {  	s25 =	simm.s32 $0xA0;
	s26 =	simm.s32 $0x8C00  }
0x1c: {  	[tilespmem:s26], [sflag:$0x1] =	stream.indirect.gather [hbm4b:s3+s11], $0x40, s25, s11, $0xb8;
	[tilespmem:$0x16400] =	vst v63  }
0x1d: {  	s28 =	simm.s32 $0xC0;
	s29 =	simm.s32 $0x9400  }
0x1e: {  	[tilespmem:s29], [sflag:$0x1] =	stream.indirect.gather [hbm4b:s3+s11], $0x40, s28, s11, $0xb8;
	[tilespmem:$0x16400] =	vst v63  }
0x1f: {  	s24 =	simm.s32 $0xE0;
	s25 =	simm.s32 $0x9C00  }
0x20: {  	[tilespmem:s25], [sflag:$0x1] =	stream.indirect.gather [hbm4b:s3+s11], $0x40, s24, s11, $0xb8;
	[tilespmem:$0x16400] =	vst v63  }
0x21: {  	s26 =	simm.s32 $0x100;
	s28 =	simm.s32 $0xA400  }
0x22: {  	[tilespmem:s28], [sflag:$0x1] =	stream.indirect.gather [hbm4b:s3+s11], $0x40, s26, s11, $0xb8;
	[tilespmem:$0x16400] =	vst v63  }
0x23: {  	s29 =	simm.s32 $0x120  }
0x24: {  	[tilespmem:s30], [sflag:$0x1] =	stream.indirect.gather [hbm4b:s3+s11], $0x40, s29, s11, $0xb8;
	[tilespmem:$0x16400] =	vst v63  }
0x25: {  	_ = 	snop  }
0x26: {  	[tilespmem:s1], [sflag:$0x1] =	stream.indirect.gather [hbm4b:s3+s11], $0x40, s31, s11, $0xb8;
	[tilespmem:$0x16400] =	vst v63  }
0x27: {  	s22 =	simm.s32 $0x0  }
0x28: {  	[tilespmem:s12], [sflag:$0x1] =	stream.indirect.gather [hbm4b:s3+s11], $0x40, s0, s11, $0xb8;
	[tilespmem:$0x16400] =	vst v63  }
.LBB2_2:
0x29: {  	s23 =	sshllo.u32 s22, $0x2  }
0x2a: {  	s24 =	sshll.u32 s23, $0x7  }
0x2b: {  	s24 =	sand.u32 $0x3FFFFF80, s24  }
0x2c: {  	[tilespmem:s13], [sflag:$0x1] =	stream.indirect.gather [hbm4b:s3+s11], $0x40, s24, s11, $0xb8;
	[tilespmem:$0x16400] =	vst v63  }
0x2d: {  	s25 =	sor.u32 $0x20, s24  }
0x2e: {  	[tilespmem:s14], [sflag:$0x1] =	stream.indirect.gather [hbm4b:s3+s11], $0x40, s25, s11, $0xb8;
	[tilespmem:$0x16400] =	vst v63  }
0x2f: {  	s28 =	sor.u32 $0x40, s24  }
0x30: {  	[tilespmem:s15], [sflag:$0x1] =	stream.indirect.gather [hbm4b:s3+s11], $0x40, s28, s11, $0xb8;
	[tilespmem:$0x16400] =	vst v63  }
0x31: {  	p0 =	seq.s32 s22, $0x0;
	s24 =	sor.u32 $0x60, s24  }
0x32: {  	[tilespmem:s16], [sflag:$0x1] =	stream.indirect.gather [hbm4b:s3+s11], $0x40, s24, s11, $0xb8;
	[tilespmem:$0x16400] =	vst v63  }
0x33: {  	s24 =	simm.s32 @!p0 $0x2  }
0x34: {  	_ =	swait.ge @!p0 [sflag:s24], $0x4000  }
0x35: {  	[sflag:s24] =	ssyncset.done @!p0 $0x0  }
0x36: {  	[sflag:s24] =	ssyncadd.s32 @!p0 $0xFFFFC000  }
0x37: {  	_ =	swait.ge [sflag:s17], $0x800  }
0x38: {  	[sflag:s17] =	ssyncset.done $0x0  }
0x39: {  	[sflag:s17] =	ssyncadd.s32 $0xFFFFF800  }
0x3a: {  	_ =	swait.ge [sflag:s17], $0x800  }
0x3b: {  	[sflag:s17] =	ssyncset.done $0x0  }
0x3c: {  	[sflag:s17] =	ssyncadd.s32 $0xFFFFF800  }
0x3d: {  	_ =	swait.ge [sflag:s17], $0x800  }
0x3e: {  	[sflag:s17] =	ssyncset.done $0x0  }
0x3f: {  	[sflag:s17] =	ssyncadd.s32 $0xFFFFF800  }
0x40: {  	_ =	swait.ge [sflag:s17], $0x800  }
0x41: {  	[sflag:s17] =	ssyncset.done $0x0  }
0x42: {  	s29 =	simm.s32 $0x6480;
	[sflag:s17] =	ssyncadd.s32 $0xFFFFF800  }
0x43: {  	v0 =	vld [tilespmem:s29+$0xFFFFFF80];
	_ =	sdelay $0x4  }
0x44: {  	v0 =	vmul.f32 $8.000000000e+00, v0  }
0x45: {  	s24 =	simm.s32 $0xE500  }
0x46: {  	[tilespmem:s24+$0xFFFFFF00] =	vst v0  }
0x47: {  	v0 =	vld [tilespmem:s29+$0xFFFFFF90];
	_ =	sdelay $0x4  }
0x48: {  	v0 =	vmul.f32 $8.000000000e+00, v0;
	_ =	sdelay $0x1  }
0x49: {  	[tilespmem:s24+$0xFFFFFF10] =	vst v0  }
0x4a: {  	v0 =	vld [tilespmem:s29+$0xFFFFFFA0];
	_ =	sdelay $0x4  }
0x4b: {  	v0 =	vmul.f32 $8.000000000e+00, v0;
	_ =	sdelay $0x1  }
0x4c: {  	[tilespmem:s24+$0xFFFFFF20] =	vst v0  }
0x4d: {  	v0 =	vld [tilespmem:s29+$0xFFFFFFB0];
	_ =	sdelay $0x4  }
0x4e: {  	v0 =	vmul.f32 $8.000000000e+00, v0;
	_ =	sdelay $0x1  }
0x4f: {  	[tilespmem:s24+$0xFFFFFF30] =	vst v0  }
0x50: {  	v0 =	vld [tilespmem:s29+$0xFFFFFFC0];
	_ =	sdelay $0x4  }
0x51: {  	v0 =	vmul.f32 $8.000000000e+00, v0;
	_ =	sdelay $0x1  }
0x52: {  	[tilespmem:s24+$0xFFFFFF80] =	vst v0  }
0x53: {  	v0 =	vld [tilespmem:s29+$0xFFFFFFD0];
	_ =	sdelay $0x4  }
0x54: {  	v0 =	vmul.f32 $8.000000000e+00, v0;
	_ =	sdelay $0x1  }
0x55: {  	[tilespmem:s24+$0xFFFFFF90] =	vst v0  }
0x56: {  	v0 =	vld [tilespmem:s29+$0xFFFFFFE0];
	_ =	sdelay $0x4  }
0x57: {  	v0 =	vmul.f32 $8.000000000e+00, v0;
	_ =	sdelay $0x1  }
0x58: {  	[tilespmem:s24+$0xFFFFFFA0] =	vst v0  }
0x59: {  	v0 =	vld [tilespmem:s29+$0xFFFFFFF0];
	_ =	sdelay $0x4  }
0x5a: {  	v0 =	vmul.f32 $8.000000000e+00, v0;
	_ =	sdelay $0x1  }
0x5b: {  	[tilespmem:s24+$0xFFFFFFB0] =	vst v0  }
0x5c: {  	v0 =	vld [tilespmem:s29+$0x0];
	_ =	sdelay $0x4  }
0x5d: {  	v0 =	vmul.f32 $8.000000000e+00, v0;
	_ =	sdelay $0x1  }
0x5e: {  	[tilespmem:s24+$0x0] =	vst v0  }
0x5f: {  	v0 =	vld [tilespmem:s29+$0x10];
	_ =	sdelay $0x4  }
0x60: {  	v0 =	vmul.f32 $8.000000000e+00, v0;
	_ =	sdelay $0x1  }
0x61: {  	[tilespmem:s24+$0x10] =	vst v0  }
0x62: {  	v0 =	vld [tilespmem:s29+$0x20];
	_ =	sdelay $0x4  }
0x63: {  	v0 =	vmul.f32 $8.000000000e+00, v0;
	_ =	sdelay $0x1  }
0x64: {  	[tilespmem:s24+$0x20] =	vst v0  }
0x65: {  	v0 =	vld [tilespmem:s29+$0x30];
	_ =	sdelay $0x4  }
0x66: {  	v0 =	vmul.f32 $8.000000000e+00, v0;
	_ =	sdelay $0x1  }
0x67: {  	[tilespmem:s24+$0x30] =	vst v0  }
0x68: {  	v0 =	vld [tilespmem:s29+$0x40];
	_ =	sdelay $0x4  }
0x69: {  	v0 =	vmul.f32 $8.000000000e+00, v0;
	_ =	sdelay $0x1  }
0x6a: {  	[tilespmem:s24+$0x80] =	vst v0  }
0x6b: {  	v0 =	vld [tilespmem:s29+$0x50];
	_ =	sdelay $0x4  }
0x6c: {  	v0 =	vmul.f32 $8.000000000e+00, v0;
	_ =	sdelay $0x1  }
0x6d: {  	[tilespmem:s24+$0x90] =	vst v0  }
0x6e: {  	v0 =	vld [tilespmem:s29+$0x60];
	_ =	sdelay $0x4  }
0x6f: {  	v0 =	vmul.f32 $8.000000000e+00, v0;
	_ =	sdelay $0x1  }
0x70: {  	[tilespmem:s24+$0xA0] =	vst v0  }
0x71: {  	v0 =	vld [tilespmem:s29+$0x70];
	_ =	sdelay $0x4  }
0x72: {  	v0 =	vmul.f32 $8.000000000e+00, v0;
	_ =	sdelay $0x1  }
0x73: {  	s26 =	simm.s32 $0x6580;
	s25 =	simm.s32 $0x0;
	[tilespmem:s24+$0xB0] =	vst v0  }
.LBB2_3:
0x74: {  	v0 =	vld [tilespmem:s26+$0xFFFFFF80];
	s25 =	sadd.s32 $0x4, s25  }
0x75: {  	p0 =	slt.u32 s25, $0x7C;
	_ =	sdelay $0x3  }
0x76: {  	v0 =	vmul.f32 $8.000000000e+00, v0  }
0x77: {  	s24 =	sadd.s32 $0x200, s24  }
0x78: {  	[tilespmem:s24+$0xFFFFFF00] =	vst v0  }
0x79: {  	v0 =	vld [tilespmem:s26+$0xFFFFFF90];
	_ =	sdelay $0x4  }
0x7a: {  	v0 =	vmul.f32 $8.000000000e+00, v0;
	_ =	sdelay $0x1  }
0x7b: {  	[tilespmem:s24+$0xFFFFFF10] =	vst v0  }
0x7c: {  	v0 =	vld [tilespmem:s26+$0xFFFFFFA0];
	_ =	sdelay $0x4  }
0x7d: {  	v0 =	vmul.f32 $8.000000000e+00, v0;
	_ =	sdelay $0x1  }
0x7e: {  	[tilespmem:s24+$0xFFFFFF20] =	vst v0  }
0x7f: {  	v0 =	vld [tilespmem:s26+$0xFFFFFFB0];
	_ =	sdelay $0x4  }
0x80: {  	v0 =	vmul.f32 $8.000000000e+00, v0;
	_ =	sdelay $0x1  }
0x81: {  	[tilespmem:s24+$0xFFFFFF30] =	vst v0  }
0x82: {  	v0 =	vld [tilespmem:s26+$0xFFFFFFC0];
	_ =	sdelay $0x4  }
0x83: {  	v0 =	vmul.f32 $8.000000000e+00, v0;
	_ =	sdelay $0x1  }
0x84: {  	[tilespmem:s24+$0xFFFFFF80] =	vst v0  }
0x85: {  	v0 =	vld [tilespmem:s26+$0xFFFFFFD0];
	_ =	sdelay $0x4  }
0x86: {  	v0 =	vmul.f32 $8.000000000e+00, v0;
	_ =	sdelay $0x1  }
0x87: {  	[tilespmem:s24+$0xFFFFFF90] =	vst v0  }
0x88: {  	v0 =	vld [tilespmem:s26+$0xFFFFFFE0];
	_ =	sdelay $0x4  }
0x89: {  	v0 =	vmul.f32 $8.000000000e+00, v0;
	_ =	sdelay $0x1  }
0x8a: {  	[tilespmem:s24+$0xFFFFFFA0] =	vst v0  }
0x8b: {  	v0 =	vld [tilespmem:s26+$0xFFFFFFF0];
	_ =	sdelay $0x4  }
0x8c: {  	v0 =	vmul.f32 $8.000000000e+00, v0;
	_ =	sdelay $0x1  }
0x8d: {  	[tilespmem:s24+$0xFFFFFFB0] =	vst v0  }
0x8e: {  	v0 =	vld [tilespmem:s26+$0x0];
	_ =	sdelay $0x4  }
0x8f: {  	v0 =	vmul.f32 $8.000000000e+00, v0;
	_ =	sdelay $0x1  }
0x90: {  	[tilespmem:s24+$0x0] =	vst v0  }
0x91: {  	v0 =	vld [tilespmem:s26+$0x10];
	_ =	sdelay $0x4  }
0x92: {  	v0 =	vmul.f32 $8.000000000e+00, v0;
	_ =	sdelay $0x1  }
0x93: {  	[tilespmem:s24+$0x10] =	vst v0  }
0x94: {  	v0 =	vld [tilespmem:s26+$0x20];
	_ =	sdelay $0x4  }
0x95: {  	v0 =	vmul.f32 $8.000000000e+00, v0;
	_ =	sdelay $0x1  }
0x96: {  	[tilespmem:s24+$0x20] =	vst v0  }
0x97: {  	v0 =	vld [tilespmem:s26+$0x30];
	_ =	sdelay $0x4  }
0x98: {  	v0 =	vmul.f32 $8.000000000e+00, v0;
	_ =	sdelay $0x1  }
0x99: {  	[tilespmem:s24+$0x30] =	vst v0  }
0x9a: {  	v0 =	vld [tilespmem:s26+$0x40];
	_ =	sdelay $0x4  }
0x9b: {  	v0 =	vmul.f32 $8.000000000e+00, v0;
	_ =	sdelay $0x1  }
0x9c: {  	[tilespmem:s24+$0x80] =	vst v0  }
0x9d: {  	v0 =	vld [tilespmem:s26+$0x50];
	_ =	sdelay $0x4  }
0x9e: {  	v0 =	vmul.f32 $8.000000000e+00, v0;
	_ =	sdelay $0x1  }
0x9f: {  	[tilespmem:s24+$0x90] =	vst v0  }
0xa0: {  	v0 =	vld [tilespmem:s26+$0x60];
	_ =	sdelay $0x4  }
0xa1: {  	v0 =	vmul.f32 $8.000000000e+00, v0;
	_ =	sdelay $0x1  }
0xa2: {  	[tilespmem:s24+$0xA0] =	vst v0  }
0xa3: {  	v0 =	vld [tilespmem:s26+$0x70];
	_ =	sdelay $0x2  }
.Ltmp0:
0xa4: {  	(pc) =	sbr.rel @p0 .LBB2_3-.Ltmp0, $3  }
0xa5: {  	_ = 	snop  }
0xa6: {  	v0 =	vmul.f32 $8.000000000e+00, v0;
	_ =	sdelay $0x1  }
0xa7: {  	s26 =	sadd.s32 $0x100, s26;
	[tilespmem:s24+$0xB0] =	vst v0  }
0xa8: {  	s25 =	sshll.u32 s22, $0x10  }
0xa9: {  	s24 =	sadd.s32 s4, s25  }
0xaa: {  	s24 =	sshrl.u32 s24, $0x3  }
0xab: {  	p0 =	seq.s32 s22, $0x31;
	s24 =	sadd.s32 s5, s24  }
0xac: {  	[hbm4b:s24+s2] =	stream.linear.scatter [tilespmem:s18], [sflag:$0x2], $0x4000, $0x38;
	[tilespmem:$0x16400] =	vst v63  }
0xad: {  	s24 =	sshll.u32 @!p0 s22, $0x9  }
0xae: {  	s24 =	sand.u32 @!p0 $0x3FFFFE00, s24  }
0xaf: {  	s28 =	simm.s32 @!p0 $0x20;
	s29 =	simm.s32 @!p0 $0x6400;
	s26 =	sadd.s32 @!p0 $0x200, s24  }
0xb0: {  	[tilespmem:s29], [sflag:$0x1] =	stream.indirect.gather @!p0 [hbm4b:s3+s28], $0x40, s26, s28, $0xb8;
	[tilespmem:$0x16400] =	vst v63  }
0xb1: {  	s26 =	sadd.s32 @!p0 $0x220, s24;
	s29 =	simm.s32 @!p0 $0x6C00  }
0xb2: {  	[tilespmem:s29], [sflag:$0x1] =	stream.indirect.gather @!p0 [hbm4b:s3+s28], $0x40, s26, s28, $0xb8;
	[tilespmem:$0x16400] =	vst v63  }
0xb3: {  	p1 =	seq.s32 @!p0 s22, $0x0;
	s26 =	sadd.s32 @!p0 $0x240, s24;
	s29 =	simm.s32 @!p0 $0x7400  }
0xb4: {  	[tilespmem:s29], [sflag:$0x1] =	stream.indirect.gather @!p0 [hbm4b:s3+s28], $0x40, s26, s28, $0xb8;
	[tilespmem:$0x16400] =	vst v63  }
0xb5: {  	p1 =	por p0, !p1;
	s26 =	sadd.s32 @!p0 $0x260, s24;
	s29 =	simm.s32 @!p0 $0x7C00  }
0xb6: {  	[tilespmem:s29], [sflag:$0x1] =	stream.indirect.gather @!p0 [hbm4b:s3+s28], $0x40, s26, s28, $0xb8;
	[tilespmem:$0x16400] =	vst v63  }
0xb7: {  	_ =	swait.ge @p1 [sflag:s20], $0x4000  }
0xb8: {  	[sflag:s20] =	ssyncset.done @p1 $0x0  }
0xb9: {  	[sflag:s20] =	ssyncadd.s32 @p1 $0xFFFFC000  }
0xba: {  	_ =	swait.ge [sflag:s17], $0x800  }
0xbb: {  	[sflag:s17] =	ssyncset.done $0x0  }
0xbc: {  	[sflag:s17] =	ssyncadd.s32 $0xFFFFF800  }
0xbd: {  	_ =	swait.ge [sflag:s17], $0x800  }
0xbe: {  	[sflag:s17] =	ssyncset.done $0x0  }
0xbf: {  	[sflag:s17] =	ssyncadd.s32 $0xFFFFF800  }
0xc0: {  	_ =	swait.ge [sflag:s17], $0x800  }
0xc1: {  	[sflag:s17] =	ssyncset.done $0x0  }
0xc2: {  	[sflag:s17] =	ssyncadd.s32 $0xFFFFF800  }
0xc3: {  	_ =	swait.ge [sflag:s17], $0x800  }
0xc4: {  	[sflag:s17] =	ssyncset.done $0x0  }
0xc5: {  	s28 =	simm.s32 $0x84F0;
	[sflag:s17] =	ssyncadd.s32 $0xFFFFF800  }
0xc6: {  	v0 =	vld [tilespmem:s28+$0xFFFFFF10];
	_ =	sdelay $0x4  }
0xc7: {  	v0 =	vmul.f32 $8.000000000e+00, v0  }
0xc8: {  	s26 =	simm.s32 $0x125B0  }
0xc9: {  	[tilespmem:s26+$0xFFFFFE50] =	vst v0  }
0xca: {  	v0 =	vld [tilespmem:s28+$0xFFFFFF20];
	_ =	sdelay $0x4  }
0xcb: {  	v0 =	vmul.f32 $8.000000000e+00, v0;
	_ =	sdelay $0x1  }
0xcc: {  	[tilespmem:s26+$0xFFFFFE60] =	vst v0  }
0xcd: {  	v0 =	vld [tilespmem:s28+$0xFFFFFF30];
	_ =	sdelay $0x4  }
0xce: {  	v0 =	vmul.f32 $8.000000000e+00, v0;
	_ =	sdelay $0x1  }
0xcf: {  	[tilespmem:s26+$0xFFFFFE70] =	vst v0  }
0xd0: {  	v0 =	vld [tilespmem:s28+$0xFFFFFF40];
	_ =	sdelay $0x4  }
0xd1: {  	v0 =	vmul.f32 $8.000000000e+00, v0;
	_ =	sdelay $0x1  }
0xd2: {  	[tilespmem:s26+$0xFFFFFE80] =	vst v0  }
0xd3: {  	v0 =	vld [tilespmem:s28+$0xFFFFFF50];
	_ =	sdelay $0x4  }
0xd4: {  	v0 =	vmul.f32 $8.000000000e+00, v0;
	_ =	sdelay $0x1  }
0xd5: {  	[tilespmem:s26+$0xFFFFFED0] =	vst v0  }
0xd6: {  	v0 =	vld [tilespmem:s28+$0xFFFFFF60];
	_ =	sdelay $0x4  }
0xd7: {  	v0 =	vmul.f32 $8.000000000e+00, v0;
	_ =	sdelay $0x1  }
0xd8: {  	[tilespmem:s26+$0xFFFFFEE0] =	vst v0  }
0xd9: {  	v0 =	vld [tilespmem:s28+$0xFFFFFF70];
	_ =	sdelay $0x4  }
0xda: {  	v0 =	vmul.f32 $8.000000000e+00, v0;
	_ =	sdelay $0x1  }
0xdb: {  	[tilespmem:s26+$0xFFFFFEF0] =	vst v0  }
0xdc: {  	v0 =	vld [tilespmem:s28+$0xFFFFFF80];
	_ =	sdelay $0x4  }
0xdd: {  	v0 =	vmul.f32 $8.000000000e+00, v0;
	_ =	sdelay $0x1  }
0xde: {  	[tilespmem:s26+$0xFFFFFF00] =	vst v0  }
0xdf: {  	v0 =	vld [tilespmem:s28+$0xFFFFFF90];
	_ =	sdelay $0x4  }
0xe0: {  	v0 =	vmul.f32 $8.000000000e+00, v0;
	_ =	sdelay $0x1  }
0xe1: {  	[tilespmem:s26+$0xFFFFFF50] =	vst v0  }
0xe2: {  	v0 =	vld [tilespmem:s28+$0xFFFFFFA0];
	_ =	sdelay $0x4  }
0xe3: {  	v0 =	vmul.f32 $8.000000000e+00, v0;
	_ =	sdelay $0x1  }
0xe4: {  	[tilespmem:s26+$0xFFFFFF60] =	vst v0  }
0xe5: {  	v0 =	vld [tilespmem:s28+$0xFFFFFFB0];
	_ =	sdelay $0x4  }
0xe6: {  	v0 =	vmul.f32 $8.000000000e+00, v0;
	_ =	sdelay $0x1  }
0xe7: {  	[tilespmem:s26+$0xFFFFFF70] =	vst v0  }
0xe8: {  	v0 =	vld [tilespmem:s28+$0xFFFFFFC0];
	_ =	sdelay $0x4  }
0xe9: {  	v0 =	vmul.f32 $8.000000000e+00, v0;
	_ =	sdelay $0x1  }
0xea: {  	[tilespmem:s26+$0xFFFFFF80] =	vst v0  }
0xeb: {  	v0 =	vld [tilespmem:s28+$0xFFFFFFD0];
	_ =	sdelay $0x4  }
0xec: {  	v0 =	vmul.f32 $8.000000000e+00, v0;
	_ =	sdelay $0x1  }
0xed: {  	[tilespmem:s26+$0xFFFFFFD0] =	vst v0  }
0xee: {  	v0 =	vld [tilespmem:s28+$0xFFFFFFE0];
	_ =	sdelay $0x4  }
0xef: {  	v0 =	vmul.f32 $8.000000000e+00, v0;
	_ =	sdelay $0x1  }
0xf0: {  	[tilespmem:s26+$0xFFFFFFE0] =	vst v0  }
0xf1: {  	v0 =	vld [tilespmem:s28+$0xFFFFFFF0];
	_ =	sdelay $0x4  }
0xf2: {  	v0 =	vmul.f32 $8.000000000e+00, v0;
	_ =	sdelay $0x1  }
0xf3: {  	[tilespmem:s26+$0xFFFFFFF0] =	vst v0  }
0xf4: {  	v0 =	vld [tilespmem:s28+$0x0];
	_ =	sdelay $0x4  }
0xf5: {  	v0 =	vmul.f32 $8.000000000e+00, v0;
	_ =	sdelay $0x1  }
0xf6: {  	s29 =	simm.s32 $0x85F0;
	s28 =	simm.s32 $0x0;
	[tilespmem:s26+$0x0] =	vst v0  }
.LBB2_5:
0xf7: {  	v0 =	vld [tilespmem:s29+$0xFFFFFF10];
	s28 =	sadd.s32 $0x4, s28  }
0xf8: {  	p1 =	slt.u32 s28, $0x7C;
	_ =	sdelay $0x3  }
0xf9: {  	v0 =	vmul.f32 $8.000000000e+00, v0  }
0xfa: {  	s26 =	sadd.s32 $0x200, s26  }
0xfb: {  	[tilespmem:s26+$0xFFFFFE50] =	vst v0  }
0xfc: {  	v0 =	vld [tilespmem:s29+$0xFFFFFF20];
	_ =	sdelay $0x4  }
0xfd: {  	v0 =	vmul.f32 $8.000000000e+00, v0;
	_ =	sdelay $0x1  }
0xfe: {  	[tilespmem:s26+$0xFFFFFE60] =	vst v0  }
0xff: {  	v0 =	vld [tilespmem:s29+$0xFFFFFF30];
	_ =	sdelay $0x4  }
0x100: {  	v0 =	vmul.f32 $8.000000000e+00, v0;
	_ =	sdelay $0x1  }
0x101: {  	[tilespmem:s26+$0xFFFFFE70] =	vst v0  }
0x102: {  	v0 =	vld [tilespmem:s29+$0xFFFFFF40];
	_ =	sdelay $0x4  }
0x103: {  	v0 =	vmul.f32 $8.000000000e+00, v0;
	_ =	sdelay $0x1  }
0x104: {  	[tilespmem:s26+$0xFFFFFE80] =	vst v0  }
0x105: {  	v0 =	vld [tilespmem:s29+$0xFFFFFF50];
	_ =	sdelay $0x4  }
0x106: {  	v0 =	vmul.f32 $8.000000000e+00, v0;
	_ =	sdelay $0x1  }
0x107: {  	[tilespmem:s26+$0xFFFFFED0] =	vst v0  }
0x108: {  	v0 =	vld [tilespmem:s29+$0xFFFFFF60];
	_ =	sdelay $0x4  }
0x109: {  	v0 =	vmul.f32 $8.000000000e+00, v0;
	_ =	sdelay $0x1  }
0x10a: {  	[tilespmem:s26+$0xFFFFFEE0] =	vst v0  }
0x10b: {  	v0 =	vld [tilespmem:s29+$0xFFFFFF70];
	_ =	sdelay $0x4  }
0x10c: {  	v0 =	vmul.f32 $8.000000000e+00, v0;
	_ =	sdelay $0x1  }
0x10d: {  	[tilespmem:s26+$0xFFFFFEF0] =	vst v0  }
0x10e: {  	v0 =	vld [tilespmem:s29+$0xFFFFFF80];
	_ =	sdelay $0x4  }
0x10f: {  	v0 =	vmul.f32 $8.000000000e+00, v0;
	_ =	sdelay $0x1  }
0x110: {  	[tilespmem:s26+$0xFFFFFF00] =	vst v0  }
0x111: {  	v0 =	vld [tilespmem:s29+$0xFFFFFF90];
	_ =	sdelay $0x4  }
0x112: {  	v0 =	vmul.f32 $8.000000000e+00, v0;
	_ =	sdelay $0x1  }
0x113: {  	[tilespmem:s26+$0xFFFFFF50] =	vst v0  }
0x114: {  	v0 =	vld [tilespmem:s29+$0xFFFFFFA0];
	_ =	sdelay $0x4  }
0x115: {  	v0 =	vmul.f32 $8.000000000e+00, v0;
	_ =	sdelay $0x1  }
0x116: {  	[tilespmem:s26+$0xFFFFFF60] =	vst v0  }
0x117: {  	v0 =	vld [tilespmem:s29+$0xFFFFFFB0];
	_ =	sdelay $0x4  }
0x118: {  	v0 =	vmul.f32 $8.000000000e+00, v0;
	_ =	sdelay $0x1  }
0x119: {  	[tilespmem:s26+$0xFFFFFF70] =	vst v0  }
0x11a: {  	v0 =	vld [tilespmem:s29+$0xFFFFFFC0];
	_ =	sdelay $0x4  }
0x11b: {  	v0 =	vmul.f32 $8.000000000e+00, v0;
	_ =	sdelay $0x1  }
0x11c: {  	[tilespmem:s26+$0xFFFFFF80] =	vst v0  }
0x11d: {  	v0 =	vld [tilespmem:s29+$0xFFFFFFD0];
	_ =	sdelay $0x4  }
0x11e: {  	v0 =	vmul.f32 $8.000000000e+00, v0;
	_ =	sdelay $0x1  }
0x11f: {  	[tilespmem:s26+$0xFFFFFFD0] =	vst v0  }
0x120: {  	v0 =	vld [tilespmem:s29+$0xFFFFFFE0];
	_ =	sdelay $0x4  }
0x121: {  	v0 =	vmul.f32 $8.000000000e+00, v0;
	_ =	sdelay $0x1  }
0x122: {  	[tilespmem:s26+$0xFFFFFFE0] =	vst v0  }
0x123: {  	v0 =	vld [tilespmem:s29+$0xFFFFFFF0];
	_ =	sdelay $0x4  }
0x124: {  	v0 =	vmul.f32 $8.000000000e+00, v0;
	_ =	sdelay $0x1  }
0x125: {  	[tilespmem:s26+$0xFFFFFFF0] =	vst v0  }
0x126: {  	v0 =	vld [tilespmem:s29+$0x0];
	_ =	sdelay $0x2  }
.Ltmp1:
0x127: {  	(pc) =	sbr.rel @p1 .LBB2_5-.Ltmp1, $3  }
0x128: {  	_ = 	snop  }
0x129: {  	v0 =	vmul.f32 $8.000000000e+00, v0;
	_ =	sdelay $0x1  }
0x12a: {  	s29 =	sadd.s32 $0x100, s29;
	[tilespmem:s26+$0x0] =	vst v0  }
0x12b: {  	s25 =	sadd.s32 s25, s7  }
0x12c: {  	s25 =	sshrl.u32 s25, $0x3  }
0x12d: {  	s25 =	sadd.s32 s5, s25  }
0x12e: {  	[hbm4b:s25+s2] =	stream.linear.scatter [tilespmem:s19], [sflag:$0x2], $0x4000, $0x38;
	[tilespmem:$0x16400] =	vst v63  }
0x12f: {  	s26 =	simm.s32 @!p0 $0x20;
	s28 =	simm.s32 @!p0 $0x8400;
	s25 =	sadd.s32 @!p0 $0x280, s24  }
0x130: {  	[tilespmem:s28], [sflag:$0x1] =	stream.indirect.gather @!p0 [hbm4b:s3+s26], $0x40, s25, s26, $0xb8;
	[tilespmem:$0x16400] =	vst v63  }
0x131: {  	s25 =	sadd.s32 @!p0 $0x2A0, s24;
	s28 =	simm.s32 @!p0 $0x8C00  }
0x132: {  	[tilespmem:s28], [sflag:$0x1] =	stream.indirect.gather @!p0 [hbm4b:s3+s26], $0x40, s25, s26, $0xb8;
	[tilespmem:$0x16400] =	vst v63  }
0x133: {  	s25 =	sadd.s32 @!p0 $0x2C0, s24;
	s28 =	simm.s32 @!p0 $0x9400  }
0x134: {  	[tilespmem:s28], [sflag:$0x1] =	stream.indirect.gather @!p0 [hbm4b:s3+s26], $0x40, s25, s26, $0xb8;
	[tilespmem:$0x16400] =	vst v63  }
0x135: {  	s24 =	sadd.s32 @!p0 $0x2E0, s24;
	s25 =	simm.s32 @!p0 $0x9C00  }
0x136: {  	[tilespmem:s25], [sflag:$0x1] =	stream.indirect.gather @!p0 [hbm4b:s3+s26], $0x40, s24, s26, $0xb8;
	[tilespmem:$0x16400] =	vst v63  }
0x137: {  	_ =	swait.ge [sflag:s20], $0x4000  }
0x138: {  	[sflag:s20] =	ssyncset.done $0x0  }
0x139: {  	[sflag:s20] =	ssyncadd.s32 $0xFFFFC000  }
0x13a: {  	_ =	swait.ge [sflag:s17], $0x800  }
0x13b: {  	[sflag:s17] =	ssyncset.done $0x0  }
0x13c: {  	[sflag:s17] =	ssyncadd.s32 $0xFFFFF800  }
0x13d: {  	_ =	swait.ge [sflag:s17], $0x800  }
0x13e: {  	[sflag:s17] =	ssyncset.done $0x0  }
0x13f: {  	[sflag:s17] =	ssyncadd.s32 $0xFFFFF800  }
0x140: {  	_ =	swait.ge [sflag:s17], $0x800  }
0x141: {  	[sflag:s17] =	ssyncset.done $0x0  }
0x142: {  	[sflag:s17] =	ssyncadd.s32 $0xFFFFF800  }
0x143: {  	_ =	swait.ge [sflag:s17], $0x800  }
0x144: {  	[sflag:s17] =	ssyncset.done $0x0  }
0x145: {  	s29 =	simm.s32 $0xA4F0;
	[sflag:s17] =	ssyncadd.s32 $0xFFFFF800  }
0x146: {  	v0 =	vld [tilespmem:s29+$0xFFFFFF10];
	_ =	sdelay $0x4  }
0x147: {  	v0 =	vmul.f32 $8.000000000e+00, v0  }
0x148: {  	s24 =	simm.s32 $0xE500  }
0x149: {  	[tilespmem:s24+$0xFFFFFF00] =	vst v0  }
0x14a: {  	v0 =	vld [tilespmem:s29+$0xFFFFFF20];
	_ =	sdelay $0x4  }
0x14b: {  	v0 =	vmul.f32 $8.000000000e+00, v0;
	_ =	sdelay $0x1  }
0x14c: {  	[tilespmem:s24+$0xFFFFFF10] =	vst v0  }
0x14d: {  	v0 =	vld [tilespmem:s29+$0xFFFFFF30];
	_ =	sdelay $0x4  }
0x14e: {  	v0 =	vmul.f32 $8.000000000e+00, v0;
	_ =	sdelay $0x1  }
0x14f: {  	[tilespmem:s24+$0xFFFFFF20] =	vst v0  }
0x150: {  	v0 =	vld [tilespmem:s29+$0xFFFFFF40];
	_ =	sdelay $0x4  }
0x151: {  	v0 =	vmul.f32 $8.000000000e+00, v0;
	_ =	sdelay $0x1  }
0x152: {  	[tilespmem:s24+$0xFFFFFF30] =	vst v0  }
0x153: {  	v0 =	vld [tilespmem:s29+$0xFFFFFF50];
	_ =	sdelay $0x4  }
0x154: {  	v0 =	vmul.f32 $8.000000000e+00, v0;
	_ =	sdelay $0x1  }
0x155: {  	[tilespmem:s24+$0xFFFFFF80] =	vst v0  }
0x156: {  	v0 =	vld [tilespmem:s29+$0xFFFFFF60];
	_ =	sdelay $0x4  }
0x157: {  	v0 =	vmul.f32 $8.000000000e+00, v0;
	_ =	sdelay $0x1  }
0x158: {  	[tilespmem:s24+$0xFFFFFF90] =	vst v0  }
0x159: {  	v0 =	vld [tilespmem:s29+$0xFFFFFF70];
	_ =	sdelay $0x4  }
0x15a: {  	v0 =	vmul.f32 $8.000000000e+00, v0;
	_ =	sdelay $0x1  }
0x15b: {  	[tilespmem:s24+$0xFFFFFFA0] =	vst v0  }
0x15c: {  	v0 =	vld [tilespmem:s29+$0xFFFFFF80];
	_ =	sdelay $0x4  }
0x15d: {  	v0 =	vmul.f32 $8.000000000e+00, v0;
	_ =	sdelay $0x1  }
0x15e: {  	[tilespmem:s24+$0xFFFFFFB0] =	vst v0  }
0x15f: {  	v0 =	vld [tilespmem:s29+$0xFFFFFF90];
	_ =	sdelay $0x4  }
0x160: {  	v0 =	vmul.f32 $8.000000000e+00, v0;
	_ =	sdelay $0x1  }
0x161: {  	[tilespmem:s24+$0x0] =	vst v0  }
0x162: {  	v0 =	vld [tilespmem:s29+$0xFFFFFFA0];
	_ =	sdelay $0x4  }
0x163: {  	v0 =	vmul.f32 $8.000000000e+00, v0;
	_ =	sdelay $0x1  }
0x164: {  	[tilespmem:s24+$0x10] =	vst v0  }
0x165: {  	v0 =	vld [tilespmem:s29+$0xFFFFFFB0];
	_ =	sdelay $0x4  }
0x166: {  	v0 =	vmul.f32 $8.000000000e+00, v0;
	_ =	sdelay $0x1  }
0x167: {  	[tilespmem:s24+$0x20] =	vst v0  }
0x168: {  	v0 =	vld [tilespmem:s29+$0xFFFFFFC0];
	_ =	sdelay $0x4  }
0x169: {  	v0 =	vmul.f32 $8.000000000e+00, v0;
	_ =	sdelay $0x1  }
0x16a: {  	[tilespmem:s24+$0x30] =	vst v0  }
0x16b: {  	v0 =	vld [tilespmem:s29+$0xFFFFFFD0];
	_ =	sdelay $0x4  }
0x16c: {  	v0 =	vmul.f32 $8.000000000e+00, v0;
	_ =	sdelay $0x1  }
0x16d: {  	[tilespmem:s24+$0x80] =	vst v0  }
0x16e: {  	v0 =	vld [tilespmem:s29+$0xFFFFFFE0];
	_ =	sdelay $0x4  }
0x16f: {  	v0 =	vmul.f32 $8.000000000e+00, v0;
	_ =	sdelay $0x1  }
0x170: {  	[tilespmem:s24+$0x90] =	vst v0  }
0x171: {  	v0 =	vld [tilespmem:s29+$0xFFFFFFF0];
	_ =	sdelay $0x4  }
0x172: {  	v0 =	vmul.f32 $8.000000000e+00, v0;
	_ =	sdelay $0x1  }
0x173: {  	[tilespmem:s24+$0xA0] =	vst v0  }
0x174: {  	v0 =	vld [tilespmem:s29+$0x0];
	_ =	sdelay $0x4  }
0x175: {  	v0 =	vmul.f32 $8.000000000e+00, v0;
	_ =	sdelay $0x1  }
0x176: {  	s25 =	simm.s32 $0x0;
	s26 =	simm.s32 $0xA5F0;
	[tilespmem:s24+$0xB0] =	vst v0  }
.LBB2_7:
0x177: {  	v0 =	vld [tilespmem:s26+$0xFFFFFF10];
	s25 =	sadd.s32 $0x4, s25  }
0x178: {  	p1 =	slt.u32 s25, $0x7C;
	_ =	sdelay $0x3  }
0x179: {  	v0 =	vmul.f32 $8.000000000e+00, v0  }
0x17a: {  	s24 =	sadd.s32 $0x200, s24  }
0x17b: {  	[tilespmem:s24+$0xFFFFFF00] =	vst v0  }
0x17c: {  	v0 =	vld [tilespmem:s26+$0xFFFFFF20];
	_ =	sdelay $0x4  }
0x17d: {  	v0 =	vmul.f32 $8.000000000e+00, v0;
	_ =	sdelay $0x1  }
0x17e: {  	[tilespmem:s24+$0xFFFFFF10] =	vst v0  }
0x17f: {  	v0 =	vld [tilespmem:s26+$0xFFFFFF30];
	_ =	sdelay $0x4  }
0x180: {  	v0 =	vmul.f32 $8.000000000e+00, v0;
	_ =	sdelay $0x1  }
0x181: {  	[tilespmem:s24+$0xFFFFFF20] =	vst v0  }
0x182: {  	v0 =	vld [tilespmem:s26+$0xFFFFFF40];
	_ =	sdelay $0x4  }
0x183: {  	v0 =	vmul.f32 $8.000000000e+00, v0;
	_ =	sdelay $0x1  }
0x184: {  	[tilespmem:s24+$0xFFFFFF30] =	vst v0  }
0x185: {  	v0 =	vld [tilespmem:s26+$0xFFFFFF50];
	_ =	sdelay $0x4  }
0x186: {  	v0 =	vmul.f32 $8.000000000e+00, v0;
	_ =	sdelay $0x1  }
0x187: {  	[tilespmem:s24+$0xFFFFFF80] =	vst v0  }
0x188: {  	v0 =	vld [tilespmem:s26+$0xFFFFFF60];
	_ =	sdelay $0x4  }
0x189: {  	v0 =	vmul.f32 $8.000000000e+00, v0;
	_ =	sdelay $0x1  }
0x18a: {  	[tilespmem:s24+$0xFFFFFF90] =	vst v0  }
0x18b: {  	v0 =	vld [tilespmem:s26+$0xFFFFFF70];
	_ =	sdelay $0x4  }
0x18c: {  	v0 =	vmul.f32 $8.000000000e+00, v0;
	_ =	sdelay $0x1  }
0x18d: {  	[tilespmem:s24+$0xFFFFFFA0] =	vst v0  }
0x18e: {  	v0 =	vld [tilespmem:s26+$0xFFFFFF80];
	_ =	sdelay $0x4  }
0x18f: {  	v0 =	vmul.f32 $8.000000000e+00, v0;
	_ =	sdelay $0x1  }
0x190: {  	[tilespmem:s24+$0xFFFFFFB0] =	vst v0  }
0x191: {  	v0 =	vld [tilespmem:s26+$0xFFFFFF90];
	_ =	sdelay $0x4  }
0x192: {  	v0 =	vmul.f32 $8.000000000e+00, v0;
	_ =	sdelay $0x1  }
0x193: {  	[tilespmem:s24+$0x0] =	vst v0  }
0x194: {  	v0 =	vld [tilespmem:s26+$0xFFFFFFA0];
	_ =	sdelay $0x4  }
0x195: {  	v0 =	vmul.f32 $8.000000000e+00, v0;
	_ =	sdelay $0x1  }
0x196: {  	[tilespmem:s24+$0x10] =	vst v0  }
0x197: {  	v0 =	vld [tilespmem:s26+$0xFFFFFFB0];
	_ =	sdelay $0x4  }
0x198: {  	v0 =	vmul.f32 $8.000000000e+00, v0;
	_ =	sdelay $0x1  }
0x199: {  	[tilespmem:s24+$0x20] =	vst v0  }
0x19a: {  	v0 =	vld [tilespmem:s26+$0xFFFFFFC0];
	_ =	sdelay $0x4  }
0x19b: {  	v0 =	vmul.f32 $8.000000000e+00, v0;
	_ =	sdelay $0x1  }
0x19c: {  	[tilespmem:s24+$0x30] =	vst v0  }
0x19d: {  	v0 =	vld [tilespmem:s26+$0xFFFFFFD0];
	_ =	sdelay $0x4  }
0x19e: {  	v0 =	vmul.f32 $8.000000000e+00, v0;
	_ =	sdelay $0x1  }
0x19f: {  	[tilespmem:s24+$0x80] =	vst v0  }
0x1a0: {  	v0 =	vld [tilespmem:s26+$0xFFFFFFE0];
	_ =	sdelay $0x4  }
0x1a1: {  	v0 =	vmul.f32 $8.000000000e+00, v0;
	_ =	sdelay $0x1  }
0x1a2: {  	[tilespmem:s24+$0x90] =	vst v0  }
0x1a3: {  	v0 =	vld [tilespmem:s26+$0xFFFFFFF0];
	_ =	sdelay $0x4  }
0x1a4: {  	v0 =	vmul.f32 $8.000000000e+00, v0;
	_ =	sdelay $0x1  }
0x1a5: {  	[tilespmem:s24+$0xA0] =	vst v0  }
0x1a6: {  	v0 =	vld [tilespmem:s26+$0x0];
	_ =	sdelay $0x2  }
.Ltmp2:
0x1a7: {  	(pc) =	sbr.rel @p1 .LBB2_7-.Ltmp2, $3  }
0x1a8: {  	_ = 	snop  }
0x1a9: {  	v0 =	vmul.f32 $8.000000000e+00, v0;
	_ =	sdelay $0x1  }
0x1aa: {  	s26 =	sadd.s32 $0x100, s26;
	[tilespmem:s24+$0xB0] =	vst v0  }
0x1ab: {  	s24 =	sshll.u32 s22, $0x9  }
0x1ac: {  	s25 =	sadd.s32 s24, s8  }
0x1ad: {  	s25 =	sshll.u32 s25, $0x4  }
0x1ae: {  	s25 =	sand.u32 $0x1FFFF000, s25  }
0x1af: {  	s25 =	sadd.s32 s5, s25  }
0x1b0: {  	[hbm4b:s25+s2] =	stream.linear.scatter [tilespmem:s18], [sflag:$0x2], $0x4000, $0x38;
	[tilespmem:$0x16400] =	vst v63  }
0x1b1: {  	s26 =	simm.s32 @!p0 $0x20;
	s28 =	simm.s32 @!p0 $0xA400;
	s25 =	sadd.s32 @!p0 $0x300, s24  }
0x1b2: {  	[tilespmem:s28], [sflag:$0x1] =	stream.indirect.gather @!p0 [hbm4b:s3+s26], $0x40, s25, s26, $0xb8;
	[tilespmem:$0x16400] =	vst v63  }
0x1b3: {  	s25 =	sadd.s32 @!p0 $0x320, s24;
	s28 =	simm.s32 @!p0 $0xAC00  }
0x1b4: {  	[tilespmem:s28], [sflag:$0x1] =	stream.indirect.gather @!p0 [hbm4b:s3+s26], $0x40, s25, s26, $0xb8;
	[tilespmem:$0x16400] =	vst v63  }
0x1b5: {  	s25 =	sadd.s32 @!p0 $0x340, s24;
	s28 =	simm.s32 @!p0 $0xB400  }
0x1b6: {  	[tilespmem:s28], [sflag:$0x1] =	stream.indirect.gather @!p0 [hbm4b:s3+s26], $0x40, s25, s26, $0xb8;
	[tilespmem:$0x16400] =	vst v63  }
0x1b7: {  	s24 =	sadd.s32 @!p0 $0x360, s24;
	s25 =	simm.s32 @!p0 $0xBC00  }
0x1b8: {  	[tilespmem:s25], [sflag:$0x1] =	stream.indirect.gather @!p0 [hbm4b:s3+s26], $0x40, s24, s26, $0xb8;
	[tilespmem:$0x16400] =	vst v63  }
0x1b9: {  	_ =	swait.ge [sflag:s20], $0x4000  }
0x1ba: {  	[sflag:s20] =	ssyncset.done $0x0  }
0x1bb: {  	[sflag:s20] =	ssyncadd.s32 $0xFFFFC000  }
0x1bc: {  	_ =	swait.ge [sflag:s17], $0x800  }
0x1bd: {  	[sflag:s17] =	ssyncset.done $0x0  }
0x1be: {  	[sflag:s17] =	ssyncadd.s32 $0xFFFFF800  }
0x1bf: {  	_ =	swait.ge [sflag:s17], $0x800  }
0x1c0: {  	[sflag:s17] =	ssyncset.done $0x0  }
0x1c1: {  	[sflag:s17] =	ssyncadd.s32 $0xFFFFF800  }
0x1c2: {  	_ =	swait.ge [sflag:s17], $0x800  }
0x1c3: {  	[sflag:s17] =	ssyncset.done $0x0  }
0x1c4: {  	[sflag:s17] =	ssyncadd.s32 $0xFFFFF800  }
0x1c5: {  	_ =	swait.ge [sflag:s17], $0x800  }
0x1c6: {  	[sflag:s17] =	ssyncset.done $0x0  }
0x1c7: {  	s29 =	simm.s32 $0xC4F0;
	[sflag:s17] =	ssyncadd.s32 $0xFFFFF800  }
0x1c8: {  	v0 =	vld [tilespmem:s29+$0xFFFFFF10];
	_ =	sdelay $0x4  }
0x1c9: {  	v0 =	vmul.f32 $8.000000000e+00, v0  }
0x1ca: {  	s24 =	simm.s32 $0x125B0  }
0x1cb: {  	[tilespmem:s24+$0xFFFFFE50] =	vst v0  }
0x1cc: {  	v0 =	vld [tilespmem:s29+$0xFFFFFF20];
	_ =	sdelay $0x4  }
0x1cd: {  	v0 =	vmul.f32 $8.000000000e+00, v0;
	_ =	sdelay $0x1  }
0x1ce: {  	[tilespmem:s24+$0xFFFFFE60] =	vst v0  }
0x1cf: {  	v0 =	vld [tilespmem:s29+$0xFFFFFF30];
	_ =	sdelay $0x4  }
0x1d0: {  	v0 =	vmul.f32 $8.000000000e+00, v0;
	_ =	sdelay $0x1  }
0x1d1: {  	[tilespmem:s24+$0xFFFFFE70] =	vst v0  }
0x1d2: {  	v0 =	vld [tilespmem:s29+$0xFFFFFF40];
	_ =	sdelay $0x4  }
0x1d3: {  	v0 =	vmul.f32 $8.000000000e+00, v0;
	_ =	sdelay $0x1  }
0x1d4: {  	[tilespmem:s24+$0xFFFFFE80] =	vst v0  }
0x1d5: {  	v0 =	vld [tilespmem:s29+$0xFFFFFF50];
	_ =	sdelay $0x4  }
0x1d6: {  	v0 =	vmul.f32 $8.000000000e+00, v0;
	_ =	sdelay $0x1  }
0x1d7: {  	[tilespmem:s24+$0xFFFFFED0] =	vst v0  }
0x1d8: {  	v0 =	vld [tilespmem:s29+$0xFFFFFF60];
	_ =	sdelay $0x4  }
0x1d9: {  	v0 =	vmul.f32 $8.000000000e+00, v0;
	_ =	sdelay $0x1  }
0x1da: {  	[tilespmem:s24+$0xFFFFFEE0] =	vst v0  }
0x1db: {  	v0 =	vld [tilespmem:s29+$0xFFFFFF70];
	_ =	sdelay $0x4  }
0x1dc: {  	v0 =	vmul.f32 $8.000000000e+00, v0;
	_ =	sdelay $0x1  }
0x1dd: {  	[tilespmem:s24+$0xFFFFFEF0] =	vst v0  }
0x1de: {  	v0 =	vld [tilespmem:s29+$0xFFFFFF80];
	_ =	sdelay $0x4  }
0x1df: {  	v0 =	vmul.f32 $8.000000000e+00, v0;
	_ =	sdelay $0x1  }
0x1e0: {  	[tilespmem:s24+$0xFFFFFF00] =	vst v0  }
0x1e1: {  	v0 =	vld [tilespmem:s29+$0xFFFFFF90];
	_ =	sdelay $0x4  }
0x1e2: {  	v0 =	vmul.f32 $8.000000000e+00, v0;
	_ =	sdelay $0x1  }
0x1e3: {  	[tilespmem:s24+$0xFFFFFF50] =	vst v0  }
0x1e4: {  	v0 =	vld [tilespmem:s29+$0xFFFFFFA0];
	_ =	sdelay $0x4  }
0x1e5: {  	v0 =	vmul.f32 $8.000000000e+00, v0;
	_ =	sdelay $0x1  }
0x1e6: {  	[tilespmem:s24+$0xFFFFFF60] =	vst v0  }
0x1e7: {  	v0 =	vld [tilespmem:s29+$0xFFFFFFB0];
	_ =	sdelay $0x4  }
0x1e8: {  	v0 =	vmul.f32 $8.000000000e+00, v0;
	_ =	sdelay $0x1  }
0x1e9: {  	[tilespmem:s24+$0xFFFFFF70] =	vst v0  }
0x1ea: {  	v0 =	vld [tilespmem:s29+$0xFFFFFFC0];
	_ =	sdelay $0x4  }
0x1eb: {  	v0 =	vmul.f32 $8.000000000e+00, v0;
	_ =	sdelay $0x1  }
0x1ec: {  	[tilespmem:s24+$0xFFFFFF80] =	vst v0  }
0x1ed: {  	v0 =	vld [tilespmem:s29+$0xFFFFFFD0];
	_ =	sdelay $0x4  }
0x1ee: {  	v0 =	vmul.f32 $8.000000000e+00, v0;
	_ =	sdelay $0x1  }
0x1ef: {  	[tilespmem:s24+$0xFFFFFFD0] =	vst v0  }
0x1f0: {  	v0 =	vld [tilespmem:s29+$0xFFFFFFE0];
	_ =	sdelay $0x4  }
0x1f1: {  	v0 =	vmul.f32 $8.000000000e+00, v0;
	_ =	sdelay $0x1  }
0x1f2: {  	[tilespmem:s24+$0xFFFFFFE0] =	vst v0  }
0x1f3: {  	v0 =	vld [tilespmem:s29+$0xFFFFFFF0];
	_ =	sdelay $0x4  }
0x1f4: {  	v0 =	vmul.f32 $8.000000000e+00, v0;
	_ =	sdelay $0x1  }
0x1f5: {  	[tilespmem:s24+$0xFFFFFFF0] =	vst v0  }
0x1f6: {  	v0 =	vld [tilespmem:s29+$0x0];
	_ =	sdelay $0x4  }
0x1f7: {  	v0 =	vmul.f32 $8.000000000e+00, v0;
	_ =	sdelay $0x1  }
0x1f8: {  	s25 =	simm.s32 $0x0;
	s26 =	simm.s32 $0xC5F0;
	[tilespmem:s24+$0x0] =	vst v0  }
.LBB2_9:
0x1f9: {  	v0 =	vld [tilespmem:s26+$0xFFFFFF10];
	s25 =	sadd.s32 $0x4, s25  }
0x1fa: {  	p0 =	slt.u32 s25, $0x7C;
	_ =	sdelay $0x3  }
0x1fb: {  	v0 =	vmul.f32 $8.000000000e+00, v0  }
0x1fc: {  	s24 =	sadd.s32 $0x200, s24  }
0x1fd: {  	[tilespmem:s24+$0xFFFFFE50] =	vst v0  }
0x1fe: {  	v0 =	vld [tilespmem:s26+$0xFFFFFF20];
	_ =	sdelay $0x4  }
0x1ff: {  	v0 =	vmul.f32 $8.000000000e+00, v0;
	_ =	sdelay $0x1  }
0x200: {  	[tilespmem:s24+$0xFFFFFE60] =	vst v0  }
0x201: {  	v0 =	vld [tilespmem:s26+$0xFFFFFF30];
	_ =	sdelay $0x4  }
0x202: {  	v0 =	vmul.f32 $8.000000000e+00, v0;
	_ =	sdelay $0x1  }
0x203: {  	[tilespmem:s24+$0xFFFFFE70] =	vst v0  }
0x204: {  	v0 =	vld [tilespmem:s26+$0xFFFFFF40];
	_ =	sdelay $0x4  }
0x205: {  	v0 =	vmul.f32 $8.000000000e+00, v0;
	_ =	sdelay $0x1  }
0x206: {  	[tilespmem:s24+$0xFFFFFE80] =	vst v0  }
0x207: {  	v0 =	vld [tilespmem:s26+$0xFFFFFF50];
	_ =	sdelay $0x4  }
0x208: {  	v0 =	vmul.f32 $8.000000000e+00, v0;
	_ =	sdelay $0x1  }
0x209: {  	[tilespmem:s24+$0xFFFFFED0] =	vst v0  }
0x20a: {  	v0 =	vld [tilespmem:s26+$0xFFFFFF60];
	_ =	sdelay $0x4  }
0x20b: {  	v0 =	vmul.f32 $8.000000000e+00, v0;
	_ =	sdelay $0x1  }
0x20c: {  	[tilespmem:s24+$0xFFFFFEE0] =	vst v0  }
0x20d: {  	v0 =	vld [tilespmem:s26+$0xFFFFFF70];
	_ =	sdelay $0x4  }
0x20e: {  	v0 =	vmul.f32 $8.000000000e+00, v0;
	_ =	sdelay $0x1  }
0x20f: {  	[tilespmem:s24+$0xFFFFFEF0] =	vst v0  }
0x210: {  	v0 =	vld [tilespmem:s26+$0xFFFFFF80];
	_ =	sdelay $0x4  }
0x211: {  	v0 =	vmul.f32 $8.000000000e+00, v0;
	_ =	sdelay $0x1  }
0x212: {  	[tilespmem:s24+$0xFFFFFF00] =	vst v0  }
0x213: {  	v0 =	vld [tilespmem:s26+$0xFFFFFF90];
	_ =	sdelay $0x4  }
0x214: {  	v0 =	vmul.f32 $8.000000000e+00, v0;
	_ =	sdelay $0x1  }
0x215: {  	[tilespmem:s24+$0xFFFFFF50] =	vst v0  }
0x216: {  	v0 =	vld [tilespmem:s26+$0xFFFFFFA0];
	_ =	sdelay $0x4  }
0x217: {  	v0 =	vmul.f32 $8.000000000e+00, v0;
	_ =	sdelay $0x1  }
0x218: {  	[tilespmem:s24+$0xFFFFFF60] =	vst v0  }
0x219: {  	v0 =	vld [tilespmem:s26+$0xFFFFFFB0];
	_ =	sdelay $0x4  }
0x21a: {  	v0 =	vmul.f32 $8.000000000e+00, v0;
	_ =	sdelay $0x1  }
0x21b: {  	[tilespmem:s24+$0xFFFFFF70] =	vst v0  }
0x21c: {  	v0 =	vld [tilespmem:s26+$0xFFFFFFC0];
	_ =	sdelay $0x4  }
0x21d: {  	v0 =	vmul.f32 $8.000000000e+00, v0;
	_ =	sdelay $0x1  }
0x21e: {  	[tilespmem:s24+$0xFFFFFF80] =	vst v0  }
0x21f: {  	v0 =	vld [tilespmem:s26+$0xFFFFFFD0];
	_ =	sdelay $0x4  }
0x220: {  	v0 =	vmul.f32 $8.000000000e+00, v0;
	_ =	sdelay $0x1  }
0x221: {  	[tilespmem:s24+$0xFFFFFFD0] =	vst v0  }
0x222: {  	v0 =	vld [tilespmem:s26+$0xFFFFFFE0];
	_ =	sdelay $0x4  }
0x223: {  	v0 =	vmul.f32 $8.000000000e+00, v0;
	_ =	sdelay $0x1  }
0x224: {  	[tilespmem:s24+$0xFFFFFFE0] =	vst v0  }
0x225: {  	v0 =	vld [tilespmem:s26+$0xFFFFFFF0];
	_ =	sdelay $0x4  }
0x226: {  	v0 =	vmul.f32 $8.000000000e+00, v0;
	_ =	sdelay $0x1  }
0x227: {  	[tilespmem:s24+$0xFFFFFFF0] =	vst v0  }
0x228: {  	v0 =	vld [tilespmem:s26+$0x0];
	_ =	sdelay $0x2  }
.Ltmp3:
0x229: {  	(pc) =	sbr.rel @p0 .LBB2_9-.Ltmp3, $3  }
0x22a: {  	_ = 	snop  }
0x22b: {  	v0 =	vmul.f32 $8.000000000e+00, v0;
	_ =	sdelay $0x1  }
0x22c: {  	s26 =	sadd.s32 $0x100, s26;
	[tilespmem:s24+$0x0] =	vst v0  }
0x22d: {  	s22 =	sadd.s32 $0x1, s22  }
0x22e: {  	p0 =	sne.s32 s22, $0x32  }
.Ltmp4:
0x22f: {  	s23 =	sshll.u32 s23, $0xE;
	(pc) =	sbr.rel @p0 .LBB2_2-.Ltmp4, $4  }
0x230: {  	s23 =	sadd.s32 s4, s23  }
0x231: {  	s23 =	sshrl.u32 s23, $0x3  }
0x232: {  	s23 =	sadd.s32 s5, s23  }
0x233: {  	[hbm4b:s23+s2] =	stream.linear.scatter [tilespmem:s19], [sflag:$0x2], $0x4000, $0x38;
	[tilespmem:$0x16400] =	vst v63  }
0x234: {  	s21 =	sadd.s32 $0x1, s21  }
0x235: {  	_ =	swait.ge [sflag:s20], $0x4000;
	p0 =	sne.s32 s21, s9  }
.Ltmp5:
0x236: {  	[sflag:s20] =	ssyncset.done $0x0;
	(pc) =	sbr.rel @p0 .LBB2_1-.Ltmp5, $4  }
0x237: {  	[sflag:s20] =	ssyncadd.s32 $0xFFFFC000  }
0x238: {  	_ =	swait.ge [sflag:s20], $0x4000  }
0x239: {  	[sflag:s20] =	ssyncset.done $0x0  }
0x23a: {  	[sflag:s20] =	ssyncadd.s32 $0xFFFFC000  }
0x23b: {  	_ =	sfence.sel $0x180000  }
0x23c: {  	[bflag:$0x0] =	sbarrier.arrive $0xFFFF  }
0x23d: {  	_ =	strace $0x90000047  }
0x23e: {  	s0 =	stileid.u32;
	[bflag:$0x2] =	sbarrier.arrive $0xFFFF  }
0x23f: {  	p0 =	sne.s32 s0, $0x0;
	s0 =	rddreg [dreg:$0x2]  }
0x240: {  	s0 =	sadd.s32 @!p0 $0x100000, s0  }
0x241: {  	[sflag:s0] =	ssyncadd.tile.s32 @!p0 $0x1;
	_ =	shalt  }
.Lfunc_end2:
_tile_overlayer_lowered:
.L_overlay_start_2:
0x242: {  	(tag) =	ssettag $0x2  }
0x243: {  	s0 =	rddreg [dreg:$0x0];
	s2 =	stileid.u32  }
0x244: {  	s1 =	rddreg [dreg:$0x1];
	p0 =	sne.s32 s2, $0x0  }
0x245: {  	s3 =	rddreg [dreg:$0x2];
	[bflag:$0x3] =	sbarrier.arrive $0xFFFF;
	s2 =	simm.s32 @!p0 $0x1C03  }
0x246: {  	[timem:s3], [sflag:s2] =	dma.local @!p0 [hbm:s0], s1  }
0x247: {  	s0 =	simm.s32 @!p0 $0x3  }
0x248: {  	_ =	swait.ge @!p0 [sflag:s0], s1  }
0x249: {  	s1 =	ssub.s32 @!p0 $0x0, s1;
	[sflag:s0] =	ssyncset.done @!p0 $0x0  }
0x24a: {  	[sflag:s0] =	ssyncadd.s32 @!p0 s1  }
0x24b: {  	[bflag:$0x3] =	sbarrier.arrive $0xFFFF  }
0x24c: {  	_ =	shalt  }

// kernel: sparse-core-data-format-call.cloned.1.call-start
scs
called_computation_lowered:
.L_overlay_start_0:
0x0: {  	s2 =	sld [smem:$0x3FD9]  }
0x1: {  	s3 =	sld [smem:$0x3FFE];
	_ =	sdelay $0x1  }
0x2: {  	s1 =	srdreg.scid  }
0x3: {  	s0 =	sand.u32 $0x1, s1  }
0x4: {  	s18 =	sshll.u32 s0, $0xA;
	s2 =	sadd.s32 s3, s2  }
0x5: {  	s2 =	sadd.s32 s2, s18  }
0x6: {  	[smem:$0x3FC6] =	sst s2  }
0x7: {  	_ = 	snop  }
0x8: {  	s2 =	sld [smem:$0x3FD0];
	(tm) =	ssettm $0x1  }
0x9: {  	s19 =	sld [smem:$0x3FFB];
	_ =	sdelay $0x3  }
0xa: {  	_ =	strace s19  }
0xb: {  	s3 =	sld [smem:$0x3FFC];
	_ =	sdelay $0x3  }
0xc: {  	_ =	strace s3  }
0xd: {  	s3 =	sld [smem:$0x3FFD];
	_ =	sdelay $0x3  }
0xe: {  	_ =	strace s3  }
0xf: {  	_ =	strace $0x8FFFFFFF  }
0x10: {  	s20 =	sld [smem:$0x3FDB];
	_ =	sdelay $0x1  }
0x11: {  	s4 =	simm.s32 $_scs_section_size  }
0x12: {  	s5 =	simm.s32 $_size__tile_overlayer_lowered;
	s6 =	simm.s32 $_tile_overlayer_lowered  }
0x13: {  	s23 =	simm.s32 $0x1BFF;
	s22 =	sshll.u32 s6, $0x1;
	s3 =	sadd.s32 s4, s20  }
0x14: {  	s7 =	simm.s32 $0x0;
	s21 =	sshll.u32 s5, $0x1;
	s5 =	sadd.s32 s22, s3  }
0x15: {  	[timem:s7], [sflag:s23] =	dma.local [hbm:s5], s21  }
0x16: {  	_ =	swait.ge [sflag:s23], s21  }
0x17: {  	s4 =	ssub.s32 $0x0, s21;
	[sflag:s23] =	ssyncset.done $0x0  }
0x18: {  	[sflag:s23] =	ssyncadd.s32 s4;
	_ =	sdelay $0x1  }
0x19: {  	s24 =	simm.s32 $0x1B8B  }
0x1a: {  	_ =	swait.ge [sflag:s24], $0x1  }
0x1b: {  	[sflag:s24] =	ssyncset.done $0x0  }
0x1c: {  	s26 =	simm.s32 $0x1B8E;
	s25 =	sld [smem:$0x3FFE];
	[sflag:s24] =	ssyncadd.s32 $0xFFFFFFFF  }
0x1d: {  	s27 =	simm.s32 $execute0_lowered;
	[smem:$0x3FD2] =	sst s26  }
0x1e: {  	s5 =	sshll.u32 s27, $0x1;
	_ =	strace $0x80000049;
	[dreg:$0x1] =	wrdreg $0xFFFFFFFF  }
0x1f: {  	s28 =	simm.s32 $_size_execute0_lowered;
	s3 =	sadd.s32 s3, s5;
	[dreg:$0x0] =	wrdreg $0x0  }
0x20: {  	s5 =	sshll.u32 s28, $0x1;
	[dreg:$0x2] =	wrdreg s3  }
0x21: {  	[dreg:$0x3] =	wrdreg s5  }
0x22: {  	[dreg:$0x4] =	wrdreg $0xC0  }
0x23: {  	_ =	task [dreg:s7], $0x5FFFF  }
0x24: {  	[dreg:$0x1] =	wrdreg $0xFFFFFFFF  }
0x25: {  	[dreg:$0x0] =	wrdreg $0x60  }
0x26: {  	[dreg:$0x2] =	wrdreg s25  }
0x27: {  	[dreg:$0x3] =	wrdreg s2  }
0x28: {  	[dreg:$0x4] =	wrdreg $0x9  }
0x29: {  	_ =	task.clear_ibuf [dreg:s7], $0x5FFFF;
	_ =	strace $0x90000049  }
0x2a: {  	s29 =	simm.s32 $0x9;
	_ =	strace $0x8000004B  }
0x2b: {  	_ =	swait.ge [sflag:s29], $0x1  }
0x2c: {  	[sflag:s29] =	ssyncadd.s32 $0xFFFFFFFF  }
0x2d: {  	_ =	strace $0x9000004B  }
0x2e: {  	_ =	sfence  }
0x2f: {  	s30 =	sld [smem:$0x0];
	_ =	sdelay $0x2  }
0x30: {  	s31 =	sshll.u32 s1, $0xD;
	s1 =	sshrl.u32 s1, $0x2  }
0x31: {  	s3 =	sand.u32 $0x4000, s31;
	s1 =	sadd.s32 s1, s30  }
0x32: {  	s0 =	sor.u32 s3, s0;
	s1 =	sshll.u32 s1, $0x11  }
0x33: {  	s0 =	sor.u32 s1, s0  }
0x34: {  	s0 =	sadd.s32 $0x8F2B, s0  }
0x35: {  	[sflag:s0] =	ssyncadd.remote.s32 $0x1  }
0x36: {  	_ =	sfence.sel $0xFFFF  }
0x37: {  	[dreg:$0x0] =	wrdreg $0xFFFFFFFF;
	(pc) =	sbr.abs _section_cstart, $3  }
0x38: {  	[dreg:$0x1] =	wrdreg $0xFFFFFFFF  }
0x39: {  	_ =	task.clear_ibuf [dreg:s7], $0x2FFFF;
	_ =	strace $0x9FFFFFFF  }
0x3a: {  	(tm) =	ssettm $0x7FFFFFFF  }
0x3b: {  	_ =	shalt  }
tec
execute0_lowered:
.L_overlay_start_1:
0x0: {  	(tag) =	ssettag $0x1  }
0x1: {  	s0 =	srdreg.scid  }
0x2: {  	s1 =	sshll.u32 s0, $0x4  }
0x3: {  	s0 =	stileid.u32;
	s1 =	sand.u32 $0x10, s1  }
0x4: {  	s1 =	sor.u32 s0, s1  }
0x5: {  	s6 =	rddreg [dreg:$0x0];
	s4 =	simm.s32 $0x1;
	s2 =	sshll.u32 s1, $0x7  }
0x6: {  	s7 =	simm.s32 $0x2;
	s12 =	simm.s32 $0x0;
	s1 =	ssub.s32 $0x1000, s2  }
0x7: {  	s8 =	simm.s32 $0x8000;
	s13 =	simm.s32 $0x0;
	s3 =	sand.u32 $0xF80, s1  }
0x8: {  	s9 =	simm.s32 $0x0;
	s5 =	sshrl.u32 s1, $0xC;
	p0 =	sne.s32 s3, $0x0  }
.Ltmp0:
0x9: {  	s1 =	rddreg [dreg:$0x2];
	s4 =	simm.s32 @!p0 $0x0;
	(pc) =	sbr.rel .LBB1_1-.Ltmp0, $4  }
0xa: {  	s11 =	simm.s32 $0x0;
	s3 =	rddreg [dreg:$0x1];
	s5 =	sadd.s32 s4, s5  }
0xb: {  	_ =	strace $0x8000004A;
	s4 =	simm.s32 $0x1;
	s5 =	smul.u32 $0xC8, s5  }
0xc: {  	s6 =	sadd.s32 $0xA00, s6;
	s10 =	smov.u32 s2;
	[sflag:s4] =	ssyncpa.u1 $0x0  }
0xd: {  	p0 =	por $0x0, $0x0;
	[sflag:s7] =	ssyncpa.u1 $0x0;
	s7 =	sor.u32 $0x1, s5  }
.LBB1_4:
0xe: {  	s16 =	sshll.u32 s13, $0x3;
	s17 =	sand.u32 $0x78, s13  }
0xf: {  	s30 =	sand.u32 $0x7E00, s13;
	s12 =	sshll.u32 s12, $0xF;
	s16 =	sand.u32 $0xC00, s16  }
0x10: {  	[tilespmem:s15+$0x810 ss:$0x81] =	vst.msk $0xffff, v2;
	s31 =	sand.u32 $0x7, s13;
	s16 =	sor.u32 s17, s16;
	s17 =	sadd.s32 s3, s30  }
0x11: {  	[tilespmem:s15+$0x1020 ss:$0x81] =	vst.msk $0xffff, v0;
	s13 =	sshll.u32 s31, $0x12;
	s12 =	sadd.s32 s12, s17;
	s16 =	sshrl.u32 s16, $0x3  }
0x12: {  	[tilespmem:s15+$0x0 ss:$0x81] =	vst.msk $0xffff, v1;
	s13 =	sor.u32 $0x400, s13;
	s12 =	sadd.s32 s16, s12  }
0x13: {  	[hbm4b:s12+s13] =	stream.strided.scatter [tilespmem:s14], [sflag:$0x2], $0x2000, s8, s13, $0x20;
	[tilespmem:$0x8080] =	vst v63  }
.LBB1_5:
0x14: {  	s14 =	sadd.s32 $0x1, s9  }
0x15: {  	s12 =	sadd.s32 $0x1000, s10;
	s16 =	smov.u32 s10;
	p2 =	sgt.s32 s14, $0xC7  }
0x16: {  	s16 =	smov.u32 @p2 s12  }
0x17: {  	s14 =	simm.s32 @p2 $0x0;
	p2 =	sgt.s32 s16, $0xFFF  }
0x18: {  	s16 =	smov.u32 @p2 s2;
	p2 =	sne.s32 s11, s7  }
.Ltmp1:
0x19: {  	p1 =	slt.u32 s11, $0x2;
	(pc) =	sbr.rel @!p2 .LBB1_6-.Ltmp1, $4  }
0x1a: {  	s15 =	simm.s32 @!p1 $0x2  }
0x1b: {  	s13 =	smov.u32 s10;
	p0 =	por !p0, !p0;
	_ =	swait.ge @!p1 [sflag:s15], $0x2000  }
0x1c: {  	s12 =	smov.u32 s9;
	[sflag:s15] =	ssyncset.done @!p1 $0x0;
	s9 =	smov.u32 s14  }
0x1d: {  	s11 =	sadd.s32 $0x1, s11;
	[sflag:s15] =	ssyncadd.s32 @!p1 $0xFFFFE000;
	s10 =	smov.u32 s16  }
.LBB1_1:
0x1e: {  	p1 =	sge.u32 s11, s5  }
0x1f: {  	s14 =	sand.u32 @!p1 $0x1FFFFFF, s9  }
0x20: {  	s15 =	smulhi.u32 @!p1 $0x147AE15, s14;
	_ =	sdelay $0x1  }
0x21: {  	s15 =	smul.u32 @!p1 $0xC8, s15  }
0x22: {  	s16 =	sxor.u32 @!p1 $0xFFFFFFFF, s11;
	s17 =	smul.u32 @!p1 $0xC80, s10  }
0x23: {  	s31 =	sadd.s32 $0xFFFFFFFF, s11;
	s16 =	sshll.u32 @!p1 s16, $0xD;
	s14 =	ssub.s32 @!p1 s14, s15  }
0x24: {  	s15 =	sand.u32 @!p1 $0x2000, s16;
	s16 =	sadd.s32 @!p1 s6, s17;
	s14 =	sshll.u32 @!p1 s14, $0x4  }
0x25: {  	s17 =	simm.s32 @!p1 $0x6400;
	s14 =	sadd.s32 @!p1 s14, s16;
	s16 =	simm.s32 @!p1 $0x40  }
0x26: {  	[tilespmem:s15], [sflag:$0x1] =	stream.strided.gather @!p1 [hbm4b:s14+s16], $0x2000, s17, s16, $0x38;
	[tilespmem:$0x8080] =	vst v63  }
0x27: {  	p1 =	sge.u32 s31, s5  }
.Ltmp2:
0x28: {  	_ = 	snop;
	(pc) =	sbr.rel @p1 .LBB1_5-.Ltmp2, $1  }
0x29: {  	_ =	sdelay $0x3  }
0x2a: {  	s14 =	simm.s32 $0x1  }
0x2b: {  	_ =	swait.ge [sflag:s4], $0x2000;
	s14 =	simm.s32 @!p0 $0x0  }
0x2c: {  	[sflag:s4] =	ssyncset.done $0x0;
	s15 =	sshll.u32 s14, $0xD  }
0x2d: {  	[sflag:s4] =	ssyncadd.s32 $0xFFFFE000;
	s18 =	sor.u32 $0x20, s15  }
0x2e: {  	s14 =	smul.u32 $0x8100, s14;
	v3 =	vld [tilespmem:s18+$0x10]  }
0x2f: {  	s30 =	sand.u32 $0x1, s11;
	v2 =	vld [tilespmem:s18+$0xFFFFFFF0]  }
0x30: {  	s15 =	smul.u32 $0x8100, s30;
	s14 =	sshrl.u32 s14, $0x2;
	v0 =	vld [tilespmem:s18+$0x0]  }
0x31: {  	v1 =	vld [tilespmem:s18+$0xFFFFFFE0];
	s16 =	sor.u32 $0x4000, s14  }
0x32: {  	s31 =	sshrl.u32 s15, $0x2;
	s15 =	sadd.s32 $0x0, s16  }
0x33: {  	s17 =	simm.s32 $0x4;
	s18 =	sadd.s32 $0x40, s18;
	s14 =	sor.u32 $0x4000, s31;
	[tilespmem:s15+$0x1830 ss:$0x81] =	vst.msk $0xffff, v3  }
.LBB1_3:
0x34: {  	v3 =	vld [tilespmem:s18+$0x10];
	p1 =	sne.s32 s17, $0x1FC;
	[tilespmem:s15+$0x810 ss:$0x81] =	vst.msk $0xffff, v2;
	s19 =	smov.u32 s17;
	s17 =	sadd.s32 $0x4, s17  }
.Ltmp3:
0x35: {  	v2 =	vld [tilespmem:s18+$0xFFFFFFF0];
	[tilespmem:s15+$0x1020 ss:$0x81] =	vst.msk $0xffff, v0;
	(pc) =	sbr.rel @p1 .LBB1_3-.Ltmp3, $4  }
0x36: {  	v0 =	vld [tilespmem:s18+$0x0];
	[tilespmem:s15+$0x0 ss:$0x81] =	vst.msk $0xffff, v1  }
0x37: {  	s15 =	sshra.s32 s19, $0x2;
	v1 =	vld [tilespmem:s18+$0xFFFFFFE0]  }
0x38: {  	s15 =	sadd.s32 s15, s16  }
0x39: {  	s18 =	sadd.s32 $0x40, s18;
	[tilespmem:s15+$0x1830 ss:$0x81] =	vst.msk $0xffff, v3  }
.Ltmp4:
0x3a: {  	_ = 	snop;
	(pc) =	sbr.rel .LBB1_4-.Ltmp4, $1  }
0x3b: {  	_ =	sdelay $0x3  }
.LBB1_6:
0x3c: {  	_ =	sfence.sel $0x180000  }
0x3d: {  	s2 =	simm.s32 $0x1;
	[bflag:$0x0] =	sbarrier.arrive $0xFFFF  }
0x3e: {  	s31 =	simm.s32 $0x2;
	[sflag:s2] =	ssyncpa.u1 $0x1  }
0x3f: {  	[sflag:s31] =	ssyncpa.u1 $0x1  }
0x40: {  	p0 =	sne.s32 s0, $0x0;
	_ =	strace $0x9000004A  }
0x41: {  	s0 =	sadd.s32 @!p0 $0x100000, s1;
	[bflag:$0x2] =	sbarrier.arrive $0xFFFF  }
0x42: {  	[sflag:s0] =	ssyncadd.tile.s32 @!p0 $0x1;
	_ =	shalt  }
.Lfunc_end1:
_tile_overlayer_lowered:
.L_overlay_start_2:
0x43: {  	(tag) =	ssettag $0x2  }
0x44: {  	s0 =	rddreg [dreg:$0x0];
	s2 =	stileid.u32  }
0x45: {  	s1 =	rddreg [dreg:$0x1];
	p0 =	sne.s32 s2, $0x0  }
0x46: {  	s3 =	rddreg [dreg:$0x2];
	[bflag:$0x3] =	sbarrier.arrive $0xFFFF;
	s2 =	simm.s32 @!p0 $0x1C01  }
0x47: {  	[timem:s3], [sflag:s2] =	dma.local @!p0 [hbm:s0], s1  }
0x48: {  	s0 =	simm.s32 @!p0 $0x1  }
0x49: {  	_ =	swait.ge @!p0 [sflag:s0], s1  }
0x4a: {  	s1 =	ssub.s32 @!p0 $0x0, s1;
	[sflag:s0] =	ssyncset.done @!p0 $0x0  }
0x4b: {  	[sflag:s0] =	ssyncadd.s32 @!p0 s1  }
0x4c: {  	[bflag:$0x3] =	sbarrier.arrive $0xFFFF  }
0x4d: {  	_ =	shalt  }

</sc_bundles>
